<compile_context>
chip_gen: v7x
topology: tpu7x:2x2x1
jax: 0.10.2.dev20260603
libtpu: 0.0.44.dev20260713+nightly
codegen_flags: <defaults>
</compile_context>

<pallas_src>
import jax
import jax.numpy as jnp
from jax import lax
from jax.experimental import pallas as pl
from jax.experimental.pallas import tpu as pltpu
from jax.experimental.pallas import tpu_sc as plsc

_B = 16384
_H = 50
_GL = 8
_NC = 2
_NS = 16
_NW = _NC * _NS
_RPW = _B // _NW
_R = 16
_NCHUNK = _RPW // _R

_NH = _R * _H
_NG = _R * _GL

_HPIECES = [(0, 128), (128, 128), (256, 128), (384, 128),
            (512, 128), (640, 128), (768, 32)]

_OUT_D = 374


def _sc_body(sid, city, lang, agec, gend, rvia, sst, ssn, stype,
             rit, expd, agen, ten, yy, slen,
             qh, qc, ah, ac, am, gid, glen,
             t_song, t_art, t_genre, t_city, t_gr, t_agec, t_lang, t_ctx,
             out,
             idx_s, w_s, rows_s, idx_a, w_ac, w_am, rows_a,
             idx_g, w_g, rows_g,
             idx_sml, scal_buf,
             rows_sid, buf_city, buf_lang, buf_agec, buf_gr, buf_ctx,
             acc_gen, out_buf,
             sem_a, sem_b, sem_g, sem_s, sem_o):
    wid = lax.axis_index("s") * _NC + lax.axis_index("c")
    base = wid * _RPW
    lane = lax.iota(jnp.int32, 16)
    gdn = lax.GatherDimensionNumbers(offset_dims=(), collapsed_slice_dims=(0,),
                                     start_index_map=(0,))

    def bcastl(vec, r):
        idx = jnp.bitwise_and(lane * 0 + r, 15)[:, None]
        return lax.gather(vec, idx, gdn, (1,),
                          mode=lax.GatherScatterMode.PROMISE_IN_BOUNDS)

    lanef = lane.astype(jnp.float32)
    m0 = jnp.maximum(1.0 - lanef, 0.0)
    m1 = jnp.maximum(1.0 - jnp.abs(lanef - 1.0), 0.0)

    def lane0(vec):
        idx = jnp.bitwise_and(lane, 0)[:, None]
        return lax.gather(vec, idx, gdn, (1,),
                          mode=lax.GatherScatterMode.PROMISE_IN_BOUNDS)

    def wsum_into(rows, wlist, nh, d, acc_ref, cols, stride, unroll):
        nj = d // 16
        nw = len(wlist)

        def row_body(r, carry):
            rp = r * nh

            def h_body(h0, accs):
                accs = list(accs)
                for k in range(unroll):
                    p = rp + h0 * unroll + k
                    rs = [rows[p, pl.ds(j * 16, 16)] for j in range(nj)]
                    ws = [lane0(w[pl.ds(p, 16)]) for w in wlist]
                    accs = [accs[i * nj + j] + rs[j] * ws[i]
                            for i in range(nw) for j in range(nj)]
                return tuple(accs)

            init = tuple(jnp.zeros((16,), jnp.float32)
                         for _ in range(nw * nj))
            accs = lax.fori_loop(0, nh // unroll, h_body, init)
            for i in range(nw):
                for j in range(nj):
                    acc_ref[pl.ds(r * stride + cols[i] + j * 16, 16)] = \
                        accs[i * nj + j]
            return carry

        lax.fori_loop(0, _R, row_body, 0)

    def chunk_body(c, carry):
        row0 = base + c * _R
        rows_slice = pl.ds(row0, _R)
        hoff = row0 * _H
        goff = row0 * _GL

        pltpu.sync_copy(qh.at[pl.ds(hoff, _NH)], idx_s)
        pltpu.sync_copy(ah.at[pl.ds(hoff, _NH)], idx_a)
        song_cps = [pltpu.async_copy(t_song.at[idx_s.at[pl.ds(o, n)]],
                                     rows_s.at[pl.ds(o, n)], sem_a)
                    for o, n in _HPIECES]
        art_cps = [pltpu.async_copy(t_art.at[idx_a.at[pl.ds(o, n)]],
                                    rows_a.at[pl.ds(o, n)], sem_b)
                   for o, n in _HPIECES]

        idx_srcs = [sid, city, lang, agec, gend, rvia, sst, ssn, stype]
        idx_cps = [pltpu.async_copy(a.at[rows_slice],
                                    idx_sml.at[pl.ds(k * 16, 16)], sem_s)
                   for k, a in enumerate(idx_srcs)]
        scal_srcs = [rit, expd, agen, ten, yy, slen]
        scal_cps = [pltpu.async_copy(a.at[rows_slice],
                                     scal_buf.at[pl.ds(k * 16, 16)], sem_s)
                    for k, a in enumerate(scal_srcs)]

        pltpu.sync_copy(qc.at[pl.ds(hoff, _NH)], w_s.at[pl.ds(0, _NH)])
        pltpu.sync_copy(ac.at[pl.ds(hoff, _NH)], w_ac.at[pl.ds(0, _NH)])
        pltpu.sync_copy(am.at[pl.ds(hoff, _NH)], w_am.at[pl.ds(0, _NH)])

        pltpu.sync_copy(gid.at[pl.ds(goff, _NG)], idx_g)
        pltpu.sync_copy(glen.at[pl.ds(goff, _NG)], w_g.at[pl.ds(0, _NG)])
        genre_cp = pltpu.async_copy(t_genre.at[idx_g], rows_g, sem_g)

        for cp in idx_cps:
            cp.wait()
        cidx_gr = (idx_sml[pl.ds(64, 16)] * 10 + idx_sml[pl.ds(80, 16)])
        cidx_ctx = (idx_sml[pl.ds(96, 16)] * 375
                    + idx_sml[pl.ds(112, 16)] * 15
                    + idx_sml[pl.ds(128, 16)])
        sml_cps = [
            pltpu.async_copy(t_song.at[idx_sml.at[pl.ds(0, 16)]],
                             rows_sid, sem_g),
            pltpu.async_copy(t_city.at[idx_sml.at[pl.ds(16, 16)]],
                             buf_city, sem_g),
            pltpu.async_copy(t_lang.at[idx_sml.at[pl.ds(32, 16)]],
                             buf_lang, sem_g),
            pltpu.async_copy(t_agec.at[idx_sml.at[pl.ds(48, 16)]],
                             buf_agec, sem_g),
            pltpu.async_copy(t_gr.at[cidx_gr], buf_gr, sem_g),
            pltpu.async_copy(t_ctx.at[cidx_ctx], buf_ctx, sem_g),
        ]
        genre_cp.wait()
        wsum_into(rows_g, [w_g], _GL, 32, acc_gen, [0], 32, 4)
        for cp in sml_cps:
            cp.wait()
        for cp in scal_cps:
            cp.wait()

        def asm_body(r, carry):
            def pair(ka, kb):
                return (bcastl(scal_buf[pl.ds(ka * 16, 16)], r) * m0
                        + bcastl(scal_buf[pl.ds(kb * 16, 16)], r) * m1)

            o = r * _OUT_D
            out_buf[pl.ds(o + 0, 16)] = buf_city[r, pl.ds(0, 16)]
            out_buf[pl.ds(o + 16, 16)] = buf_gr[r, pl.ds(0, 16)]
            out_buf[pl.ds(o + 32, 16)] = pair(0, 1)
            out_buf[pl.ds(o + 34, 16)] = buf_agec[r, pl.ds(0, 16)]
            out_buf[pl.ds(o + 42, 16)] = pair(2, 3)
            for j in range(4):
                out_buf[pl.ds(o + 236 + j * 16, 16)] = \
                    rows_sid[r, pl.ds(j * 16, 16)]
            out_buf[pl.ds(o + 300, 16)] = buf_lang[r, pl.ds(0, 16)]
            out_buf[pl.ds(o + 316, 16)] = pair(4, 5)
            out_buf[pl.ds(o + 318, 16)] = acc_gen[pl.ds(r * 32, 16)]
            out_buf[pl.ds(o + 334, 16)] = acc_gen[pl.ds(r * 32 + 16, 16)]
            out_buf[pl.ds(o + 350, 16)] = buf_ctx[r, pl.ds(0, 16)]
            out_buf[pl.ds(o + 358, 16)] = buf_ctx[r, pl.ds(8, 16)]
            return carry

        lax.fori_loop(0, _R, asm_body, 0)

        for cp in song_cps:
            cp.wait()
        wsum_into(rows_s, [w_s], _H, 64, out_buf, [44], _OUT_D, 10)
        for cp in art_cps:
            cp.wait()
        wsum_into(rows_a, [w_ac, w_am], _H, 64, out_buf, [108, 172],
                  _OUT_D, 10)

        pltpu.async_copy(out_buf, out.at[pl.ds(row0 * _OUT_D, _R * _OUT_D)],
                         sem_o).wait()
        return carry

    lax.fori_loop(0, _NCHUNK, chunk_body, 0)


@jax.jit
def _run(sid, city, lang, agec, gend, rvia, sst, ssn, stype,
         rit, expd, agen, ten, yy, slen,
         qh, qc, ah, ac, am, gid, glen,
         t_song, t_art, t_genre, t_city, t_gr, t_agec, t_lang, t_ctx):
    mesh = plsc.VectorSubcoreMesh(core_axis_name="c", subcore_axis_name="s")
    k = pl.kernel(
        _sc_body,
        out_type=jax.ShapeDtypeStruct((_B * _OUT_D,), jnp.float32),
        mesh=mesh,
        compiler_params=pltpu.CompilerParams(use_tc_tiling_on_sc=False),
        scratch_types=[
            pltpu.VMEM((_NH,), jnp.int32),
            pltpu.VMEM((_NH + 16,), jnp.float32),
            pltpu.VMEM((_NH, 64), jnp.float32),
            pltpu.VMEM((_NH,), jnp.int32),
            pltpu.VMEM((_NH + 16,), jnp.float32),
            pltpu.VMEM((_NH + 16,), jnp.float32),
            pltpu.VMEM((_NH, 64), jnp.float32),
            pltpu.VMEM((_NG,), jnp.int32),
            pltpu.VMEM((_NG + 16,), jnp.float32),
            pltpu.VMEM((_NG, 32), jnp.float32),
            pltpu.VMEM((144,), jnp.int32),
            pltpu.VMEM((96,), jnp.float32),
            pltpu.VMEM((_R, 64), jnp.float32),
            pltpu.VMEM((_R, 16), jnp.float32),
            pltpu.VMEM((_R, 16), jnp.float32),
            pltpu.VMEM((_R, 16), jnp.float32),
            pltpu.VMEM((_R, 16), jnp.float32),
            pltpu.VMEM((_R, 32), jnp.float32),
            pltpu.VMEM((_R * 32,), jnp.float32),
            pltpu.VMEM((_R * _OUT_D,), jnp.float32),
            pltpu.SemaphoreType.DMA,
            pltpu.SemaphoreType.DMA,
            pltpu.SemaphoreType.DMA,
            pltpu.SemaphoreType.DMA,
            pltpu.SemaphoreType.DMA,
        ],
    )
    return k(sid, city, lang, agec, gend, rvia, sst, ssn, stype,
             rit, expd, agen, ten, yy, slen,
             qh, qc, ah, ac, am, gid, glen,
             t_song, t_art, t_genre, t_city, t_gr, t_agec, t_lang, t_ctx)


def kernel(city, gender, registered_via, msno_age_catg, registration_init_time,
           expiration_date, msno_age_num, msno_tenure,
           msno_pos_query_hist, msno_pos_query_count,
           msno_artist_name_hist, msno_artist_name_count, msno_artist_name_mean,
           song_id, language, song_yy, song_length,
           genre_ids, song_genre_ids_len,
           source_system_tab, source_screen_name, source_type,
           emb_song, emb_artist, emb_genre, emb_city, emb_gender,
           emb_registered_via, emb_msno_age_catg, emb_language,
           emb_sst, emb_ssn, emb_stype):
    t_gr = jnp.concatenate([jnp.repeat(emb_gender, 10, axis=0),
                            jnp.tile(emb_registered_via, (3, 1))], axis=1)
    z = jnp.zeros((10, 25, 15, 8), jnp.float32)
    t_ctx = jnp.concatenate([
        jnp.broadcast_to(emb_sst[:, None, None, :], (10, 25, 15, 8)),
        jnp.broadcast_to(emb_ssn[None, :, None, :], (10, 25, 15, 8)),
        jnp.broadcast_to(emb_stype[None, None, :, :], (10, 25, 15, 8)),
        z], axis=3).reshape(3750, 32)
    t_agec = jnp.pad(emb_msno_age_catg, ((0, 0), (0, 8)))
    flat = _run(song_id, city, language, msno_age_catg,
                gender, registered_via,
                source_system_tab, source_screen_name, source_type,
                registration_init_time, expiration_date,
                msno_age_num, msno_tenure, song_yy, song_length,
                msno_pos_query_hist.reshape(-1), msno_pos_query_count.reshape(-1),
                msno_artist_name_hist.reshape(-1),
                msno_artist_name_count.reshape(-1),
                msno_artist_name_mean.reshape(-1),
                genre_ids.reshape(-1), song_genre_ids_len.reshape(-1),
                emb_song, emb_artist, emb_genre, emb_city, t_gr, t_agec,
                emb_language, t_ctx)
    return flat.reshape(_B, _OUT_D)

# --- scband reference (transcript-rebuilt; emitter-appended) ---
"""Pipeline reference for scband-neu-mfmodel-21157008900707 (READ-ONLY COPY).

The authoritative reference and input builder live on the scoring server;
editing this copy changes nothing except your own understanding.
"""

import jax, jax.numpy as jnp
import numpy as np

B = 16384
HIST = 50
GENRE_L = 8

def setup_inputs(seed: int = 0):
    key = jax.random.key(seed)
    ks = jax.random.split(key, 40)
    def ri(i, shape, hi):
        return jax.random.randint(ks[i], shape, 0, hi, dtype=jnp.int32)
    def rn(i, shape):
        return jax.random.normal(ks[i], shape, dtype=jnp.float32)
    def ru(i, shape):
        return jax.random.uniform(ks[i], shape, dtype=jnp.float32)
    inp = {
        'city': ri(0, (B,), 25),
        'gender': ri(1, (B,), 3),
        'registered_via': ri(2, (B,), 10),
        'msno_age_catg': ri(3, (B,), 12),
        'registration_init_time': rn(4, (B,)),
        'expiration_date': rn(5, (B,)),
        'msno_age_num': rn(6, (B,)),
        'msno_tenure': rn(7, (B,)),
        'msno_pos_query_hist': ri(8, (B, HIST), 1000000),
        'msno_pos_query_count': ru(9, (B, HIST)),
        'msno_artist_name_hist': ri(10, (B, HIST), 100000),
        'msno_artist_name_count': ru(11, (B, HIST)),
        'msno_artist_name_mean': ru(12, (B, HIST)),
        'song_id': ri(13, (B,), 1000000),
        'language': ri(14, (B,), 50),
        'song_yy': rn(15, (B,)),
        'song_length': rn(16, (B,)),
        'genre_ids': ri(17, (B, GENRE_L), 1000),
        'song_genre_ids_len': ru(18, (B, GENRE_L)),
        'source_system_tab': ri(19, (B,), 10),
        'source_screen_name': ri(20, (B,), 25),
        'source_type': ri(21, (B,), 15),
        'emb_song': rn(22, (1000000, 64)) * 0.01,
        'emb_artist': rn(23, (100000, 64)) * 0.01,
        'emb_genre': rn(24, (1000, 32)) * 0.01,
        'emb_city': rn(25, (25, 16)) * 0.01,
        'emb_gender': rn(26, (3, 8)) * 0.01,
        'emb_registered_via': rn(27, (10, 8)) * 0.01,
        'emb_msno_age_catg': rn(28, (12, 8)) * 0.01,
        'emb_language': rn(29, (50, 16)) * 0.01,
        'emb_sst': rn(30, (10, 8)) * 0.01,
        'emb_ssn': rn(31, (25, 8)) * 0.01,
        'emb_stype': rn(32, (15, 8)) * 0.01,
    }
    return inp

def _wsum(table, idx, w):
    # weighted_sum: embedding lookup over history ids, weighted sum along the history axis
    e = jnp.take(table, idx, axis=0)
    return jnp.sum(e * w[..., None], axis=1)

def reference(city, gender, registered_via, msno_age_catg, registration_init_time,
              expiration_date, msno_age_num, msno_tenure,
              msno_pos_query_hist, msno_pos_query_count,
              msno_artist_name_hist, msno_artist_name_count, msno_artist_name_mean,
              song_id, language, song_yy, song_length,
              genre_ids, song_genre_ids_len,
              source_system_tab, source_screen_name, source_type,
              emb_song, emb_artist, emb_genre, emb_city, emb_gender,
              emb_registered_via, emb_msno_age_catg, emb_language,
              emb_sst, emb_ssn, emb_stype):
    # members branch
    members = jnp.concatenate([
        jnp.take(emb_city, city, axis=0),
        jnp.take(emb_gender, gender, axis=0),
        jnp.take(emb_registered_via, registered_via, axis=0),
        registration_init_time[:, None],
        expiration_date[:, None],
        jnp.take(emb_msno_age_catg, msno_age_catg, axis=0),
        msno_age_num[:, None],
        msno_tenure[:, None],
        _wsum(emb_song, msno_pos_query_hist, msno_pos_query_count),
        _wsum(emb_artist, msno_artist_name_hist, msno_artist_name_count),
        _wsum(emb_artist, msno_artist_name_hist, msno_artist_name_mean),
    ], axis=1)
    # songs branch
    songs = jnp.concatenate([
        jnp.take(emb_song, song_id, axis=0),
        jnp.take(emb_language, language, axis=0),
        song_yy[:, None],
        song_length[:, None],
        _wsum(emb_genre, genre_ids, song_genre_ids_len),
    ], axis=1)
    # context branch
    context = jnp.concatenate([
        jnp.take(emb_sst, source_system_tab, axis=0),
        jnp.take(emb_ssn, source_screen_name, axis=0),
        jnp.take(emb_stype, source_type, axis=0),
    ], axis=1)
    return jnp.concatenate([members, songs, context], axis=1)

if __name__ == "__main__":
    import jax
    _d = setup_inputs()
    print(jax.jit(kernel)(*tuple(_d.values())))

</pallas_src>

<mosaic_0001>
#map = affine_map<(d0, d1) -> (0)>
#map1 = affine_map<(d0, d1) -> (0, 0)>
module attributes {stable_mosaic.version = 14 : i64} {
  func.func @_sc_body(%arg0: i32, %arg1: i32, %arg2: memref<16384xi32, #tpu.memory_space<hbm>>, %arg3: memref<16384xi32, #tpu.memory_space<hbm>>, %arg4: memref<16384xi32, #tpu.memory_space<hbm>>, %arg5: memref<16384xi32, #tpu.memory_space<hbm>>, %arg6: memref<16384xi32, #tpu.memory_space<hbm>>, %arg7: memref<16384xi32, #tpu.memory_space<hbm>>, %arg8: memref<16384xi32, #tpu.memory_space<hbm>>, %arg9: memref<16384xi32, #tpu.memory_space<hbm>>, %arg10: memref<16384xi32, #tpu.memory_space<hbm>>, %arg11: memref<16384xf32, #tpu.memory_space<hbm>>, %arg12: memref<16384xf32, #tpu.memory_space<hbm>>, %arg13: memref<16384xf32, #tpu.memory_space<hbm>>, %arg14: memref<16384xf32, #tpu.memory_space<hbm>>, %arg15: memref<16384xf32, #tpu.memory_space<hbm>>, %arg16: memref<16384xf32, #tpu.memory_space<hbm>>, %arg17: memref<819200xi32, #tpu.memory_space<hbm>>, %arg18: memref<819200xf32, #tpu.memory_space<hbm>>, %arg19: memref<819200xi32, #tpu.memory_space<hbm>>, %arg20: memref<819200xf32, #tpu.memory_space<hbm>>, %arg21: memref<819200xf32, #tpu.memory_space<hbm>>, %arg22: memref<131072xi32, #tpu.memory_space<hbm>>, %arg23: memref<131072xf32, #tpu.memory_space<hbm>>, %arg24: memref<1000000x64xf32, #tpu.memory_space<hbm>>, %arg25: memref<100000x64xf32, #tpu.memory_space<hbm>>, %arg26: memref<1000x32xf32, #tpu.memory_space<hbm>>, %arg27: memref<25x16xf32, #tpu.memory_space<hbm>>, %arg28: memref<30x16xf32, #tpu.memory_space<hbm>>, %arg29: memref<12x16xf32, #tpu.memory_space<hbm>>, %arg30: memref<50x16xf32, #tpu.memory_space<hbm>>, %arg31: memref<3750x32xf32, #tpu.memory_space<hbm>>, %arg32: memref<6127616xf32, #tpu.memory_space<hbm>>, %arg33: memref<800xi32, #tpu.memory_space<vmem>>, %arg34: memref<816xf32, #tpu.memory_space<vmem>>, %arg35: memref<800x64xf32, #tpu.memory_space<vmem>>, %arg36: memref<800xi32, #tpu.memory_space<vmem>>, %arg37: memref<816xf32, #tpu.memory_space<vmem>>, %arg38: memref<816xf32, #tpu.memory_space<vmem>>, %arg39: memref<800x64xf32, #tpu.memory_space<vmem>>, %arg40: memref<128xi32, #tpu.memory_space<vmem>>, %arg41: memref<144xf32, #tpu.memory_space<vmem>>, %arg42: memref<128x32xf32, #tpu.memory_space<vmem>>, %arg43: memref<144xi32, #tpu.memory_space<vmem>>, %arg44: memref<96xf32, #tpu.memory_space<vmem>>, %arg45: memref<16x64xf32, #tpu.memory_space<vmem>>, %arg46: memref<16x16xf32, #tpu.memory_space<vmem>>, %arg47: memref<16x16xf32, #tpu.memory_space<vmem>>, %arg48: memref<16x16xf32, #tpu.memory_space<vmem>>, %arg49: memref<16x16xf32, #tpu.memory_space<vmem>>, %arg50: memref<16x32xf32, #tpu.memory_space<vmem>>, %arg51: memref<512xf32, #tpu.memory_space<vmem>>, %arg52: memref<5984xf32, #tpu.memory_space<vmem>>, %arg53: memref<!tpu.dma_semaphore, #tpu.memory_space<semaphore_mem>>, %arg54: memref<!tpu.dma_semaphore, #tpu.memory_space<semaphore_mem>>, %arg55: memref<!tpu.dma_semaphore, #tpu.memory_space<semaphore_mem>>, %arg56: memref<!tpu.dma_semaphore, #tpu.memory_space<semaphore_mem>>, %arg57: memref<!tpu.dma_semaphore, #tpu.memory_space<semaphore_mem>>) attributes {dimension_semantics = [#tpu.dimension_semantics<core_parallel>, #tpu.dimension_semantics<subcore_parallel>], iteration_bounds = array<i64: 2, 16>, scalar_prefetch = 0 : i64, scratch_operands = 25 : i64, tpu.core_type = #tpu.core_type<sc_vector_subcore>, window_params = [{transform_indices = #map}, {transform_indices = #map}, {transform_indices = #map}, {transform_indices = #map}, {transform_indices = #map}, {transform_indices = #map}, {transform_indices = #map}, {transform_indices = #map}, {transform_indices = #map}, {transform_indices = #map}, {transform_indices = #map}, {transform_indices = #map}, {transform_indices = #map}, {transform_indices = #map}, {transform_indices = #map}, {transform_indices = #map}, {transform_indices = #map}, {transform_indices = #map}, {transform_indices = #map}, {transform_indices = #map}, {transform_indices = #map}, {transform_indices = #map}, {transform_indices = #map1}, {transform_indices = #map1}, {transform_indices = #map1}, {transform_indices = #map1}, {transform_indices = #map1}, {transform_indices = #map1}, {transform_indices = #map1}, {transform_indices = #map1}, {transform_indices = #map}]} {
    %mul3A = arith.constant 2 : i32
    %mul3A_0 = arith.muli %arg1, %mul3A : i32
    %add3A = arith.addi %mul3A_0, %arg0 : i32
    %mul3A_1 = arith.constant 512 : i32
    %mul3A_2 = arith.muli %add3A, %mul3A_1 : i32
    %iota3A = tpu.iota {dimensions = array<i32: 0>} : vector<16xi32>
    %convert_element_type3A = arith.sitofp %iota3A : vector<16xi32> to vector<16xf32>
    %sub3A = arith.constant 1.000000e+00 : f32
    %sub3A_3 = vector.broadcast %sub3A : f32 to vector<16xf32>
    %sub3A_4 = arith.subf %sub3A_3, %convert_element_type3A : vector<16xf32>
    %max3A = arith.constant 0.000000e+00 : f32
    %max3A_5 = vector.broadcast %max3A : f32 to vector<16xf32>
    %max3A_6 = arith.maximumf %sub3A_4, %max3A_5 : vector<16xf32>
    %sub3A_7 = arith.constant 1.000000e+00 : f32
    %sub3A_8 = vector.broadcast %sub3A_7 : f32 to vector<16xf32>
    %sub3A_9 = arith.subf %convert_element_type3A, %sub3A_8 : vector<16xf32>
    %abs3A = math.absf %sub3A_9 : vector<16xf32>
    %sub3A_10 = arith.constant 1.000000e+00 : f32
    %sub3A_11 = vector.broadcast %sub3A_10 : f32 to vector<16xf32>
    %sub3A_12 = arith.subf %sub3A_11, %abs3A : vector<16xf32>
    %max3A_13 = arith.constant 0.000000e+00 : f32
    %max3A_14 = vector.broadcast %max3A_13 : f32 to vector<16xf32>
    %max3A_15 = arith.maximumf %sub3A_12, %max3A_14 : vector<16xf32>
    %scan3A = arith.constant 0 : i32
    %scan3A_16 = arith.constant 0 : i32
    %scan3A_17 = arith.constant 32 : i32
    %scan3A_18 = arith.addi %scan3A_16, %scan3A_17 : i32
    %scan3A_19 = arith.constant 1 : i32
    scf.for %scan3A_21 = %scan3A_16 to %scan3A_18 step %scan3A_19  : i32 {
      %mul3A_22 = arith.constant 16 : i32
      %mul3A_23 = arith.muli %scan3A_21, %mul3A_22 : i32
      %add3A_24 = arith.addi %mul3A_2, %mul3A_23 : i32
      %mul3A_25 = arith.constant 50 : i32
      %mul3A_26 = arith.muli %add3A_24, %mul3A_25 : i32
      %mul3A_27 = arith.constant 8 : i32
      %mul3A_28 = arith.muli %add3A_24, %mul3A_27 : i32
      "tpu.region"() ({
        %run_scoped3A = tpu.sem_alloc : memref<!tpu.dma_semaphore, #tpu.memory_space<semaphore_mem>>
        %dma_start3A_545 = tpu.memref_slice %arg17[%mul3A_26] : memref<819200xi32, #tpu.memory_space<hbm>> -> memref<800xi32, #tpu.memory_space<hbm>>
        %dma_start3A_546 = tpu.memref_slice %arg17[%mul3A_26] : memref<819200xi32, #tpu.memory_space<hbm>> -> memref<800xi32, #tpu.memory_space<hbm>>
        tpu.enqueue_dma source(%dma_start3A_546 : memref<800xi32, #tpu.memory_space<hbm>>) target(%arg33 : memref<800xi32, #tpu.memory_space<vmem>>) target_semaphore(%run_scoped3A : memref<!tpu.dma_semaphore, #tpu.memory_space<semaphore_mem>>)
        %dma_wait3A_547 = tpu.memref_slice %arg17[%mul3A_26] : memref<819200xi32, #tpu.memory_space<hbm>> -> memref<800xi32, #tpu.memory_space<hbm>>
        %dma_wait3A_548 = tpu.memref_slice %arg17[%mul3A_26] : memref<819200xi32, #tpu.memory_space<hbm>> -> memref<800xi32, #tpu.memory_space<hbm>>
        tpu.wait_dma2 semaphore(%run_scoped3A : memref<!tpu.dma_semaphore, #tpu.memory_space<semaphore_mem>>) src(%dma_wait3A_548 : memref<800xi32, #tpu.memory_space<hbm>>) dst(%arg33 : memref<800xi32, #tpu.memory_space<vmem>>)
        tpu.yield
      }) : () -> ()
      "tpu.region"() ({
        %run_scoped3A = tpu.sem_alloc : memref<!tpu.dma_semaphore, #tpu.memory_space<semaphore_mem>>
        %dma_start3A_545 = tpu.memref_slice %arg19[%mul3A_26] : memref<819200xi32, #tpu.memory_space<hbm>> -> memref<800xi32, #tpu.memory_space<hbm>>
        %dma_start3A_546 = tpu.memref_slice %arg19[%mul3A_26] : memref<819200xi32, #tpu.memory_space<hbm>> -> memref<800xi32, #tpu.memory_space<hbm>>
        tpu.enqueue_dma source(%dma_start3A_546 : memref<800xi32, #tpu.memory_space<hbm>>) target(%arg36 : memref<800xi32, #tpu.memory_space<vmem>>) target_semaphore(%run_scoped3A : memref<!tpu.dma_semaphore, #tpu.memory_space<semaphore_mem>>)
        %dma_wait3A_547 = tpu.memref_slice %arg19[%mul3A_26] : memref<819200xi32, #tpu.memory_space<hbm>> -> memref<800xi32, #tpu.memory_space<hbm>>
        %dma_wait3A_548 = tpu.memref_slice %arg19[%mul3A_26] : memref<819200xi32, #tpu.memory_space<hbm>> -> memref<800xi32, #tpu.memory_space<hbm>>
        tpu.wait_dma2 semaphore(%run_scoped3A : memref<!tpu.dma_semaphore, #tpu.memory_space<semaphore_mem>>) src(%dma_wait3A_548 : memref<800xi32, #tpu.memory_space<hbm>>) dst(%arg36 : memref<800xi32, #tpu.memory_space<vmem>>)
        tpu.yield
      }) : () -> ()
      %dma_start3A = arith.constant 0 : i32
      %dma_start3A_29 = arith.constant 0 : i32
      %dma_start3A_30 = tpu.memref_slice %arg35[%dma_start3A, %dma_start3A_29] : memref<800x64xf32, #tpu.memory_space<vmem>> -> memref<128x64xf32, #tpu.memory_space<vmem>>
      %dma_start3A_31 = arith.constant 0 : i32
      %dma_start3A_32 = tpu.memref_slice %arg33[%dma_start3A_31] : memref<800xi32, #tpu.memory_space<vmem>> -> memref<128xi32, #tpu.memory_space<vmem>>
      %dma_start3A_33 = arith.constant 0 : i32
      %dma_start3A_34 = arith.constant 0 : i32
      %dma_start3A_35 = tpu.memref_slice %arg24[%dma_start3A_33, %dma_start3A_34] : memref<1000000x64xf32, #tpu.memory_space<hbm>> -> memref<1000000x64xf32, #tpu.memory_space<hbm>>
      tpu.enqueue_indirect_dma source(%dma_start3A_35 : memref<1000000x64xf32, #tpu.memory_space<hbm>>) target(%dma_start3A_30 : memref<128x64xf32, #tpu.memory_space<vmem>>) offsets(%dma_start3A_32 : memref<128xi32, #tpu.memory_space<vmem>>) semaphore(%arg53 : memref<!tpu.dma_semaphore, #tpu.memory_space<semaphore_mem>>)
      %dma_start3A_36 = arith.constant 128 : i32
      %dma_start3A_37 = arith.constant 0 : i32
      %dma_start3A_38 = tpu.memref_slice %arg35[%dma_start3A_36, %dma_start3A_37] : memref<800x64xf32, #tpu.memory_space<vmem>> -> memref<128x64xf32, #tpu.memory_space<vmem>>
      %dma_start3A_39 = arith.constant 128 : i32
      %dma_start3A_40 = tpu.memref_slice %arg33[%dma_start3A_39] : memref<800xi32, #tpu.memory_space<vmem>> -> memref<128xi32, #tpu.memory_space<vmem>>
      %dma_start3A_41 = arith.constant 0 : i32
      %dma_start3A_42 = arith.constant 0 : i32
      %dma_start3A_43 = tpu.memref_slice %arg24[%dma_start3A_41, %dma_start3A_42] : memref<1000000x64xf32, #tpu.memory_space<hbm>> -> memref<1000000x64xf32, #tpu.memory_space<hbm>>
      tpu.enqueue_indirect_dma source(%dma_start3A_43 : memref<1000000x64xf32, #tpu.memory_space<hbm>>) target(%dma_start3A_38 : memref<128x64xf32, #tpu.memory_space<vmem>>) offsets(%dma_start3A_40 : memref<128xi32, #tpu.memory_space<vmem>>) semaphore(%arg53 : memref<!tpu.dma_semaphore, #tpu.memory_space<semaphore_mem>>)
      %dma_start3A_44 = arith.constant 256 : i32
      %dma_start3A_45 = arith.constant 0 : i32
      %dma_start3A_46 = tpu.memref_slice %arg35[%dma_start3A_44, %dma_start3A_45] : memref<800x64xf32, #tpu.memory_space<vmem>> -> memref<128x64xf32, #tpu.memory_space<vmem>>
      %dma_start3A_47 = arith.constant 256 : i32
      %dma_start3A_48 = tpu.memref_slice %arg33[%dma_start3A_47] : memref<800xi32, #tpu.memory_space<vmem>> -> memref<128xi32, #tpu.memory_space<vmem>>
      %dma_start3A_49 = arith.constant 0 : i32
      %dma_start3A_50 = arith.constant 0 : i32
      %dma_start3A_51 = tpu.memref_slice %arg24[%dma_start3A_49, %dma_start3A_50] : memref<1000000x64xf32, #tpu.memory_space<hbm>> -> memref<1000000x64xf32, #tpu.memory_space<hbm>>
      tpu.enqueue_indirect_dma source(%dma_start3A_51 : memref<1000000x64xf32, #tpu.memory_space<hbm>>) target(%dma_start3A_46 : memref<128x64xf32, #tpu.memory_space<vmem>>) offsets(%dma_start3A_48 : memref<128xi32, #tpu.memory_space<vmem>>) semaphore(%arg53 : memref<!tpu.dma_semaphore, #tpu.memory_space<semaphore_mem>>)
      %dma_start3A_52 = arith.constant 384 : i32
      %dma_start3A_53 = arith.constant 0 : i32
      %dma_start3A_54 = tpu.memref_slice %arg35[%dma_start3A_52, %dma_start3A_53] : memref<800x64xf32, #tpu.memory_space<vmem>> -> memref<128x64xf32, #tpu.memory_space<vmem>>
      %dma_start3A_55 = arith.constant 384 : i32
      %dma_start3A_56 = tpu.memref_slice %arg33[%dma_start3A_55] : memref<800xi32, #tpu.memory_space<vmem>> -> memref<128xi32, #tpu.memory_space<vmem>>
      %dma_start3A_57 = arith.constant 0 : i32
      %dma_start3A_58 = arith.constant 0 : i32
      %dma_start3A_59 = tpu.memref_slice %arg24[%dma_start3A_57, %dma_start3A_58] : memref<1000000x64xf32, #tpu.memory_space<hbm>> -> memref<1000000x64xf32, #tpu.memory_space<hbm>>
      tpu.enqueue_indirect_dma source(%dma_start3A_59 : memref<1000000x64xf32, #tpu.memory_space<hbm>>) target(%dma_start3A_54 : memref<128x64xf32, #tpu.memory_space<vmem>>) offsets(%dma_start3A_56 : memref<128xi32, #tpu.memory_space<vmem>>) semaphore(%arg53 : memref<!tpu.dma_semaphore, #tpu.memory_space<semaphore_mem>>)
      %dma_start3A_60 = arith.constant 512 : i32
      %dma_start3A_61 = arith.constant 0 : i32
      %dma_start3A_62 = tpu.memref_slice %arg35[%dma_start3A_60, %dma_start3A_61] : memref<800x64xf32, #tpu.memory_space<vmem>> -> memref<128x64xf32, #tpu.memory_space<vmem>>
      %dma_start3A_63 = arith.constant 512 : i32
      %dma_start3A_64 = tpu.memref_slice %arg33[%dma_start3A_63] : memref<800xi32, #tpu.memory_space<vmem>> -> memref<128xi32, #tpu.memory_space<vmem>>
      %dma_start3A_65 = arith.constant 0 : i32
      %dma_start3A_66 = arith.constant 0 : i32
      %dma_start3A_67 = tpu.memref_slice %arg24[%dma_start3A_65, %dma_start3A_66] : memref<1000000x64xf32, #tpu.memory_space<hbm>> -> memref<1000000x64xf32, #tpu.memory_space<hbm>>
      tpu.enqueue_indirect_dma source(%dma_start3A_67 : memref<1000000x64xf32, #tpu.memory_space<hbm>>) target(%dma_start3A_62 : memref<128x64xf32, #tpu.memory_space<vmem>>) offsets(%dma_start3A_64 : memref<128xi32, #tpu.memory_space<vmem>>) semaphore(%arg53 : memref<!tpu.dma_semaphore, #tpu.memory_space<semaphore_mem>>)
      %dma_start3A_68 = arith.constant 640 : i32
      %dma_start3A_69 = arith.constant 0 : i32
      %dma_start3A_70 = tpu.memref_slice %arg35[%dma_start3A_68, %dma_start3A_69] : memref<800x64xf32, #tpu.memory_space<vmem>> -> memref<128x64xf32, #tpu.memory_space<vmem>>
      %dma_start3A_71 = arith.constant 640 : i32
      %dma_start3A_72 = tpu.memref_slice %arg33[%dma_start3A_71] : memref<800xi32, #tpu.memory_space<vmem>> -> memref<128xi32, #tpu.memory_space<vmem>>
      %dma_start3A_73 = arith.constant 0 : i32
      %dma_start3A_74 = arith.constant 0 : i32
      %dma_start3A_75 = tpu.memref_slice %arg24[%dma_start3A_73, %dma_start3A_74] : memref<1000000x64xf32, #tpu.memory_space<hbm>> -> memref<1000000x64xf32, #tpu.memory_space<hbm>>
      tpu.enqueue_indirect_dma source(%dma_start3A_75 : memref<1000000x64xf32, #tpu.memory_space<hbm>>) target(%dma_start3A_70 : memref<128x64xf32, #tpu.memory_space<vmem>>) offsets(%dma_start3A_72 : memref<128xi32, #tpu.memory_space<vmem>>) semaphore(%arg53 : memref<!tpu.dma_semaphore, #tpu.memory_space<semaphore_mem>>)
      %dma_start3A_76 = arith.constant 768 : i32
      %dma_start3A_77 = arith.constant 0 : i32
      %dma_start3A_78 = tpu.memref_slice %arg35[%dma_start3A_76, %dma_start3A_77] : memref<800x64xf32, #tpu.memory_space<vmem>> -> memref<32x64xf32, #tpu.memory_space<vmem>>
      %dma_start3A_79 = arith.constant 768 : i32
      %dma_start3A_80 = tpu.memref_slice %arg33[%dma_start3A_79] : memref<800xi32, #tpu.memory_space<vmem>> -> memref<32xi32, #tpu.memory_space<vmem>>
      %dma_start3A_81 = arith.constant 0 : i32
      %dma_start3A_82 = arith.constant 0 : i32
      %dma_start3A_83 = tpu.memref_slice %arg24[%dma_start3A_81, %dma_start3A_82] : memref<1000000x64xf32, #tpu.memory_space<hbm>> -> memref<1000000x64xf32, #tpu.memory_space<hbm>>
      tpu.enqueue_indirect_dma source(%dma_start3A_83 : memref<1000000x64xf32, #tpu.memory_space<hbm>>) target(%dma_start3A_78 : memref<32x64xf32, #tpu.memory_space<vmem>>) offsets(%dma_start3A_80 : memref<32xi32, #tpu.memory_space<vmem>>) semaphore(%arg53 : memref<!tpu.dma_semaphore, #tpu.memory_space<semaphore_mem>>)
      %dma_start3A_84 = arith.constant 0 : i32
      %dma_start3A_85 = arith.constant 0 : i32
      %dma_start3A_86 = tpu.memref_slice %arg39[%dma_start3A_84, %dma_start3A_85] : memref<800x64xf32, #tpu.memory_space<vmem>> -> memref<128x64xf32, #tpu.memory_space<vmem>>
      %dma_start3A_87 = arith.constant 0 : i32
      %dma_start3A_88 = tpu.memref_slice %arg36[%dma_start3A_87] : memref<800xi32, #tpu.memory_space<vmem>> -> memref<128xi32, #tpu.memory_space<vmem>>
      %dma_start3A_89 = arith.constant 0 : i32
      %dma_start3A_90 = arith.constant 0 : i32
      %dma_start3A_91 = tpu.memref_slice %arg25[%dma_start3A_89, %dma_start3A_90] : memref<100000x64xf32, #tpu.memory_space<hbm>> -> memref<100000x64xf32, #tpu.memory_space<hbm>>
      tpu.enqueue_indirect_dma source(%dma_start3A_91 : memref<100000x64xf32, #tpu.memory_space<hbm>>) target(%dma_start3A_86 : memref<128x64xf32, #tpu.memory_space<vmem>>) offsets(%dma_start3A_88 : memref<128xi32, #tpu.memory_space<vmem>>) semaphore(%arg54 : memref<!tpu.dma_semaphore, #tpu.memory_space<semaphore_mem>>)
      %dma_start3A_92 = arith.constant 128 : i32
      %dma_start3A_93 = arith.constant 0 : i32
      %dma_start3A_94 = tpu.memref_slice %arg39[%dma_start3A_92, %dma_start3A_93] : memref<800x64xf32, #tpu.memory_space<vmem>> -> memref<128x64xf32, #tpu.memory_space<vmem>>
      %dma_start3A_95 = arith.constant 128 : i32
      %dma_start3A_96 = tpu.memref_slice %arg36[%dma_start3A_95] : memref<800xi32, #tpu.memory_space<vmem>> -> memref<128xi32, #tpu.memory_space<vmem>>
      %dma_start3A_97 = arith.constant 0 : i32
      %dma_start3A_98 = arith.constant 0 : i32
      %dma_start3A_99 = tpu.memref_slice %arg25[%dma_start3A_97, %dma_start3A_98] : memref<100000x64xf32, #tpu.memory_space<hbm>> -> memref<100000x64xf32, #tpu.memory_space<hbm>>
      tpu.enqueue_indirect_dma source(%dma_start3A_99 : memref<100000x64xf32, #tpu.memory_space<hbm>>) target(%dma_start3A_94 : memref<128x64xf32, #tpu.memory_space<vmem>>) offsets(%dma_start3A_96 : memref<128xi32, #tpu.memory_space<vmem>>) semaphore(%arg54 : memref<!tpu.dma_semaphore, #tpu.memory_space<semaphore_mem>>)
      %dma_start3A_100 = arith.constant 256 : i32
      %dma_start3A_101 = arith.constant 0 : i32
      %dma_start3A_102 = tpu.memref_slice %arg39[%dma_start3A_100, %dma_start3A_101] : memref<800x64xf32, #tpu.memory_space<vmem>> -> memref<128x64xf32, #tpu.memory_space<vmem>>
      %dma_start3A_103 = arith.constant 256 : i32
      %dma_start3A_104 = tpu.memref_slice %arg36[%dma_start3A_103] : memref<800xi32, #tpu.memory_space<vmem>> -> memref<128xi32, #tpu.memory_space<vmem>>
      %dma_start3A_105 = arith.constant 0 : i32
      %dma_start3A_106 = arith.constant 0 : i32
      %dma_start3A_107 = tpu.memref_slice %arg25[%dma_start3A_105, %dma_start3A_106] : memref<100000x64xf32, #tpu.memory_space<hbm>> -> memref<100000x64xf32, #tpu.memory_space<hbm>>
      tpu.enqueue_indirect_dma source(%dma_start3A_107 : memref<100000x64xf32, #tpu.memory_space<hbm>>) target(%dma_start3A_102 : memref<128x64xf32, #tpu.memory_space<vmem>>) offsets(%dma_start3A_104 : memref<128xi32, #tpu.memory_space<vmem>>) semaphore(%arg54 : memref<!tpu.dma_semaphore, #tpu.memory_space<semaphore_mem>>)
      %dma_start3A_108 = arith.constant 384 : i32
      %dma_start3A_109 = arith.constant 0 : i32
      %dma_start3A_110 = tpu.memref_slice %arg39[%dma_start3A_108, %dma_start3A_109] : memref<800x64xf32, #tpu.memory_space<vmem>> -> memref<128x64xf32, #tpu.memory_space<vmem>>
      %dma_start3A_111 = arith.constant 384 : i32
      %dma_start3A_112 = tpu.memref_slice %arg36[%dma_start3A_111] : memref<800xi32, #tpu.memory_space<vmem>> -> memref<128xi32, #tpu.memory_space<vmem>>
      %dma_start3A_113 = arith.constant 0 : i32
      %dma_start3A_114 = arith.constant 0 : i32
      %dma_start3A_115 = tpu.memref_slice %arg25[%dma_start3A_113, %dma_start3A_114] : memref<100000x64xf32, #tpu.memory_space<hbm>> -> memref<100000x64xf32, #tpu.memory_space<hbm>>
      tpu.enqueue_indirect_dma source(%dma_start3A_115 : memref<100000x64xf32, #tpu.memory_space<hbm>>) target(%dma_start3A_110 : memref<128x64xf32, #tpu.memory_space<vmem>>) offsets(%dma_start3A_112 : memref<128xi32, #tpu.memory_space<vmem>>) semaphore(%arg54 : memref<!tpu.dma_semaphore, #tpu.memory_space<semaphore_mem>>)
      %dma_start3A_116 = arith.constant 512 : i32
      %dma_start3A_117 = arith.constant 0 : i32
      %dma_start3A_118 = tpu.memref_slice %arg39[%dma_start3A_116, %dma_start3A_117] : memref<800x64xf32, #tpu.memory_space<vmem>> -> memref<128x64xf32, #tpu.memory_space<vmem>>
      %dma_start3A_119 = arith.constant 512 : i32
      %dma_start3A_120 = tpu.memref_slice %arg36[%dma_start3A_119] : memref<800xi32, #tpu.memory_space<vmem>> -> memref<128xi32, #tpu.memory_space<vmem>>
      %dma_start3A_121 = arith.constant 0 : i32
      %dma_start3A_122 = arith.constant 0 : i32
      %dma_start3A_123 = tpu.memref_slice %arg25[%dma_start3A_121, %dma_start3A_122] : memref<100000x64xf32, #tpu.memory_space<hbm>> -> memref<100000x64xf32, #tpu.memory_space<hbm>>
      tpu.enqueue_indirect_dma source(%dma_start3A_123 : memref<100000x64xf32, #tpu.memory_space<hbm>>) target(%dma_start3A_118 : memref<128x64xf32, #tpu.memory_space<vmem>>) offsets(%dma_start3A_120 : memref<128xi32, #tpu.memory_space<vmem>>) semaphore(%arg54 : memref<!tpu.dma_semaphore, #tpu.memory_space<semaphore_mem>>)
      %dma_start3A_124 = arith.constant 640 : i32
      %dma_start3A_125 = arith.constant 0 : i32
      %dma_start3A_126 = tpu.memref_slice %arg39[%dma_start3A_124, %dma_start3A_125] : memref<800x64xf32, #tpu.memory_space<vmem>> -> memref<128x64xf32, #tpu.memory_space<vmem>>
      %dma_start3A_127 = arith.constant 640 : i32
      %dma_start3A_128 = tpu.memref_slice %arg36[%dma_start3A_127] : memref<800xi32, #tpu.memory_space<vmem>> -> memref<128xi32, #tpu.memory_space<vmem>>
      %dma_start3A_129 = arith.constant 0 : i32
      %dma_start3A_130 = arith.constant 0 : i32
      %dma_start3A_131 = tpu.memref_slice %arg25[%dma_start3A_129, %dma_start3A_130] : memref<100000x64xf32, #tpu.memory_space<hbm>> -> memref<100000x64xf32, #tpu.memory_space<hbm>>
      tpu.enqueue_indirect_dma source(%dma_start3A_131 : memref<100000x64xf32, #tpu.memory_space<hbm>>) target(%dma_start3A_126 : memref<128x64xf32, #tpu.memory_space<vmem>>) offsets(%dma_start3A_128 : memref<128xi32, #tpu.memory_space<vmem>>) semaphore(%arg54 : memref<!tpu.dma_semaphore, #tpu.memory_space<semaphore_mem>>)
      %dma_start3A_132 = arith.constant 768 : i32
      %dma_start3A_133 = arith.constant 0 : i32
      %dma_start3A_134 = tpu.memref_slice %arg39[%dma_start3A_132, %dma_start3A_133] : memref<800x64xf32, #tpu.memory_space<vmem>> -> memref<32x64xf32, #tpu.memory_space<vmem>>
      %dma_start3A_135 = arith.constant 768 : i32
      %dma_start3A_136 = tpu.memref_slice %arg36[%dma_start3A_135] : memref<800xi32, #tpu.memory_space<vmem>> -> memref<32xi32, #tpu.memory_space<vmem>>
      %dma_start3A_137 = arith.constant 0 : i32
      %dma_start3A_138 = arith.constant 0 : i32
      %dma_start3A_139 = tpu.memref_slice %arg25[%dma_start3A_137, %dma_start3A_138] : memref<100000x64xf32, #tpu.memory_space<hbm>> -> memref<100000x64xf32, #tpu.memory_space<hbm>>
      tpu.enqueue_indirect_dma source(%dma_start3A_139 : memref<100000x64xf32, #tpu.memory_space<hbm>>) target(%dma_start3A_134 : memref<32x64xf32, #tpu.memory_space<vmem>>) offsets(%dma_start3A_136 : memref<32xi32, #tpu.memory_space<vmem>>) semaphore(%arg54 : memref<!tpu.dma_semaphore, #tpu.memory_space<semaphore_mem>>)
      %dma_start3A_140 = arith.constant 0 : i32
      %dma_start3A_141 = tpu.memref_slice %arg43[%dma_start3A_140] : memref<144xi32, #tpu.memory_space<vmem>> -> memref<16xi32, #tpu.memory_space<vmem>>
      %dma_start3A_142 = tpu.memref_slice %arg2[%add3A_24] : memref<16384xi32, #tpu.memory_space<hbm>> -> memref<16xi32, #tpu.memory_space<hbm>>
      %dma_start3A_143 = arith.constant 0 : i32
      %dma_start3A_144 = tpu.memref_slice %arg43[%dma_start3A_143] : memref<144xi32, #tpu.memory_space<vmem>> -> memref<16xi32, #tpu.memory_space<vmem>>
      %dma_start3A_145 = tpu.memref_slice %arg2[%add3A_24] : memref<16384xi32, #tpu.memory_space<hbm>> -> memref<16xi32, #tpu.memory_space<hbm>>
      tpu.enqueue_dma source(%dma_start3A_145 : memref<16xi32, #tpu.memory_space<hbm>>) target(%dma_start3A_144 : memref<16xi32, #tpu.memory_space<vmem>>) target_semaphore(%arg56 : memref<!tpu.dma_semaphore, #tpu.memory_space<semaphore_mem>>)
      %dma_start3A_146 = arith.constant 16 : i32
      %dma_start3A_147 = tpu.memref_slice %arg43[%dma_start3A_146] : memref<144xi32, #tpu.memory_space<vmem>> -> memref<16xi32, #tpu.memory_space<vmem>>
      %dma_start3A_148 = tpu.memref_slice %arg3[%add3A_24] : memref<16384xi32, #tpu.memory_space<hbm>> -> memref<16xi32, #tpu.memory_space<hbm>>
      %dma_start3A_149 = arith.constant 16 : i32
      %dma_start3A_150 = tpu.memref_slice %arg43[%dma_start3A_149] : memref<144xi32, #tpu.memory_space<vmem>> -> memref<16xi32, #tpu.memory_space<vmem>>
      %dma_start3A_151 = tpu.memref_slice %arg3[%add3A_24] : memref<16384xi32, #tpu.memory_space<hbm>> -> memref<16xi32, #tpu.memory_space<hbm>>
      tpu.enqueue_dma source(%dma_start3A_151 : memref<16xi32, #tpu.memory_space<hbm>>) target(%dma_start3A_150 : memref<16xi32, #tpu.memory_space<vmem>>) target_semaphore(%arg56 : memref<!tpu.dma_semaphore, #tpu.memory_space<semaphore_mem>>)
      %dma_start3A_152 = arith.constant 32 : i32
      %dma_start3A_153 = tpu.memref_slice %arg43[%dma_start3A_152] : memref<144xi32, #tpu.memory_space<vmem>> -> memref<16xi32, #tpu.memory_space<vmem>>
      %dma_start3A_154 = tpu.memref_slice %arg4[%add3A_24] : memref<16384xi32, #tpu.memory_space<hbm>> -> memref<16xi32, #tpu.memory_space<hbm>>
      %dma_start3A_155 = arith.constant 32 : i32
      %dma_start3A_156 = tpu.memref_slice %arg43[%dma_start3A_155] : memref<144xi32, #tpu.memory_space<vmem>> -> memref<16xi32, #tpu.memory_space<vmem>>
      %dma_start3A_157 = tpu.memref_slice %arg4[%add3A_24] : memref<16384xi32, #tpu.memory_space<hbm>> -> memref<16xi32, #tpu.memory_space<hbm>>
      tpu.enqueue_dma source(%dma_start3A_157 : memref<16xi32, #tpu.memory_space<hbm>>) target(%dma_start3A_156 : memref<16xi32, #tpu.memory_space<vmem>>) target_semaphore(%arg56 : memref<!tpu.dma_semaphore, #tpu.memory_space<semaphore_mem>>)
      %dma_start3A_158 = arith.constant 48 : i32
      %dma_start3A_159 = tpu.memref_slice %arg43[%dma_start3A_158] : memref<144xi32, #tpu.memory_space<vmem>> -> memref<16xi32, #tpu.memory_space<vmem>>
      %dma_start3A_160 = tpu.memref_slice %arg5[%add3A_24] : memref<16384xi32, #tpu.memory_space<hbm>> -> memref<16xi32, #tpu.memory_space<hbm>>
      %dma_start3A_161 = arith.constant 48 : i32
      %dma_start3A_162 = tpu.memref_slice %arg43[%dma_start3A_161] : memref<144xi32, #tpu.memory_space<vmem>> -> memref<16xi32, #tpu.memory_space<vmem>>
      %dma_start3A_163 = tpu.memref_slice %arg5[%add3A_24] : memref<16384xi32, #tpu.memory_space<hbm>> -> memref<16xi32, #tpu.memory_space<hbm>>
      tpu.enqueue_dma source(%dma_start3A_163 : memref<16xi32, #tpu.memory_space<hbm>>) target(%dma_start3A_162 : memref<16xi32, #tpu.memory_space<vmem>>) target_semaphore(%arg56 : memref<!tpu.dma_semaphore, #tpu.memory_space<semaphore_mem>>)
      %dma_start3A_164 = arith.constant 64 : i32
      %dma_start3A_165 = tpu.memref_slice %arg43[%dma_start3A_164] : memref<144xi32, #tpu.memory_space<vmem>> -> memref<16xi32, #tpu.memory_space<vmem>>
      %dma_start3A_166 = tpu.memref_slice %arg6[%add3A_24] : memref<16384xi32, #tpu.memory_space<hbm>> -> memref<16xi32, #tpu.memory_space<hbm>>
      %dma_start3A_167 = arith.constant 64 : i32
      %dma_start3A_168 = tpu.memref_slice %arg43[%dma_start3A_167] : memref<144xi32, #tpu.memory_space<vmem>> -> memref<16xi32, #tpu.memory_space<vmem>>
      %dma_start3A_169 = tpu.memref_slice %arg6[%add3A_24] : memref<16384xi32, #tpu.memory_space<hbm>> -> memref<16xi32, #tpu.memory_space<hbm>>
      tpu.enqueue_dma source(%dma_start3A_169 : memref<16xi32, #tpu.memory_space<hbm>>) target(%dma_start3A_168 : memref<16xi32, #tpu.memory_space<vmem>>) target_semaphore(%arg56 : memref<!tpu.dma_semaphore, #tpu.memory_space<semaphore_mem>>)
      %dma_start3A_170 = arith.constant 80 : i32
      %dma_start3A_171 = tpu.memref_slice %arg43[%dma_start3A_170] : memref<144xi32, #tpu.memory_space<vmem>> -> memref<16xi32, #tpu.memory_space<vmem>>
      %dma_start3A_172 = tpu.memref_slice %arg7[%add3A_24] : memref<16384xi32, #tpu.memory_space<hbm>> -> memref<16xi32, #tpu.memory_space<hbm>>
      %dma_start3A_173 = arith.constant 80 : i32
      %dma_start3A_174 = tpu.memref_slice %arg43[%dma_start3A_173] : memref<144xi32, #tpu.memory_space<vmem>> -> memref<16xi32, #tpu.memory_space<vmem>>
      %dma_start3A_175 = tpu.memref_slice %arg7[%add3A_24] : memref<16384xi32, #tpu.memory_space<hbm>> -> memref<16xi32, #tpu.memory_space<hbm>>
      tpu.enqueue_dma source(%dma_start3A_175 : memref<16xi32, #tpu.memory_space<hbm>>) target(%dma_start3A_174 : memref<16xi32, #tpu.memory_space<vmem>>) target_semaphore(%arg56 : memref<!tpu.dma_semaphore, #tpu.memory_space<semaphore_mem>>)
      %dma_start3A_176 = arith.constant 96 : i32
      %dma_start3A_177 = tpu.memref_slice %arg43[%dma_start3A_176] : memref<144xi32, #tpu.memory_space<vmem>> -> memref<16xi32, #tpu.memory_space<vmem>>
      %dma_start3A_178 = tpu.memref_slice %arg8[%add3A_24] : memref<16384xi32, #tpu.memory_space<hbm>> -> memref<16xi32, #tpu.memory_space<hbm>>
      %dma_start3A_179 = arith.constant 96 : i32
      %dma_start3A_180 = tpu.memref_slice %arg43[%dma_start3A_179] : memref<144xi32, #tpu.memory_space<vmem>> -> memref<16xi32, #tpu.memory_space<vmem>>
      %dma_start3A_181 = tpu.memref_slice %arg8[%add3A_24] : memref<16384xi32, #tpu.memory_space<hbm>> -> memref<16xi32, #tpu.memory_space<hbm>>
      tpu.enqueue_dma source(%dma_start3A_181 : memref<16xi32, #tpu.memory_space<hbm>>) target(%dma_start3A_180 : memref<16xi32, #tpu.memory_space<vmem>>) target_semaphore(%arg56 : memref<!tpu.dma_semaphore, #tpu.memory_space<semaphore_mem>>)
      %dma_start3A_182 = arith.constant 112 : i32
      %dma_start3A_183 = tpu.memref_slice %arg43[%dma_start3A_182] : memref<144xi32, #tpu.memory_space<vmem>> -> memref<16xi32, #tpu.memory_space<vmem>>
      %dma_start3A_184 = tpu.memref_slice %arg9[%add3A_24] : memref<16384xi32, #tpu.memory_space<hbm>> -> memref<16xi32, #tpu.memory_space<hbm>>
      %dma_start3A_185 = arith.constant 112 : i32
      %dma_start3A_186 = tpu.memref_slice %arg43[%dma_start3A_185] : memref<144xi32, #tpu.memory_space<vmem>> -> memref<16xi32, #tpu.memory_space<vmem>>
      %dma_start3A_187 = tpu.memref_slice %arg9[%add3A_24] : memref<16384xi32, #tpu.memory_space<hbm>> -> memref<16xi32, #tpu.memory_space<hbm>>
      tpu.enqueue_dma source(%dma_start3A_187 : memref<16xi32, #tpu.memory_space<hbm>>) target(%dma_start3A_186 : memref<16xi32, #tpu.memory_space<vmem>>) target_semaphore(%arg56 : memref<!tpu.dma_semaphore, #tpu.memory_space<semaphore_mem>>)
      %dma_start3A_188 = arith.constant 128 : i32
      %dma_start3A_189 = tpu.memref_slice %arg43[%dma_start3A_188] : memref<144xi32, #tpu.memory_space<vmem>> -> memref<16xi32, #tpu.memory_space<vmem>>
      %dma_start3A_190 = tpu.memref_slice %arg10[%add3A_24] : memref<16384xi32, #tpu.memory_space<hbm>> -> memref<16xi32, #tpu.memory_space<hbm>>
      %dma_start3A_191 = arith.constant 128 : i32
      %dma_start3A_192 = tpu.memref_slice %arg43[%dma_start3A_191] : memref<144xi32, #tpu.memory_space<vmem>> -> memref<16xi32, #tpu.memory_space<vmem>>
      %dma_start3A_193 = tpu.memref_slice %arg10[%add3A_24] : memref<16384xi32, #tpu.memory_space<hbm>> -> memref<16xi32, #tpu.memory_space<hbm>>
      tpu.enqueue_dma source(%dma_start3A_193 : memref<16xi32, #tpu.memory_space<hbm>>) target(%dma_start3A_192 : memref<16xi32, #tpu.memory_space<vmem>>) target_semaphore(%arg56 : memref<!tpu.dma_semaphore, #tpu.memory_space<semaphore_mem>>)
      %dma_start3A_194 = arith.constant 0 : i32
      %dma_start3A_195 = tpu.memref_slice %arg44[%dma_start3A_194] : memref<96xf32, #tpu.memory_space<vmem>> -> memref<16xf32, #tpu.memory_space<vmem>>
      %dma_start3A_196 = tpu.memref_slice %arg11[%add3A_24] : memref<16384xf32, #tpu.memory_space<hbm>> -> memref<16xf32, #tpu.memory_space<hbm>>
      %dma_start3A_197 = arith.constant 0 : i32
      %dma_start3A_198 = tpu.memref_slice %arg44[%dma_start3A_197] : memref<96xf32, #tpu.memory_space<vmem>> -> memref<16xf32, #tpu.memory_space<vmem>>
      %dma_start3A_199 = tpu.memref_slice %arg11[%add3A_24] : memref<16384xf32, #tpu.memory_space<hbm>> -> memref<16xf32, #tpu.memory_space<hbm>>
      tpu.enqueue_dma source(%dma_start3A_199 : memref<16xf32, #tpu.memory_space<hbm>>) target(%dma_start3A_198 : memref<16xf32, #tpu.memory_space<vmem>>) target_semaphore(%arg56 : memref<!tpu.dma_semaphore, #tpu.memory_space<semaphore_mem>>)
      %dma_start3A_200 = arith.constant 16 : i32
      %dma_start3A_201 = tpu.memref_slice %arg44[%dma_start3A_200] : memref<96xf32, #tpu.memory_space<vmem>> -> memref<16xf32, #tpu.memory_space<vmem>>
      %dma_start3A_202 = tpu.memref_slice %arg12[%add3A_24] : memref<16384xf32, #tpu.memory_space<hbm>> -> memref<16xf32, #tpu.memory_space<hbm>>
      %dma_start3A_203 = arith.constant 16 : i32
      %dma_start3A_204 = tpu.memref_slice %arg44[%dma_start3A_203] : memref<96xf32, #tpu.memory_space<vmem>> -> memref<16xf32, #tpu.memory_space<vmem>>
      %dma_start3A_205 = tpu.memref_slice %arg12[%add3A_24] : memref<16384xf32, #tpu.memory_space<hbm>> -> memref<16xf32, #tpu.memory_space<hbm>>
      tpu.enqueue_dma source(%dma_start3A_205 : memref<16xf32, #tpu.memory_space<hbm>>) target(%dma_start3A_204 : memref<16xf32, #tpu.memory_space<vmem>>) target_semaphore(%arg56 : memref<!tpu.dma_semaphore, #tpu.memory_space<semaphore_mem>>)
      %dma_start3A_206 = arith.constant 32 : i32
      %dma_start3A_207 = tpu.memref_slice %arg44[%dma_start3A_206] : memref<96xf32, #tpu.memory_space<vmem>> -> memref<16xf32, #tpu.memory_space<vmem>>
      %dma_start3A_208 = tpu.memref_slice %arg13[%add3A_24] : memref<16384xf32, #tpu.memory_space<hbm>> -> memref<16xf32, #tpu.memory_space<hbm>>
      %dma_start3A_209 = arith.constant 32 : i32
      %dma_start3A_210 = tpu.memref_slice %arg44[%dma_start3A_209] : memref<96xf32, #tpu.memory_space<vmem>> -> memref<16xf32, #tpu.memory_space<vmem>>
      %dma_start3A_211 = tpu.memref_slice %arg13[%add3A_24] : memref<16384xf32, #tpu.memory_space<hbm>> -> memref<16xf32, #tpu.memory_space<hbm>>
      tpu.enqueue_dma source(%dma_start3A_211 : memref<16xf32, #tpu.memory_space<hbm>>) target(%dma_start3A_210 : memref<16xf32, #tpu.memory_space<vmem>>) target_semaphore(%arg56 : memref<!tpu.dma_semaphore, #tpu.memory_space<semaphore_mem>>)
      %dma_start3A_212 = arith.constant 48 : i32
      %dma_start3A_213 = tpu.memref_slice %arg44[%dma_start3A_212] : memref<96xf32, #tpu.memory_space<vmem>> -> memref<16xf32, #tpu.memory_space<vmem>>
      %dma_start3A_214 = tpu.memref_slice %arg14[%add3A_24] : memref<16384xf32, #tpu.memory_space<hbm>> -> memref<16xf32, #tpu.memory_space<hbm>>
      %dma_start3A_215 = arith.constant 48 : i32
      %dma_start3A_216 = tpu.memref_slice %arg44[%dma_start3A_215] : memref<96xf32, #tpu.memory_space<vmem>> -> memref<16xf32, #tpu.memory_space<vmem>>
      %dma_start3A_217 = tpu.memref_slice %arg14[%add3A_24] : memref<16384xf32, #tpu.memory_space<hbm>> -> memref<16xf32, #tpu.memory_space<hbm>>
      tpu.enqueue_dma source(%dma_start3A_217 : memref<16xf32, #tpu.memory_space<hbm>>) target(%dma_start3A_216 : memref<16xf32, #tpu.memory_space<vmem>>) target_semaphore(%arg56 : memref<!tpu.dma_semaphore, #tpu.memory_space<semaphore_mem>>)
      %dma_start3A_218 = arith.constant 64 : i32
      %dma_start3A_219 = tpu.memref_slice %arg44[%dma_start3A_218] : memref<96xf32, #tpu.memory_space<vmem>> -> memref<16xf32, #tpu.memory_space<vmem>>
      %dma_start3A_220 = tpu.memref_slice %arg15[%add3A_24] : memref<16384xf32, #tpu.memory_space<hbm>> -> memref<16xf32, #tpu.memory_space<hbm>>
      %dma_start3A_221 = arith.constant 64 : i32
      %dma_start3A_222 = tpu.memref_slice %arg44[%dma_start3A_221] : memref<96xf32, #tpu.memory_space<vmem>> -> memref<16xf32, #tpu.memory_space<vmem>>
      %dma_start3A_223 = tpu.memref_slice %arg15[%add3A_24] : memref<16384xf32, #tpu.memory_space<hbm>> -> memref<16xf32, #tpu.memory_space<hbm>>
      tpu.enqueue_dma source(%dma_start3A_223 : memref<16xf32, #tpu.memory_space<hbm>>) target(%dma_start3A_222 : memref<16xf32, #tpu.memory_space<vmem>>) target_semaphore(%arg56 : memref<!tpu.dma_semaphore, #tpu.memory_space<semaphore_mem>>)
      %dma_start3A_224 = arith.constant 80 : i32
      %dma_start3A_225 = tpu.memref_slice %arg44[%dma_start3A_224] : memref<96xf32, #tpu.memory_space<vmem>> -> memref<16xf32, #tpu.memory_space<vmem>>
      %dma_start3A_226 = tpu.memref_slice %arg16[%add3A_24] : memref<16384xf32, #tpu.memory_space<hbm>> -> memref<16xf32, #tpu.memory_space<hbm>>
      %dma_start3A_227 = arith.constant 80 : i32
      %dma_start3A_228 = tpu.memref_slice %arg44[%dma_start3A_227] : memref<96xf32, #tpu.memory_space<vmem>> -> memref<16xf32, #tpu.memory_space<vmem>>
      %dma_start3A_229 = tpu.memref_slice %arg16[%add3A_24] : memref<16384xf32, #tpu.memory_space<hbm>> -> memref<16xf32, #tpu.memory_space<hbm>>
      tpu.enqueue_dma source(%dma_start3A_229 : memref<16xf32, #tpu.memory_space<hbm>>) target(%dma_start3A_228 : memref<16xf32, #tpu.memory_space<vmem>>) target_semaphore(%arg56 : memref<!tpu.dma_semaphore, #tpu.memory_space<semaphore_mem>>)
      "tpu.region"() ({
        %run_scoped3A = tpu.sem_alloc : memref<!tpu.dma_semaphore, #tpu.memory_space<semaphore_mem>>
        %dma_start3A_545 = arith.constant 0 : i32
        %dma_start3A_546 = tpu.memref_slice %arg34[%dma_start3A_545] : memref<816xf32, #tpu.memory_space<vmem>> -> memref<800xf32, #tpu.memory_space<vmem>>
        %dma_start3A_547 = tpu.memref_slice %arg18[%mul3A_26] : memref<819200xf32, #tpu.memory_space<hbm>> -> memref<800xf32, #tpu.memory_space<hbm>>
        %dma_start3A_548 = arith.constant 0 : i32
        %dma_start3A_549 = tpu.memref_slice %arg34[%dma_start3A_548] : memref<816xf32, #tpu.memory_space<vmem>> -> memref<800xf32, #tpu.memory_space<vmem>>
        %dma_start3A_550 = tpu.memref_slice %arg18[%mul3A_26] : memref<819200xf32, #tpu.memory_space<hbm>> -> memref<800xf32, #tpu.memory_space<hbm>>
        tpu.enqueue_dma source(%dma_start3A_550 : memref<800xf32, #tpu.memory_space<hbm>>) target(%dma_start3A_549 : memref<800xf32, #tpu.memory_space<vmem>>) target_semaphore(%run_scoped3A : memref<!tpu.dma_semaphore, #tpu.memory_space<semaphore_mem>>)
        %dma_wait3A_551 = arith.constant 0 : i32
        %dma_wait3A_552 = tpu.memref_slice %arg34[%dma_wait3A_551] : memref<816xf32, #tpu.memory_space<vmem>> -> memref<800xf32, #tpu.memory_space<vmem>>
        %dma_wait3A_553 = tpu.memref_slice %arg18[%mul3A_26] : memref<819200xf32, #tpu.memory_space<hbm>> -> memref<800xf32, #tpu.memory_space<hbm>>
        %dma_wait3A_554 = arith.constant 0 : i32
        %dma_wait3A_555 = tpu.memref_slice %arg34[%dma_wait3A_554] : memref<816xf32, #tpu.memory_space<vmem>> -> memref<800xf32, #tpu.memory_space<vmem>>
        %dma_wait3A_556 = tpu.memref_slice %arg18[%mul3A_26] : memref<819200xf32, #tpu.memory_space<hbm>> -> memref<800xf32, #tpu.memory_space<hbm>>
        tpu.wait_dma2 semaphore(%run_scoped3A : memref<!tpu.dma_semaphore, #tpu.memory_space<semaphore_mem>>) src(%dma_wait3A_556 : memref<800xf32, #tpu.memory_space<hbm>>) dst(%dma_wait3A_555 : memref<800xf32, #tpu.memory_space<vmem>>)
        tpu.yield
      }) : () -> ()
      "tpu.region"() ({
        %run_scoped3A = tpu.sem_alloc : memref<!tpu.dma_semaphore, #tpu.memory_space<semaphore_mem>>
        %dma_start3A_545 = arith.constant 0 : i32
        %dma_start3A_546 = tpu.memref_slice %arg37[%dma_start3A_545] : memref<816xf32, #tpu.memory_space<vmem>> -> memref<800xf32, #tpu.memory_space<vmem>>
        %dma_start3A_547 = tpu.memref_slice %arg20[%mul3A_26] : memref<819200xf32, #tpu.memory_space<hbm>> -> memref<800xf32, #tpu.memory_space<hbm>>
        %dma_start3A_548 = arith.constant 0 : i32
        %dma_start3A_549 = tpu.memref_slice %arg37[%dma_start3A_548] : memref<816xf32, #tpu.memory_space<vmem>> -> memref<800xf32, #tpu.memory_space<vmem>>
        %dma_start3A_550 = tpu.memref_slice %arg20[%mul3A_26] : memref<819200xf32, #tpu.memory_space<hbm>> -> memref<800xf32, #tpu.memory_space<hbm>>
        tpu.enqueue_dma source(%dma_start3A_550 : memref<800xf32, #tpu.memory_space<hbm>>) target(%dma_start3A_549 : memref<800xf32, #tpu.memory_space<vmem>>) target_semaphore(%run_scoped3A : memref<!tpu.dma_semaphore, #tpu.memory_space<semaphore_mem>>)
        %dma_wait3A_551 = arith.constant 0 : i32
        %dma_wait3A_552 = tpu.memref_slice %arg37[%dma_wait3A_551] : memref<816xf32, #tpu.memory_space<vmem>> -> memref<800xf32, #tpu.memory_space<vmem>>
        %dma_wait3A_553 = tpu.memref_slice %arg20[%mul3A_26] : memref<819200xf32, #tpu.memory_space<hbm>> -> memref<800xf32, #tpu.memory_space<hbm>>
        %dma_wait3A_554 = arith.constant 0 : i32
        %dma_wait3A_555 = tpu.memref_slice %arg37[%dma_wait3A_554] : memref<816xf32, #tpu.memory_space<vmem>> -> memref<800xf32, #tpu.memory_space<vmem>>
        %dma_wait3A_556 = tpu.memref_slice %arg20[%mul3A_26] : memref<819200xf32, #tpu.memory_space<hbm>> -> memref<800xf32, #tpu.memory_space<hbm>>
        tpu.wait_dma2 semaphore(%run_scoped3A : memref<!tpu.dma_semaphore, #tpu.memory_space<semaphore_mem>>) src(%dma_wait3A_556 : memref<800xf32, #tpu.memory_space<hbm>>) dst(%dma_wait3A_555 : memref<800xf32, #tpu.memory_space<vmem>>)
        tpu.yield
      }) : () -> ()
      "tpu.region"() ({
        %run_scoped3A = tpu.sem_alloc : memref<!tpu.dma_semaphore, #tpu.memory_space<semaphore_mem>>
        %dma_start3A_545 = arith.constant 0 : i32
        %dma_start3A_546 = tpu.memref_slice %arg38[%dma_start3A_545] : memref<816xf32, #tpu.memory_space<vmem>> -> memref<800xf32, #tpu.memory_space<vmem>>
        %dma_start3A_547 = tpu.memref_slice %arg21[%mul3A_26] : memref<819200xf32, #tpu.memory_space<hbm>> -> memref<800xf32, #tpu.memory_space<hbm>>
        %dma_start3A_548 = arith.constant 0 : i32
        %dma_start3A_549 = tpu.memref_slice %arg38[%dma_start3A_548] : memref<816xf32, #tpu.memory_space<vmem>> -> memref<800xf32, #tpu.memory_space<vmem>>
        %dma_start3A_550 = tpu.memref_slice %arg21[%mul3A_26] : memref<819200xf32, #tpu.memory_space<hbm>> -> memref<800xf32, #tpu.memory_space<hbm>>
        tpu.enqueue_dma source(%dma_start3A_550 : memref<800xf32, #tpu.memory_space<hbm>>) target(%dma_start3A_549 : memref<800xf32, #tpu.memory_space<vmem>>) target_semaphore(%run_scoped3A : memref<!tpu.dma_semaphore, #tpu.memory_space<semaphore_mem>>)
        %dma_wait3A_551 = arith.constant 0 : i32
        %dma_wait3A_552 = tpu.memref_slice %arg38[%dma_wait3A_551] : memref<816xf32, #tpu.memory_space<vmem>> -> memref<800xf32, #tpu.memory_space<vmem>>
        %dma_wait3A_553 = tpu.memref_slice %arg21[%mul3A_26] : memref<819200xf32, #tpu.memory_space<hbm>> -> memref<800xf32, #tpu.memory_space<hbm>>
        %dma_wait3A_554 = arith.constant 0 : i32
        %dma_wait3A_555 = tpu.memref_slice %arg38[%dma_wait3A_554] : memref<816xf32, #tpu.memory_space<vmem>> -> memref<800xf32, #tpu.memory_space<vmem>>
        %dma_wait3A_556 = tpu.memref_slice %arg21[%mul3A_26] : memref<819200xf32, #tpu.memory_space<hbm>> -> memref<800xf32, #tpu.memory_space<hbm>>
        tpu.wait_dma2 semaphore(%run_scoped3A : memref<!tpu.dma_semaphore, #tpu.memory_space<semaphore_mem>>) src(%dma_wait3A_556 : memref<800xf32, #tpu.memory_space<hbm>>) dst(%dma_wait3A_555 : memref<800xf32, #tpu.memory_space<vmem>>)
        tpu.yield
      }) : () -> ()
      "tpu.region"() ({
        %run_scoped3A = tpu.sem_alloc : memref<!tpu.dma_semaphore, #tpu.memory_space<semaphore_mem>>
        %dma_start3A_545 = tpu.memref_slice %arg22[%mul3A_28] : memref<131072xi32, #tpu.memory_space<hbm>> -> memref<128xi32, #tpu.memory_space<hbm>>
        %dma_start3A_546 = tpu.memref_slice %arg22[%mul3A_28] : memref<131072xi32, #tpu.memory_space<hbm>> -> memref<128xi32, #tpu.memory_space<hbm>>
        tpu.enqueue_dma source(%dma_start3A_546 : memref<128xi32, #tpu.memory_space<hbm>>) target(%arg40 : memref<128xi32, #tpu.memory_space<vmem>>) target_semaphore(%run_scoped3A : memref<!tpu.dma_semaphore, #tpu.memory_space<semaphore_mem>>)
        %dma_wait3A_547 = tpu.memref_slice %arg22[%mul3A_28] : memref<131072xi32, #tpu.memory_space<hbm>> -> memref<128xi32, #tpu.memory_space<hbm>>
        %dma_wait3A_548 = tpu.memref_slice %arg22[%mul3A_28] : memref<131072xi32, #tpu.memory_space<hbm>> -> memref<128xi32, #tpu.memory_space<hbm>>
        tpu.wait_dma2 semaphore(%run_scoped3A : memref<!tpu.dma_semaphore, #tpu.memory_space<semaphore_mem>>) src(%dma_wait3A_548 : memref<128xi32, #tpu.memory_space<hbm>>) dst(%arg40 : memref<128xi32, #tpu.memory_space<vmem>>)
        tpu.yield
      }) : () -> ()
      "tpu.region"() ({
        %run_scoped3A = tpu.sem_alloc : memref<!tpu.dma_semaphore, #tpu.memory_space<semaphore_mem>>
        %dma_start3A_545 = arith.constant 0 : i32
        %dma_start3A_546 = tpu.memref_slice %arg41[%dma_start3A_545] : memref<144xf32, #tpu.memory_space<vmem>> -> memref<128xf32, #tpu.memory_space<vmem>>
        %dma_start3A_547 = tpu.memref_slice %arg23[%mul3A_28] : memref<131072xf32, #tpu.memory_space<hbm>> -> memref<128xf32, #tpu.memory_space<hbm>>
        %dma_start3A_548 = arith.constant 0 : i32
        %dma_start3A_549 = tpu.memref_slice %arg41[%dma_start3A_548] : memref<144xf32, #tpu.memory_space<vmem>> -> memref<128xf32, #tpu.memory_space<vmem>>
        %dma_start3A_550 = tpu.memref_slice %arg23[%mul3A_28] : memref<131072xf32, #tpu.memory_space<hbm>> -> memref<128xf32, #tpu.memory_space<hbm>>
        tpu.enqueue_dma source(%dma_start3A_550 : memref<128xf32, #tpu.memory_space<hbm>>) target(%dma_start3A_549 : memref<128xf32, #tpu.memory_space<vmem>>) target_semaphore(%run_scoped3A : memref<!tpu.dma_semaphore, #tpu.memory_space<semaphore_mem>>)
        %dma_wait3A_551 = arith.constant 0 : i32
        %dma_wait3A_552 = tpu.memref_slice %arg41[%dma_wait3A_551] : memref<144xf32, #tpu.memory_space<vmem>> -> memref<128xf32, #tpu.memory_space<vmem>>
        %dma_wait3A_553 = tpu.memref_slice %arg23[%mul3A_28] : memref<131072xf32, #tpu.memory_space<hbm>> -> memref<128xf32, #tpu.memory_space<hbm>>
        %dma_wait3A_554 = arith.constant 0 : i32
        %dma_wait3A_555 = tpu.memref_slice %arg41[%dma_wait3A_554] : memref<144xf32, #tpu.memory_space<vmem>> -> memref<128xf32, #tpu.memory_space<vmem>>
        %dma_wait3A_556 = tpu.memref_slice %arg23[%mul3A_28] : memref<131072xf32, #tpu.memory_space<hbm>> -> memref<128xf32, #tpu.memory_space<hbm>>
        tpu.wait_dma2 semaphore(%run_scoped3A : memref<!tpu.dma_semaphore, #tpu.memory_space<semaphore_mem>>) src(%dma_wait3A_556 : memref<128xf32, #tpu.memory_space<hbm>>) dst(%dma_wait3A_555 : memref<128xf32, #tpu.memory_space<vmem>>)
        tpu.yield
      }) : () -> ()
      %dma_start3A_230 = arith.constant 0 : i32
      %dma_start3A_231 = arith.constant 0 : i32
      %dma_start3A_232 = tpu.memref_slice %arg26[%dma_start3A_230, %dma_start3A_231] : memref<1000x32xf32, #tpu.memory_space<hbm>> -> memref<1000x32xf32, #tpu.memory_space<hbm>>
      tpu.enqueue_indirect_dma source(%dma_start3A_232 : memref<1000x32xf32, #tpu.memory_space<hbm>>) target(%arg42 : memref<128x32xf32, #tpu.memory_space<vmem>>) offsets(%arg40 : memref<128xi32, #tpu.memory_space<vmem>>) semaphore(%arg55 : memref<!tpu.dma_semaphore, #tpu.memory_space<semaphore_mem>>)
      %dma_wait3A = arith.constant 0 : i32
      %dma_wait3A_233 = tpu.memref_slice %arg43[%dma_wait3A] : memref<144xi32, #tpu.memory_space<vmem>> -> memref<16xi32, #tpu.memory_space<vmem>>
      %dma_wait3A_234 = tpu.memref_slice %arg2[%add3A_24] : memref<16384xi32, #tpu.memory_space<hbm>> -> memref<16xi32, #tpu.memory_space<hbm>>
      %dma_wait3A_235 = arith.constant 0 : i32
      %dma_wait3A_236 = tpu.memref_slice %arg43[%dma_wait3A_235] : memref<144xi32, #tpu.memory_space<vmem>> -> memref<16xi32, #tpu.memory_space<vmem>>
      %dma_wait3A_237 = tpu.memref_slice %arg2[%add3A_24] : memref<16384xi32, #tpu.memory_space<hbm>> -> memref<16xi32, #tpu.memory_space<hbm>>
      tpu.wait_dma2 semaphore(%arg56 : memref<!tpu.dma_semaphore, #tpu.memory_space<semaphore_mem>>) src(%dma_wait3A_237 : memref<16xi32, #tpu.memory_space<hbm>>) dst(%dma_wait3A_236 : memref<16xi32, #tpu.memory_space<vmem>>)
      %dma_wait3A_238 = arith.constant 16 : i32
      %dma_wait3A_239 = tpu.memref_slice %arg43[%dma_wait3A_238] : memref<144xi32, #tpu.memory_space<vmem>> -> memref<16xi32, #tpu.memory_space<vmem>>
      %dma_wait3A_240 = tpu.memref_slice %arg3[%add3A_24] : memref<16384xi32, #tpu.memory_space<hbm>> -> memref<16xi32, #tpu.memory_space<hbm>>
      %dma_wait3A_241 = arith.constant 16 : i32
      %dma_wait3A_242 = tpu.memref_slice %arg43[%dma_wait3A_241] : memref<144xi32, #tpu.memory_space<vmem>> -> memref<16xi32, #tpu.memory_space<vmem>>
      %dma_wait3A_243 = tpu.memref_slice %arg3[%add3A_24] : memref<16384xi32, #tpu.memory_space<hbm>> -> memref<16xi32, #tpu.memory_space<hbm>>
      tpu.wait_dma2 semaphore(%arg56 : memref<!tpu.dma_semaphore, #tpu.memory_space<semaphore_mem>>) src(%dma_wait3A_243 : memref<16xi32, #tpu.memory_space<hbm>>) dst(%dma_wait3A_242 : memref<16xi32, #tpu.memory_space<vmem>>)
      %dma_wait3A_244 = arith.constant 32 : i32
      %dma_wait3A_245 = tpu.memref_slice %arg43[%dma_wait3A_244] : memref<144xi32, #tpu.memory_space<vmem>> -> memref<16xi32, #tpu.memory_space<vmem>>
      %dma_wait3A_246 = tpu.memref_slice %arg4[%add3A_24] : memref<16384xi32, #tpu.memory_space<hbm>> -> memref<16xi32, #tpu.memory_space<hbm>>
      %dma_wait3A_247 = arith.constant 32 : i32
      %dma_wait3A_248 = tpu.memref_slice %arg43[%dma_wait3A_247] : memref<144xi32, #tpu.memory_space<vmem>> -> memref<16xi32, #tpu.memory_space<vmem>>
      %dma_wait3A_249 = tpu.memref_slice %arg4[%add3A_24] : memref<16384xi32, #tpu.memory_space<hbm>> -> memref<16xi32, #tpu.memory_space<hbm>>
      tpu.wait_dma2 semaphore(%arg56 : memref<!tpu.dma_semaphore, #tpu.memory_space<semaphore_mem>>) src(%dma_wait3A_249 : memref<16xi32, #tpu.memory_space<hbm>>) dst(%dma_wait3A_248 : memref<16xi32, #tpu.memory_space<vmem>>)
      %dma_wait3A_250 = arith.constant 48 : i32
      %dma_wait3A_251 = tpu.memref_slice %arg43[%dma_wait3A_250] : memref<144xi32, #tpu.memory_space<vmem>> -> memref<16xi32, #tpu.memory_space<vmem>>
      %dma_wait3A_252 = tpu.memref_slice %arg5[%add3A_24] : memref<16384xi32, #tpu.memory_space<hbm>> -> memref<16xi32, #tpu.memory_space<hbm>>
      %dma_wait3A_253 = arith.constant 48 : i32
      %dma_wait3A_254 = tpu.memref_slice %arg43[%dma_wait3A_253] : memref<144xi32, #tpu.memory_space<vmem>> -> memref<16xi32, #tpu.memory_space<vmem>>
      %dma_wait3A_255 = tpu.memref_slice %arg5[%add3A_24] : memref<16384xi32, #tpu.memory_space<hbm>> -> memref<16xi32, #tpu.memory_space<hbm>>
      tpu.wait_dma2 semaphore(%arg56 : memref<!tpu.dma_semaphore, #tpu.memory_space<semaphore_mem>>) src(%dma_wait3A_255 : memref<16xi32, #tpu.memory_space<hbm>>) dst(%dma_wait3A_254 : memref<16xi32, #tpu.memory_space<vmem>>)
      %dma_wait3A_256 = arith.constant 64 : i32
      %dma_wait3A_257 = tpu.memref_slice %arg43[%dma_wait3A_256] : memref<144xi32, #tpu.memory_space<vmem>> -> memref<16xi32, #tpu.memory_space<vmem>>
      %dma_wait3A_258 = tpu.memref_slice %arg6[%add3A_24] : memref<16384xi32, #tpu.memory_space<hbm>> -> memref<16xi32, #tpu.memory_space<hbm>>
      %dma_wait3A_259 = arith.constant 64 : i32
      %dma_wait3A_260 = tpu.memref_slice %arg43[%dma_wait3A_259] : memref<144xi32, #tpu.memory_space<vmem>> -> memref<16xi32, #tpu.memory_space<vmem>>
      %dma_wait3A_261 = tpu.memref_slice %arg6[%add3A_24] : memref<16384xi32, #tpu.memory_space<hbm>> -> memref<16xi32, #tpu.memory_space<hbm>>
      tpu.wait_dma2 semaphore(%arg56 : memref<!tpu.dma_semaphore, #tpu.memory_space<semaphore_mem>>) src(%dma_wait3A_261 : memref<16xi32, #tpu.memory_space<hbm>>) dst(%dma_wait3A_260 : memref<16xi32, #tpu.memory_space<vmem>>)
      %dma_wait3A_262 = arith.constant 80 : i32
      %dma_wait3A_263 = tpu.memref_slice %arg43[%dma_wait3A_262] : memref<144xi32, #tpu.memory_space<vmem>> -> memref<16xi32, #tpu.memory_space<vmem>>
      %dma_wait3A_264 = tpu.memref_slice %arg7[%add3A_24] : memref<16384xi32, #tpu.memory_space<hbm>> -> memref<16xi32, #tpu.memory_space<hbm>>
      %dma_wait3A_265 = arith.constant 80 : i32
      %dma_wait3A_266 = tpu.memref_slice %arg43[%dma_wait3A_265] : memref<144xi32, #tpu.memory_space<vmem>> -> memref<16xi32, #tpu.memory_space<vmem>>
      %dma_wait3A_267 = tpu.memref_slice %arg7[%add3A_24] : memref<16384xi32, #tpu.memory_space<hbm>> -> memref<16xi32, #tpu.memory_space<hbm>>
      tpu.wait_dma2 semaphore(%arg56 : memref<!tpu.dma_semaphore, #tpu.memory_space<semaphore_mem>>) src(%dma_wait3A_267 : memref<16xi32, #tpu.memory_space<hbm>>) dst(%dma_wait3A_266 : memref<16xi32, #tpu.memory_space<vmem>>)
      %dma_wait3A_268 = arith.constant 96 : i32
      %dma_wait3A_269 = tpu.memref_slice %arg43[%dma_wait3A_268] : memref<144xi32, #tpu.memory_space<vmem>> -> memref<16xi32, #tpu.memory_space<vmem>>
      %dma_wait3A_270 = tpu.memref_slice %arg8[%add3A_24] : memref<16384xi32, #tpu.memory_space<hbm>> -> memref<16xi32, #tpu.memory_space<hbm>>
      %dma_wait3A_271 = arith.constant 96 : i32
      %dma_wait3A_272 = tpu.memref_slice %arg43[%dma_wait3A_271] : memref<144xi32, #tpu.memory_space<vmem>> -> memref<16xi32, #tpu.memory_space<vmem>>
      %dma_wait3A_273 = tpu.memref_slice %arg8[%add3A_24] : memref<16384xi32, #tpu.memory_space<hbm>> -> memref<16xi32, #tpu.memory_space<hbm>>
      tpu.wait_dma2 semaphore(%arg56 : memref<!tpu.dma_semaphore, #tpu.memory_space<semaphore_mem>>) src(%dma_wait3A_273 : memref<16xi32, #tpu.memory_space<hbm>>) dst(%dma_wait3A_272 : memref<16xi32, #tpu.memory_space<vmem>>)
      %dma_wait3A_274 = arith.constant 112 : i32
      %dma_wait3A_275 = tpu.memref_slice %arg43[%dma_wait3A_274] : memref<144xi32, #tpu.memory_space<vmem>> -> memref<16xi32, #tpu.memory_space<vmem>>
      %dma_wait3A_276 = tpu.memref_slice %arg9[%add3A_24] : memref<16384xi32, #tpu.memory_space<hbm>> -> memref<16xi32, #tpu.memory_space<hbm>>
      %dma_wait3A_277 = arith.constant 112 : i32
      %dma_wait3A_278 = tpu.memref_slice %arg43[%dma_wait3A_277] : memref<144xi32, #tpu.memory_space<vmem>> -> memref<16xi32, #tpu.memory_space<vmem>>
      %dma_wait3A_279 = tpu.memref_slice %arg9[%add3A_24] : memref<16384xi32, #tpu.memory_space<hbm>> -> memref<16xi32, #tpu.memory_space<hbm>>
      tpu.wait_dma2 semaphore(%arg56 : memref<!tpu.dma_semaphore, #tpu.memory_space<semaphore_mem>>) src(%dma_wait3A_279 : memref<16xi32, #tpu.memory_space<hbm>>) dst(%dma_wait3A_278 : memref<16xi32, #tpu.memory_space<vmem>>)
      %dma_wait3A_280 = arith.constant 128 : i32
      %dma_wait3A_281 = tpu.memref_slice %arg43[%dma_wait3A_280] : memref<144xi32, #tpu.memory_space<vmem>> -> memref<16xi32, #tpu.memory_space<vmem>>
      %dma_wait3A_282 = tpu.memref_slice %arg10[%add3A_24] : memref<16384xi32, #tpu.memory_space<hbm>> -> memref<16xi32, #tpu.memory_space<hbm>>
      %dma_wait3A_283 = arith.constant 128 : i32
      %dma_wait3A_284 = tpu.memref_slice %arg43[%dma_wait3A_283] : memref<144xi32, #tpu.memory_space<vmem>> -> memref<16xi32, #tpu.memory_space<vmem>>
      %dma_wait3A_285 = tpu.memref_slice %arg10[%add3A_24] : memref<16384xi32, #tpu.memory_space<hbm>> -> memref<16xi32, #tpu.memory_space<hbm>>
      tpu.wait_dma2 semaphore(%arg56 : memref<!tpu.dma_semaphore, #tpu.memory_space<semaphore_mem>>) src(%dma_wait3A_285 : memref<16xi32, #tpu.memory_space<hbm>>) dst(%dma_wait3A_284 : memref<16xi32, #tpu.memory_space<vmem>>)
      %get3A = arith.constant 64 : index
      %get3A_286 = tpu.vector_load %arg43[%get3A] {strides = array<i32>} : memref<144xi32, #tpu.memory_space<vmem>>, vector<16xi32>,
      %get3A_287 = vector.shape_cast %get3A_286 : vector<16xi32> to vector<16xi32>
      %mul3A_288 = arith.constant 10 : i32
      %mul3A_289 = vector.broadcast %mul3A_288 : i32 to vector<16xi32>
      %mul3A_290 = arith.muli %get3A_287, %mul3A_289 : vector<16xi32>
      %get3A_291 = arith.constant 80 : index
      %get3A_292 = tpu.vector_load %arg43[%get3A_291] {strides = array<i32>} : memref<144xi32, #tpu.memory_space<vmem>>, vector<16xi32>,
      %get3A_293 = vector.shape_cast %get3A_292 : vector<16xi32> to vector<16xi32>
      %add3A_294 = arith.addi %mul3A_290, %get3A_293 : vector<16xi32>
      %get3A_295 = arith.constant 96 : index
      %get3A_296 = tpu.vector_load %arg43[%get3A_295] {strides = array<i32>} : memref<144xi32, #tpu.memory_space<vmem>>, vector<16xi32>,
      %get3A_297 = vector.shape_cast %get3A_296 : vector<16xi32> to vector<16xi32>
      %mul3A_298 = arith.constant 375 : i32
      %mul3A_299 = vector.broadcast %mul3A_298 : i32 to vector<16xi32>
      %mul3A_300 = arith.muli %get3A_297, %mul3A_299 : vector<16xi32>
      %get3A_301 = arith.constant 112 : index
      %get3A_302 = tpu.vector_load %arg43[%get3A_301] {strides = array<i32>} : memref<144xi32, #tpu.memory_space<vmem>>, vector<16xi32>,
      %get3A_303 = vector.shape_cast %get3A_302 : vector<16xi32> to vector<16xi32>
      %mul3A_304 = arith.constant 15 : i32
      %mul3A_305 = vector.broadcast %mul3A_304 : i32 to vector<16xi32>
      %mul3A_306 = arith.muli %get3A_303, %mul3A_305 : vector<16xi32>
      %add3A_307 = arith.addi %mul3A_300, %mul3A_306 : vector<16xi32>
      %get3A_308 = arith.constant 128 : index
      %get3A_309 = tpu.vector_load %arg43[%get3A_308] {strides = array<i32>} : memref<144xi32, #tpu.memory_space<vmem>>, vector<16xi32>,
      %get3A_310 = vector.shape_cast %get3A_309 : vector<16xi32> to vector<16xi32>
      %add3A_311 = arith.addi %add3A_307, %get3A_310 : vector<16xi32>
      %dma_start3A_312 = arith.constant 0 : i32
      %dma_start3A_313 = tpu.memref_slice %arg43[%dma_start3A_312] : memref<144xi32, #tpu.memory_space<vmem>> -> memref<16xi32, #tpu.memory_space<vmem>>
      %dma_start3A_314 = arith.constant 0 : i32
      %dma_start3A_315 = arith.constant 0 : i32
      %dma_start3A_316 = tpu.memref_slice %arg24[%dma_start3A_314, %dma_start3A_315] : memref<1000000x64xf32, #tpu.memory_space<hbm>> -> memref<1000000x64xf32, #tpu.memory_space<hbm>>
      tpu.enqueue_indirect_dma source(%dma_start3A_316 : memref<1000000x64xf32, #tpu.memory_space<hbm>>) target(%arg45 : memref<16x64xf32, #tpu.memory_space<vmem>>) offsets(%dma_start3A_313 : memref<16xi32, #tpu.memory_space<vmem>>) semaphore(%arg55 : memref<!tpu.dma_semaphore, #tpu.memory_space<semaphore_mem>>)
      %dma_start3A_317 = arith.constant 16 : i32
      %dma_start3A_318 = tpu.memref_slice %arg43[%dma_start3A_317] : memref<144xi32, #tpu.memory_space<vmem>> -> memref<16xi32, #tpu.memory_space<vmem>>
      %dma_start3A_319 = arith.constant 0 : i32
      %dma_start3A_320 = arith.constant 0 : i32
      %dma_start3A_321 = tpu.memref_slice %arg27[%dma_start3A_319, %dma_start3A_320] : memref<25x16xf32, #tpu.memory_space<hbm>> -> memref<25x16xf32, #tpu.memory_space<hbm>>
      tpu.enqueue_indirect_dma source(%dma_start3A_321 : memref<25x16xf32, #tpu.memory_space<hbm>>) target(%arg46 : memref<16x16xf32, #tpu.memory_space<vmem>>) offsets(%dma_start3A_318 : memref<16xi32, #tpu.memory_space<vmem>>) semaphore(%arg55 : memref<!tpu.dma_semaphore, #tpu.memory_space<semaphore_mem>>)
      %dma_start3A_322 = arith.constant 32 : i32
      %dma_start3A_323 = tpu.memref_slice %arg43[%dma_start3A_322] : memref<144xi32, #tpu.memory_space<vmem>> -> memref<16xi32, #tpu.memory_space<vmem>>
      %dma_start3A_324 = arith.constant 0 : i32
      %dma_start3A_325 = arith.constant 0 : i32
      %dma_start3A_326 = tpu.memref_slice %arg30[%dma_start3A_324, %dma_start3A_325] : memref<50x16xf32, #tpu.memory_space<hbm>> -> memref<50x16xf32, #tpu.memory_space<hbm>>
      tpu.enqueue_indirect_dma source(%dma_start3A_326 : memref<50x16xf32, #tpu.memory_space<hbm>>) target(%arg47 : memref<16x16xf32, #tpu.memory_space<vmem>>) offsets(%dma_start3A_323 : memref<16xi32, #tpu.memory_space<vmem>>) semaphore(%arg55 : memref<!tpu.dma_semaphore, #tpu.memory_space<semaphore_mem>>)
      %dma_start3A_327 = arith.constant 48 : i32
      %dma_start3A_328 = tpu.memref_slice %arg43[%dma_start3A_327] : memref<144xi32, #tpu.memory_space<vmem>> -> memref<16xi32, #tpu.memory_space<vmem>>
      %dma_start3A_329 = arith.constant 0 : i32
      %dma_start3A_330 = arith.constant 0 : i32
      %dma_start3A_331 = tpu.memref_slice %arg29[%dma_start3A_329, %dma_start3A_330] : memref<12x16xf32, #tpu.memory_space<hbm>> -> memref<12x16xf32, #tpu.memory_space<hbm>>
      tpu.enqueue_indirect_dma source(%dma_start3A_331 : memref<12x16xf32, #tpu.memory_space<hbm>>) target(%arg48 : memref<16x16xf32, #tpu.memory_space<vmem>>) offsets(%dma_start3A_328 : memref<16xi32, #tpu.memory_space<vmem>>) semaphore(%arg55 : memref<!tpu.dma_semaphore, #tpu.memory_space<semaphore_mem>>)
      %dma_start3A_332 = arith.constant 0 : i32
      %dma_start3A_333 = arith.constant 0 : i32
      %dma_start3A_334 = tpu.memref_slice %arg28[%dma_start3A_332, %dma_start3A_333] : memref<30x16xf32, #tpu.memory_space<hbm>> -> memref<30x16xf32, #tpu.memory_space<hbm>>
      tpu.enqueue_indirect_dma source(%dma_start3A_334 : memref<30x16xf32, #tpu.memory_space<hbm>>) target(%arg49 : memref<16x16xf32, #tpu.memory_space<vmem>>) offsets(%add3A_294 : vector<16xi32>) semaphore(%arg55 : memref<!tpu.dma_semaphore, #tpu.memory_space<semaphore_mem>>)
      %dma_start3A_335 = arith.constant 0 : i32
      %dma_start3A_336 = arith.constant 0 : i32
      %dma_start3A_337 = tpu.memref_slice %arg31[%dma_start3A_335, %dma_start3A_336] : memref<3750x32xf32, #tpu.memory_space<hbm>> -> memref<3750x32xf32, #tpu.memory_space<hbm>>
      tpu.enqueue_indirect_dma source(%dma_start3A_337 : memref<3750x32xf32, #tpu.memory_space<hbm>>) target(%arg50 : memref<16x32xf32, #tpu.memory_space<vmem>>) offsets(%add3A_311 : vector<16xi32>) semaphore(%arg55 : memref<!tpu.dma_semaphore, #tpu.memory_space<semaphore_mem>>)
      %dma_wait3A_338 = arith.constant 0 : i32
      %dma_wait3A_339 = arith.constant 0 : i32
      %dma_wait3A_340 = tpu.memref_slice %arg26[%dma_wait3A_338, %dma_wait3A_339] : memref<1000x32xf32, #tpu.memory_space<hbm>> -> memref<1000x32xf32, #tpu.memory_space<hbm>>
      tpu.wait_indirect_dma semaphore(%arg55 : memref<!tpu.dma_semaphore, #tpu.memory_space<semaphore_mem>>) src(%dma_wait3A_340 : memref<1000x32xf32, #tpu.memory_space<hbm>>) dst(%arg42 : memref<128x32xf32, #tpu.memory_space<vmem>>)
      %scan3A_341 = arith.constant 0 : i32
      %scan3A_342 = arith.constant 0 : i32
      %scan3A_343 = arith.constant 16 : i32
      %scan3A_344 = arith.addi %scan3A_342, %scan3A_343 : i32
      %scan3A_345 = arith.constant 1 : i32
      scf.for %scan3A_545 = %scan3A_342 to %scan3A_344 step %scan3A_345  : i32 {
        %mul3A_546 = arith.constant 8 : i32
        %mul3A_547 = arith.muli %scan3A_545, %mul3A_546 : i32
        %broadcast_in_dim3A = arith.constant 0.000000e+00 : f32
        %broadcast_in_dim3A_548 = vector.broadcast %broadcast_in_dim3A : f32 to vector<16xf32>
        %broadcast_in_dim3A_549 = arith.constant 0.000000e+00 : f32
        %broadcast_in_dim3A_550 = vector.broadcast %broadcast_in_dim3A_549 : f32 to vector<16xf32>
        %scan3A_551 = arith.constant 0 : i32
        %scan3A_552 = arith.constant 2 : i32
        %scan3A_553 = arith.addi %scan3A_551, %scan3A_552 : i32
        %scan3A_554 = arith.constant 1 : i32
        %scan3A_555:2 = scf.for %scan3A_576 = %scan3A_551 to %scan3A_553 step %scan3A_554 iter_args(%scan3A_577 = %broadcast_in_dim3A_548, %scan3A_578 = %broadcast_in_dim3A_550) -> (vector<16xf32>, vector<16xf32>)  : i32 {
          %mul3A_579 = arith.constant 4 : i32
          %mul3A_580 = arith.muli %scan3A_576, %mul3A_579 : i32
          %add3A_581 = arith.addi %mul3A_547, %mul3A_580 : i32
          %add3A_582 = arith.constant 0 : i32
          %add3A_583 = arith.addi %add3A_581, %add3A_582 : i32
          %get3A_584 = arith.index_cast %add3A_583 : i32 to index
          %get3A_585 = arith.constant 0 : index
          %get3A_586 = tpu.vector_load %arg42[%get3A_584, %get3A_585] {strides = array<i32>} : memref<128x32xf32, #tpu.memory_space<vmem>>, vector<1x16xf32>,
          %get3A_587 = vector.shape_cast %get3A_586 : vector<1x16xf32> to vector<16xf32>
          %get3A_588 = arith.index_cast %add3A_583 : i32 to index
          %get3A_589 = arith.constant 16 : index
          %get3A_590 = tpu.vector_load %arg42[%get3A_588, %get3A_589] {strides = array<i32>} : memref<128x32xf32, #tpu.memory_space<vmem>>, vector<1x16xf32>,
          %get3A_591 = vector.shape_cast %get3A_590 : vector<1x16xf32> to vector<16xf32>
          %get3A_592 = arith.index_cast %add3A_583 : i32 to index
          %get3A_593 = tpu.vector_load %arg41[%get3A_592] {strides = array<i32>} : memref<144xf32, #tpu.memory_space<vmem>>, vector<16xf32>,
          %get3A_594 = vector.shape_cast %get3A_593 : vector<16xf32> to vector<16xf32>
          %and3A = arith.constant 0 : i32
          %and3A_595 = vector.broadcast %and3A : i32 to vector<16xi32>
          %and3A_596 = arith.andi %iota3A, %and3A_595 : vector<16xi32>
          %broadcast_in_dim3A_597 = vector.shape_cast %and3A_596 : vector<16xi32> to vector<16x1xi32>
          %gather3A = vector.shape_cast %broadcast_in_dim3A_597 : vector<16x1xi32> to vector<16xi32>
          %gather3A_598 = tpu.dynamic_gather %get3A_594[%gather3A] in [0] : vector<16xf32>, vector<16xi32> -> vector<16xf32>
          %mul3A_599 = arith.mulf %get3A_587, %gather3A_598 : vector<16xf32>
          %add3A_600 = arith.addf %scan3A_577, %mul3A_599 : vector<16xf32>
          %mul3A_601 = arith.mulf %get3A_591, %gather3A_598 : vector<16xf32>
          %add3A_602 = arith.addf %scan3A_578, %mul3A_601 : vector<16xf32>
          %mul3A_603 = arith.constant 4 : i32
          %mul3A_604 = arith.muli %scan3A_576, %mul3A_603 : i32
          %add3A_605 = arith.addi %mul3A_547, %mul3A_604 : i32
          %add3A_606 = arith.constant 1 : i32
          %add3A_607 = arith.addi %add3A_605, %add3A_606 : i32
          %get3A_608 = arith.index_cast %add3A_607 : i32 to index
          %get3A_609 = arith.constant 0 : index
          %get3A_610 = tpu.vector_load %arg42[%get3A_608, %get3A_609] {strides = array<i32>} : memref<128x32xf32, #tpu.memory_space<vmem>>, vector<1x16xf32>,
          %get3A_611 = vector.shape_cast %get3A_610 : vector<1x16xf32> to vector<16xf32>
          %get3A_612 = arith.index_cast %add3A_607 : i32 to index
          %get3A_613 = arith.constant 16 : index
          %get3A_614 = tpu.vector_load %arg42[%get3A_612, %get3A_613] {strides = array<i32>} : memref<128x32xf32, #tpu.memory_space<vmem>>, vector<1x16xf32>,
          %get3A_615 = vector.shape_cast %get3A_614 : vector<1x16xf32> to vector<16xf32>
          %get3A_616 = arith.index_cast %add3A_607 : i32 to index
          %get3A_617 = tpu.vector_load %arg41[%get3A_616] {strides = array<i32>} : memref<144xf32, #tpu.memory_space<vmem>>, vector<16xf32>,
          %get3A_618 = vector.shape_cast %get3A_617 : vector<16xf32> to vector<16xf32>
          %and3A_619 = arith.constant 0 : i32
          %and3A_620 = vector.broadcast %and3A_619 : i32 to vector<16xi32>
          %and3A_621 = arith.andi %iota3A, %and3A_620 : vector<16xi32>
          %broadcast_in_dim3A_622 = vector.shape_cast %and3A_621 : vector<16xi32> to vector<16x1xi32>
          %gather3A_623 = vector.shape_cast %broadcast_in_dim3A_622 : vector<16x1xi32> to vector<16xi32>
          %gather3A_624 = tpu.dynamic_gather %get3A_618[%gather3A_623] in [0] : vector<16xf32>, vector<16xi32> -> vector<16xf32>
          %mul3A_625 = arith.mulf %get3A_611, %gather3A_624 : vector<16xf32>
          %add3A_626 = arith.addf %add3A_600, %mul3A_625 : vector<16xf32>
          %mul3A_627 = arith.mulf %get3A_615, %gather3A_624 : vector<16xf32>
          %add3A_628 = arith.addf %add3A_602, %mul3A_627 : vector<16xf32>
          %mul3A_629 = arith.constant 4 : i32
          %mul3A_630 = arith.muli %scan3A_576, %mul3A_629 : i32
          %add3A_631 = arith.addi %mul3A_547, %mul3A_630 : i32
          %add3A_632 = arith.constant 2 : i32
          %add3A_633 = arith.addi %add3A_631, %add3A_632 : i32
          %get3A_634 = arith.index_cast %add3A_633 : i32 to index
          %get3A_635 = arith.constant 0 : index
          %get3A_636 = tpu.vector_load %arg42[%get3A_634, %get3A_635] {strides = array<i32>} : memref<128x32xf32, #tpu.memory_space<vmem>>, vector<1x16xf32>,
          %get3A_637 = vector.shape_cast %get3A_636 : vector<1x16xf32> to vector<16xf32>
          %get3A_638 = arith.index_cast %add3A_633 : i32 to index
          %get3A_639 = arith.constant 16 : index
          %get3A_640 = tpu.vector_load %arg42[%get3A_638, %get3A_639] {strides = array<i32>} : memref<128x32xf32, #tpu.memory_space<vmem>>, vector<1x16xf32>,
          %get3A_641 = vector.shape_cast %get3A_640 : vector<1x16xf32> to vector<16xf32>
          %get3A_642 = arith.index_cast %add3A_633 : i32 to index
          %get3A_643 = tpu.vector_load %arg41[%get3A_642] {strides = array<i32>} : memref<144xf32, #tpu.memory_space<vmem>>, vector<16xf32>,
          %get3A_644 = vector.shape_cast %get3A_643 : vector<16xf32> to vector<16xf32>
          %and3A_645 = arith.constant 0 : i32
          %and3A_646 = vector.broadcast %and3A_645 : i32 to vector<16xi32>
          %and3A_647 = arith.andi %iota3A, %and3A_646 : vector<16xi32>
          %broadcast_in_dim3A_648 = vector.shape_cast %and3A_647 : vector<16xi32> to vector<16x1xi32>
          %gather3A_649 = vector.shape_cast %broadcast_in_dim3A_648 : vector<16x1xi32> to vector<16xi32>
          %gather3A_650 = tpu.dynamic_gather %get3A_644[%gather3A_649] in [0] : vector<16xf32>, vector<16xi32> -> vector<16xf32>
          %mul3A_651 = arith.mulf %get3A_637, %gather3A_650 : vector<16xf32>
          %add3A_652 = arith.addf %add3A_626, %mul3A_651 : vector<16xf32>
          %mul3A_653 = arith.mulf %get3A_641, %gather3A_650 : vector<16xf32>
          %add3A_654 = arith.addf %add3A_628, %mul3A_653 : vector<16xf32>
          %mul3A_655 = arith.constant 4 : i32
          %mul3A_656 = arith.muli %scan3A_576, %mul3A_655 : i32
          %add3A_657 = arith.addi %mul3A_547, %mul3A_656 : i32
          %add3A_658 = arith.constant 3 : i32
          %add3A_659 = arith.addi %add3A_657, %add3A_658 : i32
          %get3A_660 = arith.index_cast %add3A_659 : i32 to index
          %get3A_661 = arith.constant 0 : index
          %get3A_662 = tpu.vector_load %arg42[%get3A_660, %get3A_661] {strides = array<i32>} : memref<128x32xf32, #tpu.memory_space<vmem>>, vector<1x16xf32>,
          %get3A_663 = vector.shape_cast %get3A_662 : vector<1x16xf32> to vector<16xf32>
          %get3A_664 = arith.index_cast %add3A_659 : i32 to index
          %get3A_665 = arith.constant 16 : index
          %get3A_666 = tpu.vector_load %arg42[%get3A_664, %get3A_665] {strides = array<i32>} : memref<128x32xf32, #tpu.memory_space<vmem>>, vector<1x16xf32>,
          %get3A_667 = vector.shape_cast %get3A_666 : vector<1x16xf32> to vector<16xf32>
          %get3A_668 = arith.index_cast %add3A_659 : i32 to index
          %get3A_669 = tpu.vector_load %arg41[%get3A_668] {strides = array<i32>} : memref<144xf32, #tpu.memory_space<vmem>>, vector<16xf32>,
          %get3A_670 = vector.shape_cast %get3A_669 : vector<16xf32> to vector<16xf32>
          %and3A_671 = arith.constant 0 : i32
          %and3A_672 = vector.broadcast %and3A_671 : i32 to vector<16xi32>
          %and3A_673 = arith.andi %iota3A, %and3A_672 : vector<16xi32>
          %broadcast_in_dim3A_674 = vector.shape_cast %and3A_673 : vector<16xi32> to vector<16x1xi32>
          %gather3A_675 = vector.shape_cast %broadcast_in_dim3A_674 : vector<16x1xi32> to vector<16xi32>
          %gather3A_676 = tpu.dynamic_gather %get3A_670[%gather3A_675] in [0] : vector<16xf32>, vector<16xi32> -> vector<16xf32>
          %mul3A_677 = arith.mulf %get3A_663, %gather3A_676 : vector<16xf32>
          %add3A_678 = arith.addf %add3A_652, %mul3A_677 : vector<16xf32>
          %mul3A_679 = arith.mulf %get3A_667, %gather3A_676 : vector<16xf32>
          %add3A_680 = arith.addf %add3A_654, %mul3A_679 : vector<16xf32>
          scf.yield %add3A_678, %add3A_680 : vector<16xf32>, vector<16xf32>
        }
        %scan3A_556 = arith.constant 2 : i32
        %mul3A_557 = arith.constant 32 : i32
        %mul3A_558 = arith.muli %scan3A_545, %mul3A_557 : i32
        %add3A_559 = arith.constant 0 : i32
        %add3A_560 = arith.addi %mul3A_558, %add3A_559 : i32
        %add3A_561 = arith.constant 0 : i32
        %add3A_562 = arith.addi %add3A_560, %add3A_561 : i32
        %swap3A = arith.index_cast %add3A_562 : i32 to index
        %swap3A_563 = tpu.vector_load %arg51[%swap3A] {strides = array<i32>} : memref<512xf32, #tpu.memory_space<vmem>>, vector<16xf32>,
        %swap3A_564 = vector.shape_cast %swap3A_563 : vector<16xf32> to vector<16xf32>
        %swap3A_565 = vector.shape_cast %scan3A_555#0 : vector<16xf32> to vector<16xf32>
        tpu.vector_store %arg51[%swap3A], %swap3A_565 {strides = array<i32>} : memref<512xf32, #tpu.memory_space<vmem>>, vector<16xf32>,
        %mul3A_566 = arith.constant 32 : i32
        %mul3A_567 = arith.muli %scan3A_545, %mul3A_566 : i32
        %add3A_568 = arith.constant 0 : i32
        %add3A_569 = arith.addi %mul3A_567, %add3A_568 : i32
        %add3A_570 = arith.constant 16 : i32
        %add3A_571 = arith.addi %add3A_569, %add3A_570 : i32
        %swap3A_572 = arith.index_cast %add3A_571 : i32 to index
        %swap3A_573 = tpu.vector_load %arg51[%swap3A_572] {strides = array<i32>} : memref<512xf32, #tpu.memory_space<vmem>>, vector<16xf32>,
        %swap3A_574 = vector.shape_cast %swap3A_573 : vector<16xf32> to vector<16xf32>
        %swap3A_575 = vector.shape_cast %scan3A_555#1 : vector<16xf32> to vector<16xf32>
        tpu.vector_store %arg51[%swap3A_572], %swap3A_575 {strides = array<i32>} : memref<512xf32, #tpu.memory_space<vmem>>, vector<16xf32>,
      }
      %scan3A_346 = arith.constant 16 : i32
      %dma_wait3A_347 = arith.constant 0 : i32
      %dma_wait3A_348 = tpu.memref_slice %arg43[%dma_wait3A_347] : memref<144xi32, #tpu.memory_space<vmem>> -> memref<16xi32, #tpu.memory_space<vmem>>
      %dma_wait3A_349 = arith.constant 0 : i32
      %dma_wait3A_350 = arith.constant 0 : i32
      %dma_wait3A_351 = tpu.memref_slice %arg24[%dma_wait3A_349, %dma_wait3A_350] : memref<1000000x64xf32, #tpu.memory_space<hbm>> -> memref<1000000x64xf32, #tpu.memory_space<hbm>>
      tpu.wait_indirect_dma semaphore(%arg55 : memref<!tpu.dma_semaphore, #tpu.memory_space<semaphore_mem>>) src(%dma_wait3A_351 : memref<1000000x64xf32, #tpu.memory_space<hbm>>) dst(%arg45 : memref<16x64xf32, #tpu.memory_space<vmem>>)
      %dma_wait3A_352 = arith.constant 16 : i32
      %dma_wait3A_353 = tpu.memref_slice %arg43[%dma_wait3A_352] : memref<144xi32, #tpu.memory_space<vmem>> -> memref<16xi32, #tpu.memory_space<vmem>>
      %dma_wait3A_354 = arith.constant 0 : i32
      %dma_wait3A_355 = arith.constant 0 : i32
      %dma_wait3A_356 = tpu.memref_slice %arg27[%dma_wait3A_354, %dma_wait3A_355] : memref<25x16xf32, #tpu.memory_space<hbm>> -> memref<25x16xf32, #tpu.memory_space<hbm>>
      tpu.wait_indirect_dma semaphore(%arg55 : memref<!tpu.dma_semaphore, #tpu.memory_space<semaphore_mem>>) src(%dma_wait3A_356 : memref<25x16xf32, #tpu.memory_space<hbm>>) dst(%arg46 : memref<16x16xf32, #tpu.memory_space<vmem>>)
      %dma_wait3A_357 = arith.constant 32 : i32
      %dma_wait3A_358 = tpu.memref_slice %arg43[%dma_wait3A_357] : memref<144xi32, #tpu.memory_space<vmem>> -> memref<16xi32, #tpu.memory_space<vmem>>
      %dma_wait3A_359 = arith.constant 0 : i32
      %dma_wait3A_360 = arith.constant 0 : i32
      %dma_wait3A_361 = tpu.memref_slice %arg30[%dma_wait3A_359, %dma_wait3A_360] : memref<50x16xf32, #tpu.memory_space<hbm>> -> memref<50x16xf32, #tpu.memory_space<hbm>>
      tpu.wait_indirect_dma semaphore(%arg55 : memref<!tpu.dma_semaphore, #tpu.memory_space<semaphore_mem>>) src(%dma_wait3A_361 : memref<50x16xf32, #tpu.memory_space<hbm>>) dst(%arg47 : memref<16x16xf32, #tpu.memory_space<vmem>>)
      %dma_wait3A_362 = arith.constant 48 : i32
      %dma_wait3A_363 = tpu.memref_slice %arg43[%dma_wait3A_362] : memref<144xi32, #tpu.memory_space<vmem>> -> memref<16xi32, #tpu.memory_space<vmem>>
      %dma_wait3A_364 = arith.constant 0 : i32
      %dma_wait3A_365 = arith.constant 0 : i32
      %dma_wait3A_366 = tpu.memref_slice %arg29[%dma_wait3A_364, %dma_wait3A_365] : memref<12x16xf32, #tpu.memory_space<hbm>> -> memref<12x16xf32, #tpu.memory_space<hbm>>
      tpu.wait_indirect_dma semaphore(%arg55 : memref<!tpu.dma_semaphore, #tpu.memory_space<semaphore_mem>>) src(%dma_wait3A_366 : memref<12x16xf32, #tpu.memory_space<hbm>>) dst(%arg48 : memref<16x16xf32, #tpu.memory_space<vmem>>)
      %dma_wait3A_367 = arith.constant 0 : i32
      %dma_wait3A_368 = arith.constant 0 : i32
      %dma_wait3A_369 = tpu.memref_slice %arg28[%dma_wait3A_367, %dma_wait3A_368] : memref<30x16xf32, #tpu.memory_space<hbm>> -> memref<30x16xf32, #tpu.memory_space<hbm>>
      tpu.wait_indirect_dma semaphore(%arg55 : memref<!tpu.dma_semaphore, #tpu.memory_space<semaphore_mem>>) src(%dma_wait3A_369 : memref<30x16xf32, #tpu.memory_space<hbm>>) dst(%arg49 : memref<16x16xf32, #tpu.memory_space<vmem>>)
      %dma_wait3A_370 = arith.constant 0 : i32
      %dma_wait3A_371 = arith.constant 0 : i32
      %dma_wait3A_372 = tpu.memref_slice %arg31[%dma_wait3A_370, %dma_wait3A_371] : memref<3750x32xf32, #tpu.memory_space<hbm>> -> memref<3750x32xf32, #tpu.memory_space<hbm>>
      tpu.wait_indirect_dma semaphore(%arg55 : memref<!tpu.dma_semaphore, #tpu.memory_space<semaphore_mem>>) src(%dma_wait3A_372 : memref<3750x32xf32, #tpu.memory_space<hbm>>) dst(%arg50 : memref<16x32xf32, #tpu.memory_space<vmem>>)
      %dma_wait3A_373 = arith.constant 0 : i32
      %dma_wait3A_374 = tpu.memref_slice %arg44[%dma_wait3A_373] : memref<96xf32, #tpu.memory_space<vmem>> -> memref<16xf32, #tpu.memory_space<vmem>>
      %dma_wait3A_375 = tpu.memref_slice %arg11[%add3A_24] : memref<16384xf32, #tpu.memory_space<hbm>> -> memref<16xf32, #tpu.memory_space<hbm>>
      %dma_wait3A_376 = arith.constant 0 : i32
      %dma_wait3A_377 = tpu.memref_slice %arg44[%dma_wait3A_376] : memref<96xf32, #tpu.memory_space<vmem>> -> memref<16xf32, #tpu.memory_space<vmem>>
      %dma_wait3A_378 = tpu.memref_slice %arg11[%add3A_24] : memref<16384xf32, #tpu.memory_space<hbm>> -> memref<16xf32, #tpu.memory_space<hbm>>
      tpu.wait_dma2 semaphore(%arg56 : memref<!tpu.dma_semaphore, #tpu.memory_space<semaphore_mem>>) src(%dma_wait3A_378 : memref<16xf32, #tpu.memory_space<hbm>>) dst(%dma_wait3A_377 : memref<16xf32, #tpu.memory_space<vmem>>)
      %dma_wait3A_379 = arith.constant 16 : i32
      %dma_wait3A_380 = tpu.memref_slice %arg44[%dma_wait3A_379] : memref<96xf32, #tpu.memory_space<vmem>> -> memref<16xf32, #tpu.memory_space<vmem>>
      %dma_wait3A_381 = tpu.memref_slice %arg12[%add3A_24] : memref<16384xf32, #tpu.memory_space<hbm>> -> memref<16xf32, #tpu.memory_space<hbm>>
      %dma_wait3A_382 = arith.constant 16 : i32
      %dma_wait3A_383 = tpu.memref_slice %arg44[%dma_wait3A_382] : memref<96xf32, #tpu.memory_space<vmem>> -> memref<16xf32, #tpu.memory_space<vmem>>
      %dma_wait3A_384 = tpu.memref_slice %arg12[%add3A_24] : memref<16384xf32, #tpu.memory_space<hbm>> -> memref<16xf32, #tpu.memory_space<hbm>>
      tpu.wait_dma2 semaphore(%arg56 : memref<!tpu.dma_semaphore, #tpu.memory_space<semaphore_mem>>) src(%dma_wait3A_384 : memref<16xf32, #tpu.memory_space<hbm>>) dst(%dma_wait3A_383 : memref<16xf32, #tpu.memory_space<vmem>>)
      %dma_wait3A_385 = arith.constant 32 : i32
      %dma_wait3A_386 = tpu.memref_slice %arg44[%dma_wait3A_385] : memref<96xf32, #tpu.memory_space<vmem>> -> memref<16xf32, #tpu.memory_space<vmem>>
      %dma_wait3A_387 = tpu.memref_slice %arg13[%add3A_24] : memref<16384xf32, #tpu.memory_space<hbm>> -> memref<16xf32, #tpu.memory_space<hbm>>
      %dma_wait3A_388 = arith.constant 32 : i32
      %dma_wait3A_389 = tpu.memref_slice %arg44[%dma_wait3A_388] : memref<96xf32, #tpu.memory_space<vmem>> -> memref<16xf32, #tpu.memory_space<vmem>>
      %dma_wait3A_390 = tpu.memref_slice %arg13[%add3A_24] : memref<16384xf32, #tpu.memory_space<hbm>> -> memref<16xf32, #tpu.memory_space<hbm>>
      tpu.wait_dma2 semaphore(%arg56 : memref<!tpu.dma_semaphore, #tpu.memory_space<semaphore_mem>>) src(%dma_wait3A_390 : memref<16xf32, #tpu.memory_space<hbm>>) dst(%dma_wait3A_389 : memref<16xf32, #tpu.memory_space<vmem>>)
      %dma_wait3A_391 = arith.constant 48 : i32
      %dma_wait3A_392 = tpu.memref_slice %arg44[%dma_wait3A_391] : memref<96xf32, #tpu.memory_space<vmem>> -> memref<16xf32, #tpu.memory_space<vmem>>
      %dma_wait3A_393 = tpu.memref_slice %arg14[%add3A_24] : memref<16384xf32, #tpu.memory_space<hbm>> -> memref<16xf32, #tpu.memory_space<hbm>>
      %dma_wait3A_394 = arith.constant 48 : i32
      %dma_wait3A_395 = tpu.memref_slice %arg44[%dma_wait3A_394] : memref<96xf32, #tpu.memory_space<vmem>> -> memref<16xf32, #tpu.memory_space<vmem>>
      %dma_wait3A_396 = tpu.memref_slice %arg14[%add3A_24] : memref<16384xf32, #tpu.memory_space<hbm>> -> memref<16xf32, #tpu.memory_space<hbm>>
      tpu.wait_dma2 semaphore(%arg56 : memref<!tpu.dma_semaphore, #tpu.memory_space<semaphore_mem>>) src(%dma_wait3A_396 : memref<16xf32, #tpu.memory_space<hbm>>) dst(%dma_wait3A_395 : memref<16xf32, #tpu.memory_space<vmem>>)
      %dma_wait3A_397 = arith.constant 64 : i32
      %dma_wait3A_398 = tpu.memref_slice %arg44[%dma_wait3A_397] : memref<96xf32, #tpu.memory_space<vmem>> -> memref<16xf32, #tpu.memory_space<vmem>>
      %dma_wait3A_399 = tpu.memref_slice %arg15[%add3A_24] : memref<16384xf32, #tpu.memory_space<hbm>> -> memref<16xf32, #tpu.memory_space<hbm>>
      %dma_wait3A_400 = arith.constant 64 : i32
      %dma_wait3A_401 = tpu.memref_slice %arg44[%dma_wait3A_400] : memref<96xf32, #tpu.memory_space<vmem>> -> memref<16xf32, #tpu.memory_space<vmem>>
      %dma_wait3A_402 = tpu.memref_slice %arg15[%add3A_24] : memref<16384xf32, #tpu.memory_space<hbm>> -> memref<16xf32, #tpu.memory_space<hbm>>
      tpu.wait_dma2 semaphore(%arg56 : memref<!tpu.dma_semaphore, #tpu.memory_space<semaphore_mem>>) src(%dma_wait3A_402 : memref<16xf32, #tpu.memory_space<hbm>>) dst(%dma_wait3A_401 : memref<16xf32, #tpu.memory_space<vmem>>)
      %dma_wait3A_403 = arith.constant 80 : i32
      %dma_wait3A_404 = tpu.memref_slice %arg44[%dma_wait3A_403] : memref<96xf32, #tpu.memory_space<vmem>> -> memref<16xf32, #tpu.memory_space<vmem>>
      %dma_wait3A_405 = tpu.memref_slice %arg16[%add3A_24] : memref<16384xf32, #tpu.memory_space<hbm>> -> memref<16xf32, #tpu.memory_space<hbm>>
      %dma_wait3A_406 = arith.constant 80 : i32
      %dma_wait3A_407 = tpu.memref_slice %arg44[%dma_wait3A_406] : memref<96xf32, #tpu.memory_space<vmem>> -> memref<16xf32, #tpu.memory_space<vmem>>
      %dma_wait3A_408 = tpu.memref_slice %arg16[%add3A_24] : memref<16384xf32, #tpu.memory_space<hbm>> -> memref<16xf32, #tpu.memory_space<hbm>>
      tpu.wait_dma2 semaphore(%arg56 : memref<!tpu.dma_semaphore, #tpu.memory_space<semaphore_mem>>) src(%dma_wait3A_408 : memref<16xf32, #tpu.memory_space<hbm>>) dst(%dma_wait3A_407 : memref<16xf32, #tpu.memory_space<vmem>>)
      %scan3A_409 = arith.constant 0 : i32
      %scan3A_410 = arith.constant 0 : i32
      %scan3A_411 = arith.constant 16 : i32
      %scan3A_412 = arith.addi %scan3A_410, %scan3A_411 : i32
      %scan3A_413 = arith.constant 1 : i32
      scf.for %scan3A_545 = %scan3A_410 to %scan3A_412 step %scan3A_413  : i32 {
        %mul3A_546 = arith.constant 374 : i32
        %mul3A_547 = arith.muli %scan3A_545, %mul3A_546 : i32
        %get3A_548 = arith.index_cast %scan3A_545 : i32 to index
        %get3A_549 = arith.constant 0 : index
        %get3A_550 = tpu.vector_load %arg46[%get3A_548, %get3A_549] {strides = array<i32>} : memref<16x16xf32, #tpu.memory_space<vmem>>, vector<1x16xf32>,
        %get3A_551 = vector.shape_cast %get3A_550 : vector<1x16xf32> to vector<16xf32>
        %add3A_552 = arith.constant 0 : i32
        %add3A_553 = arith.addi %mul3A_547, %add3A_552 : i32
        %swap3A = arith.index_cast %add3A_553 : i32 to index
        %swap3A_554 = tpu.vector_load %arg52[%swap3A] {strides = array<i32>} : memref<5984xf32, #tpu.memory_space<vmem>>, vector<16xf32>,
        %swap3A_555 = vector.shape_cast %swap3A_554 : vector<16xf32> to vector<16xf32>
        %swap3A_556 = vector.shape_cast %get3A_551 : vector<16xf32> to vector<16xf32>
        tpu.vector_store %arg52[%swap3A], %swap3A_556 {strides = array<i32>} : memref<5984xf32, #tpu.memory_space<vmem>>, vector<16xf32>,
        %get3A_557 = arith.index_cast %scan3A_545 : i32 to index
        %get3A_558 = arith.constant 0 : index
        %get3A_559 = tpu.vector_load %arg49[%get3A_557, %get3A_558] {strides = array<i32>} : memref<16x16xf32, #tpu.memory_space<vmem>>, vector<1x16xf32>,
        %get3A_560 = vector.shape_cast %get3A_559 : vector<1x16xf32> to vector<16xf32>
        %add3A_561 = arith.constant 16 : i32
        %add3A_562 = arith.addi %mul3A_547, %add3A_561 : i32
        %swap3A_563 = arith.index_cast %add3A_562 : i32 to index
        %swap3A_564 = tpu.vector_load %arg52[%swap3A_563] {strides = array<i32>} : memref<5984xf32, #tpu.memory_space<vmem>>, vector<16xf32>,
        %swap3A_565 = vector.shape_cast %swap3A_564 : vector<16xf32> to vector<16xf32>
        %swap3A_566 = vector.shape_cast %get3A_560 : vector<16xf32> to vector<16xf32>
        tpu.vector_store %arg52[%swap3A_563], %swap3A_566 {strides = array<i32>} : memref<5984xf32, #tpu.memory_space<vmem>>, vector<16xf32>,
        %get3A_567 = arith.constant 0 : index
        %get3A_568 = tpu.vector_load %arg44[%get3A_567] {strides = array<i32>} : memref<96xf32, #tpu.memory_space<vmem>>, vector<16xf32>,
        %get3A_569 = vector.shape_cast %get3A_568 : vector<16xf32> to vector<16xf32>
        %mul3A_570 = arith.constant 0 : i32
        %mul3A_571 = vector.broadcast %mul3A_570 : i32 to vector<16xi32>
        %mul3A_572 = arith.muli %iota3A, %mul3A_571 : vector<16xi32>
        %add3A_573 = vector.broadcast %scan3A_545 : i32 to vector<16xi32>
        %add3A_574 = arith.addi %mul3A_572, %add3A_573 : vector<16xi32>
        %and3A = arith.constant 15 : i32
        %and3A_575 = vector.broadcast %and3A : i32 to vector<16xi32>
        %and3A_576 = arith.andi %add3A_574, %and3A_575 : vector<16xi32>
        %broadcast_in_dim3A = vector.shape_cast %and3A_576 : vector<16xi32> to vector<16x1xi32>
        %gather3A = vector.shape_cast %broadcast_in_dim3A : vector<16x1xi32> to vector<16xi32>
        %gather3A_577 = tpu.dynamic_gather %get3A_569[%gather3A] in [0] : vector<16xf32>, vector<16xi32> -> vector<16xf32>
        %mul3A_578 = arith.mulf %gather3A_577, %max3A_6 : vector<16xf32>
        %get3A_579 = arith.constant 16 : index
        %get3A_580 = tpu.vector_load %arg44[%get3A_579] {strides = array<i32>} : memref<96xf32, #tpu.memory_space<vmem>>, vector<16xf32>,
        %get3A_581 = vector.shape_cast %get3A_580 : vector<16xf32> to vector<16xf32>
        %mul3A_582 = arith.constant 0 : i32
        %mul3A_583 = vector.broadcast %mul3A_582 : i32 to vector<16xi32>
        %mul3A_584 = arith.muli %iota3A, %mul3A_583 : vector<16xi32>
        %add3A_585 = vector.broadcast %scan3A_545 : i32 to vector<16xi32>
        %add3A_586 = arith.addi %mul3A_584, %add3A_585 : vector<16xi32>
        %and3A_587 = arith.constant 15 : i32
        %and3A_588 = vector.broadcast %and3A_587 : i32 to vector<16xi32>
        %and3A_589 = arith.andi %add3A_586, %and3A_588 : vector<16xi32>
        %broadcast_in_dim3A_590 = vector.shape_cast %and3A_589 : vector<16xi32> to vector<16x1xi32>
        %gather3A_591 = vector.shape_cast %broadcast_in_dim3A_590 : vector<16x1xi32> to vector<16xi32>
        %gather3A_592 = tpu.dynamic_gather %get3A_581[%gather3A_591] in [0] : vector<16xf32>, vector<16xi32> -> vector<16xf32>
        %mul3A_593 = arith.mulf %gather3A_592, %max3A_15 : vector<16xf32>
        %add3A_594 = arith.addf %mul3A_578, %mul3A_593 : vector<16xf32>
        %add3A_595 = arith.constant 32 : i32
        %add3A_596 = arith.addi %mul3A_547, %add3A_595 : i32
        %swap3A_597 = arith.index_cast %add3A_596 : i32 to index
        %swap3A_598 = tpu.vector_load %arg52[%swap3A_597] {strides = array<i32>} : memref<5984xf32, #tpu.memory_space<vmem>>, vector<16xf32>,
        %swap3A_599 = vector.shape_cast %swap3A_598 : vector<16xf32> to vector<16xf32>
        %swap3A_600 = vector.shape_cast %add3A_594 : vector<16xf32> to vector<16xf32>
        tpu.vector_store %arg52[%swap3A_597], %swap3A_600 {strides = array<i32>} : memref<5984xf32, #tpu.memory_space<vmem>>, vector<16xf32>,
        %get3A_601 = arith.index_cast %scan3A_545 : i32 to index
        %get3A_602 = arith.constant 0 : index
        %get3A_603 = tpu.vector_load %arg48[%get3A_601, %get3A_602] {strides = array<i32>} : memref<16x16xf32, #tpu.memory_space<vmem>>, vector<1x16xf32>,
        %get3A_604 = vector.shape_cast %get3A_603 : vector<1x16xf32> to vector<16xf32>
        %add3A_605 = arith.constant 34 : i32
        %add3A_606 = arith.addi %mul3A_547, %add3A_605 : i32
        %swap3A_607 = arith.index_cast %add3A_606 : i32 to index
        %swap3A_608 = tpu.vector_load %arg52[%swap3A_607] {strides = array<i32>} : memref<5984xf32, #tpu.memory_space<vmem>>, vector<16xf32>,
        %swap3A_609 = vector.shape_cast %swap3A_608 : vector<16xf32> to vector<16xf32>
        %swap3A_610 = vector.shape_cast %get3A_604 : vector<16xf32> to vector<16xf32>
        tpu.vector_store %arg52[%swap3A_607], %swap3A_610 {strides = array<i32>} : memref<5984xf32, #tpu.memory_space<vmem>>, vector<16xf32>,
        %get3A_611 = arith.constant 32 : index
        %get3A_612 = tpu.vector_load %arg44[%get3A_611] {strides = array<i32>} : memref<96xf32, #tpu.memory_space<vmem>>, vector<16xf32>,
        %get3A_613 = vector.shape_cast %get3A_612 : vector<16xf32> to vector<16xf32>
        %mul3A_614 = arith.constant 0 : i32
        %mul3A_615 = vector.broadcast %mul3A_614 : i32 to vector<16xi32>
        %mul3A_616 = arith.muli %iota3A, %mul3A_615 : vector<16xi32>
        %add3A_617 = vector.broadcast %scan3A_545 : i32 to vector<16xi32>
        %add3A_618 = arith.addi %mul3A_616, %add3A_617 : vector<16xi32>
        %and3A_619 = arith.constant 15 : i32
        %and3A_620 = vector.broadcast %and3A_619 : i32 to vector<16xi32>
        %and3A_621 = arith.andi %add3A_618, %and3A_620 : vector<16xi32>
        %broadcast_in_dim3A_622 = vector.shape_cast %and3A_621 : vector<16xi32> to vector<16x1xi32>
        %gather3A_623 = vector.shape_cast %broadcast_in_dim3A_622 : vector<16x1xi32> to vector<16xi32>
        %gather3A_624 = tpu.dynamic_gather %get3A_613[%gather3A_623] in [0] : vector<16xf32>, vector<16xi32> -> vector<16xf32>
        %mul3A_625 = arith.mulf %gather3A_624, %max3A_6 : vector<16xf32>
        %get3A_626 = arith.constant 48 : index
        %get3A_627 = tpu.vector_load %arg44[%get3A_626] {strides = array<i32>} : memref<96xf32, #tpu.memory_space<vmem>>, vector<16xf32>,
        %get3A_628 = vector.shape_cast %get3A_627 : vector<16xf32> to vector<16xf32>
        %mul3A_629 = arith.constant 0 : i32
        %mul3A_630 = vector.broadcast %mul3A_629 : i32 to vector<16xi32>
        %mul3A_631 = arith.muli %iota3A, %mul3A_630 : vector<16xi32>
        %add3A_632 = vector.broadcast %scan3A_545 : i32 to vector<16xi32>
        %add3A_633 = arith.addi %mul3A_631, %add3A_632 : vector<16xi32>
        %and3A_634 = arith.constant 15 : i32
        %and3A_635 = vector.broadcast %and3A_634 : i32 to vector<16xi32>
        %and3A_636 = arith.andi %add3A_633, %and3A_635 : vector<16xi32>
        %broadcast_in_dim3A_637 = vector.shape_cast %and3A_636 : vector<16xi32> to vector<16x1xi32>
        %gather3A_638 = vector.shape_cast %broadcast_in_dim3A_637 : vector<16x1xi32> to vector<16xi32>
        %gather3A_639 = tpu.dynamic_gather %get3A_628[%gather3A_638] in [0] : vector<16xf32>, vector<16xi32> -> vector<16xf32>
        %mul3A_640 = arith.mulf %gather3A_639, %max3A_15 : vector<16xf32>
        %add3A_641 = arith.addf %mul3A_625, %mul3A_640 : vector<16xf32>
        %add3A_642 = arith.constant 42 : i32
        %add3A_643 = arith.addi %mul3A_547, %add3A_642 : i32
        %swap3A_644 = arith.index_cast %add3A_643 : i32 to index
        %swap3A_645 = tpu.vector_load %arg52[%swap3A_644] {strides = array<i32>} : memref<5984xf32, #tpu.memory_space<vmem>>, vector<16xf32>,
        %swap3A_646 = vector.shape_cast %swap3A_645 : vector<16xf32> to vector<16xf32>
        %swap3A_647 = vector.shape_cast %add3A_641 : vector<16xf32> to vector<16xf32>
        tpu.vector_store %arg52[%swap3A_644], %swap3A_647 {strides = array<i32>} : memref<5984xf32, #tpu.memory_space<vmem>>, vector<16xf32>,
        %get3A_648 = arith.index_cast %scan3A_545 : i32 to index
        %get3A_649 = arith.constant 0 : index
        %get3A_650 = tpu.vector_load %arg45[%get3A_648, %get3A_649] {strides = array<i32>} : memref<16x64xf32, #tpu.memory_space<vmem>>, vector<1x16xf32>,
        %get3A_651 = vector.shape_cast %get3A_650 : vector<1x16xf32> to vector<16xf32>
        %add3A_652 = arith.constant 236 : i32
        %add3A_653 = arith.addi %mul3A_547, %add3A_652 : i32
        %add3A_654 = arith.constant 0 : i32
        %add3A_655 = arith.addi %add3A_653, %add3A_654 : i32
        %swap3A_656 = arith.index_cast %add3A_655 : i32 to index
        %swap3A_657 = tpu.vector_load %arg52[%swap3A_656] {strides = array<i32>} : memref<5984xf32, #tpu.memory_space<vmem>>, vector<16xf32>,
        %swap3A_658 = vector.shape_cast %swap3A_657 : vector<16xf32> to vector<16xf32>
        %swap3A_659 = vector.shape_cast %get3A_651 : vector<16xf32> to vector<16xf32>
        tpu.vector_store %arg52[%swap3A_656], %swap3A_659 {strides = array<i32>} : memref<5984xf32, #tpu.memory_space<vmem>>, vector<16xf32>,
        %get3A_660 = arith.index_cast %scan3A_545 : i32 to index
        %get3A_661 = arith.constant 16 : index
        %get3A_662 = tpu.vector_load %arg45[%get3A_660, %get3A_661] {strides = array<i32>} : memref<16x64xf32, #tpu.memory_space<vmem>>, vector<1x16xf32>,
        %get3A_663 = vector.shape_cast %get3A_662 : vector<1x16xf32> to vector<16xf32>
        %add3A_664 = arith.constant 236 : i32
        %add3A_665 = arith.addi %mul3A_547, %add3A_664 : i32
        %add3A_666 = arith.constant 16 : i32
        %add3A_667 = arith.addi %add3A_665, %add3A_666 : i32
        %swap3A_668 = arith.index_cast %add3A_667 : i32 to index
        %swap3A_669 = tpu.vector_load %arg52[%swap3A_668] {strides = array<i32>} : memref<5984xf32, #tpu.memory_space<vmem>>, vector<16xf32>,
        %swap3A_670 = vector.shape_cast %swap3A_669 : vector<16xf32> to vector<16xf32>
        %swap3A_671 = vector.shape_cast %get3A_663 : vector<16xf32> to vector<16xf32>
        tpu.vector_store %arg52[%swap3A_668], %swap3A_671 {strides = array<i32>} : memref<5984xf32, #tpu.memory_space<vmem>>, vector<16xf32>,
        %get3A_672 = arith.index_cast %scan3A_545 : i32 to index
        %get3A_673 = arith.constant 32 : index
        %get3A_674 = tpu.vector_load %arg45[%get3A_672, %get3A_673] {strides = array<i32>} : memref<16x64xf32, #tpu.memory_space<vmem>>, vector<1x16xf32>,
        %get3A_675 = vector.shape_cast %get3A_674 : vector<1x16xf32> to vector<16xf32>
        %add3A_676 = arith.constant 236 : i32
        %add3A_677 = arith.addi %mul3A_547, %add3A_676 : i32
        %add3A_678 = arith.constant 32 : i32
        %add3A_679 = arith.addi %add3A_677, %add3A_678 : i32
        %swap3A_680 = arith.index_cast %add3A_679 : i32 to index
        %swap3A_681 = tpu.vector_load %arg52[%swap3A_680] {strides = array<i32>} : memref<5984xf32, #tpu.memory_space<vmem>>, vector<16xf32>,
        %swap3A_682 = vector.shape_cast %swap3A_681 : vector<16xf32> to vector<16xf32>
        %swap3A_683 = vector.shape_cast %get3A_675 : vector<16xf32> to vector<16xf32>
        tpu.vector_store %arg52[%swap3A_680], %swap3A_683 {strides = array<i32>} : memref<5984xf32, #tpu.memory_space<vmem>>, vector<16xf32>,
        %get3A_684 = arith.index_cast %scan3A_545 : i32 to index
        %get3A_685 = arith.constant 48 : index
        %get3A_686 = tpu.vector_load %arg45[%get3A_684, %get3A_685] {strides = array<i32>} : memref<16x64xf32, #tpu.memory_space<vmem>>, vector<1x16xf32>,
        %get3A_687 = vector.shape_cast %get3A_686 : vector<1x16xf32> to vector<16xf32>
        %add3A_688 = arith.constant 236 : i32
        %add3A_689 = arith.addi %mul3A_547, %add3A_688 : i32
        %add3A_690 = arith.constant 48 : i32
        %add3A_691 = arith.addi %add3A_689, %add3A_690 : i32
        %swap3A_692 = arith.index_cast %add3A_691 : i32 to index
        %swap3A_693 = tpu.vector_load %arg52[%swap3A_692] {strides = array<i32>} : memref<5984xf32, #tpu.memory_space<vmem>>, vector<16xf32>,
        %swap3A_694 = vector.shape_cast %swap3A_693 : vector<16xf32> to vector<16xf32>
        %swap3A_695 = vector.shape_cast %get3A_687 : vector<16xf32> to vector<16xf32>
        tpu.vector_store %arg52[%swap3A_692], %swap3A_695 {strides = array<i32>} : memref<5984xf32, #tpu.memory_space<vmem>>, vector<16xf32>,
        %get3A_696 = arith.index_cast %scan3A_545 : i32 to index
        %get3A_697 = arith.constant 0 : index
        %get3A_698 = tpu.vector_load %arg47[%get3A_696, %get3A_697] {strides = array<i32>} : memref<16x16xf32, #tpu.memory_space<vmem>>, vector<1x16xf32>,
        %get3A_699 = vector.shape_cast %get3A_698 : vector<1x16xf32> to vector<16xf32>
        %add3A_700 = arith.constant 300 : i32
        %add3A_701 = arith.addi %mul3A_547, %add3A_700 : i32
        %swap3A_702 = arith.index_cast %add3A_701 : i32 to index
        %swap3A_703 = tpu.vector_load %arg52[%swap3A_702] {strides = array<i32>} : memref<5984xf32, #tpu.memory_space<vmem>>, vector<16xf32>,
        %swap3A_704 = vector.shape_cast %swap3A_703 : vector<16xf32> to vector<16xf32>
        %swap3A_705 = vector.shape_cast %get3A_699 : vector<16xf32> to vector<16xf32>
        tpu.vector_store %arg52[%swap3A_702], %swap3A_705 {strides = array<i32>} : memref<5984xf32, #tpu.memory_space<vmem>>, vector<16xf32>,
        %get3A_706 = arith.constant 64 : index
        %get3A_707 = tpu.vector_load %arg44[%get3A_706] {strides = array<i32>} : memref<96xf32, #tpu.memory_space<vmem>>, vector<16xf32>,
        %get3A_708 = vector.shape_cast %get3A_707 : vector<16xf32> to vector<16xf32>
        %mul3A_709 = arith.constant 0 : i32
        %mul3A_710 = vector.broadcast %mul3A_709 : i32 to vector<16xi32>
        %mul3A_711 = arith.muli %iota3A, %mul3A_710 : vector<16xi32>
        %add3A_712 = vector.broadcast %scan3A_545 : i32 to vector<16xi32>
        %add3A_713 = arith.addi %mul3A_711, %add3A_712 : vector<16xi32>
        %and3A_714 = arith.constant 15 : i32
        %and3A_715 = vector.broadcast %and3A_714 : i32 to vector<16xi32>
        %and3A_716 = arith.andi %add3A_713, %and3A_715 : vector<16xi32>
        %broadcast_in_dim3A_717 = vector.shape_cast %and3A_716 : vector<16xi32> to vector<16x1xi32>
        %gather3A_718 = vector.shape_cast %broadcast_in_dim3A_717 : vector<16x1xi32> to vector<16xi32>
        %gather3A_719 = tpu.dynamic_gather %get3A_708[%gather3A_718] in [0] : vector<16xf32>, vector<16xi32> -> vector<16xf32>
        %mul3A_720 = arith.mulf %gather3A_719, %max3A_6 : vector<16xf32>
        %get3A_721 = arith.constant 80 : index
        %get3A_722 = tpu.vector_load %arg44[%get3A_721] {strides = array<i32>} : memref<96xf32, #tpu.memory_space<vmem>>, vector<16xf32>,
        %get3A_723 = vector.shape_cast %get3A_722 : vector<16xf32> to vector<16xf32>
        %mul3A_724 = arith.constant 0 : i32
        %mul3A_725 = vector.broadcast %mul3A_724 : i32 to vector<16xi32>
        %mul3A_726 = arith.muli %iota3A, %mul3A_725 : vector<16xi32>
        %add3A_727 = vector.broadcast %scan3A_545 : i32 to vector<16xi32>
        %add3A_728 = arith.addi %mul3A_726, %add3A_727 : vector<16xi32>
        %and3A_729 = arith.constant 15 : i32
        %and3A_730 = vector.broadcast %and3A_729 : i32 to vector<16xi32>
        %and3A_731 = arith.andi %add3A_728, %and3A_730 : vector<16xi32>
        %broadcast_in_dim3A_732 = vector.shape_cast %and3A_731 : vector<16xi32> to vector<16x1xi32>
        %gather3A_733 = vector.shape_cast %broadcast_in_dim3A_732 : vector<16x1xi32> to vector<16xi32>
        %gather3A_734 = tpu.dynamic_gather %get3A_723[%gather3A_733] in [0] : vector<16xf32>, vector<16xi32> -> vector<16xf32>
        %mul3A_735 = arith.mulf %gather3A_734, %max3A_15 : vector<16xf32>
        %add3A_736 = arith.addf %mul3A_720, %mul3A_735 : vector<16xf32>
        %add3A_737 = arith.constant 316 : i32
        %add3A_738 = arith.addi %mul3A_547, %add3A_737 : i32
        %swap3A_739 = arith.index_cast %add3A_738 : i32 to index
        %swap3A_740 = tpu.vector_load %arg52[%swap3A_739] {strides = array<i32>} : memref<5984xf32, #tpu.memory_space<vmem>>, vector<16xf32>,
        %swap3A_741 = vector.shape_cast %swap3A_740 : vector<16xf32> to vector<16xf32>
        %swap3A_742 = vector.shape_cast %add3A_736 : vector<16xf32> to vector<16xf32>
        tpu.vector_store %arg52[%swap3A_739], %swap3A_742 {strides = array<i32>} : memref<5984xf32, #tpu.memory_space<vmem>>, vector<16xf32>,
        %mul3A_743 = arith.constant 32 : i32
        %mul3A_744 = arith.muli %scan3A_545, %mul3A_743 : i32
        %get3A_745 = arith.index_cast %mul3A_744 : i32 to index
        %get3A_746 = tpu.vector_load %arg51[%get3A_745] {strides = array<i32>} : memref<512xf32, #tpu.memory_space<vmem>>, vector<16xf32>,
        %get3A_747 = vector.shape_cast %get3A_746 : vector<16xf32> to vector<16xf32>
        %add3A_748 = arith.constant 318 : i32
        %add3A_749 = arith.addi %mul3A_547, %add3A_748 : i32
        %swap3A_750 = arith.index_cast %add3A_749 : i32 to index
        %swap3A_751 = tpu.vector_load %arg52[%swap3A_750] {strides = array<i32>} : memref<5984xf32, #tpu.memory_space<vmem>>, vector<16xf32>,
        %swap3A_752 = vector.shape_cast %swap3A_751 : vector<16xf32> to vector<16xf32>
        %swap3A_753 = vector.shape_cast %get3A_747 : vector<16xf32> to vector<16xf32>
        tpu.vector_store %arg52[%swap3A_750], %swap3A_753 {strides = array<i32>} : memref<5984xf32, #tpu.memory_space<vmem>>, vector<16xf32>,
        %mul3A_754 = arith.constant 32 : i32
        %mul3A_755 = arith.muli %scan3A_545, %mul3A_754 : i32
        %add3A_756 = arith.constant 16 : i32
        %add3A_757 = arith.addi %mul3A_755, %add3A_756 : i32
        %get3A_758 = arith.index_cast %add3A_757 : i32 to index
        %get3A_759 = tpu.vector_load %arg51[%get3A_758] {strides = array<i32>} : memref<512xf32, #tpu.memory_space<vmem>>, vector<16xf32>,
        %get3A_760 = vector.shape_cast %get3A_759 : vector<16xf32> to vector<16xf32>
        %add3A_761 = arith.constant 334 : i32
        %add3A_762 = arith.addi %mul3A_547, %add3A_761 : i32
        %swap3A_763 = arith.index_cast %add3A_762 : i32 to index
        %swap3A_764 = tpu.vector_load %arg52[%swap3A_763] {strides = array<i32>} : memref<5984xf32, #tpu.memory_space<vmem>>, vector<16xf32>,
        %swap3A_765 = vector.shape_cast %swap3A_764 : vector<16xf32> to vector<16xf32>
        %swap3A_766 = vector.shape_cast %get3A_760 : vector<16xf32> to vector<16xf32>
        tpu.vector_store %arg52[%swap3A_763], %swap3A_766 {strides = array<i32>} : memref<5984xf32, #tpu.memory_space<vmem>>, vector<16xf32>,
        %get3A_767 = arith.index_cast %scan3A_545 : i32 to index
        %get3A_768 = arith.constant 0 : index
        %get3A_769 = tpu.vector_load %arg50[%get3A_767, %get3A_768] {strides = array<i32>} : memref<16x32xf32, #tpu.memory_space<vmem>>, vector<1x16xf32>,
        %get3A_770 = vector.shape_cast %get3A_769 : vector<1x16xf32> to vector<16xf32>
        %add3A_771 = arith.constant 350 : i32
        %add3A_772 = arith.addi %mul3A_547, %add3A_771 : i32
        %swap3A_773 = arith.index_cast %add3A_772 : i32 to index
        %swap3A_774 = tpu.vector_load %arg52[%swap3A_773] {strides = array<i32>} : memref<5984xf32, #tpu.memory_space<vmem>>, vector<16xf32>,
        %swap3A_775 = vector.shape_cast %swap3A_774 : vector<16xf32> to vector<16xf32>
        %swap3A_776 = vector.shape_cast %get3A_770 : vector<16xf32> to vector<16xf32>
        tpu.vector_store %arg52[%swap3A_773], %swap3A_776 {strides = array<i32>} : memref<5984xf32, #tpu.memory_space<vmem>>, vector<16xf32>,
        %get3A_777 = arith.index_cast %scan3A_545 : i32 to index
        %get3A_778 = arith.constant 8 : index
        %get3A_779 = tpu.vector_load %arg50[%get3A_777, %get3A_778] {strides = array<i32>} : memref<16x32xf32, #tpu.memory_space<vmem>>, vector<1x16xf32>,
        %get3A_780 = vector.shape_cast %get3A_779 : vector<1x16xf32> to vector<16xf32>
        %add3A_781 = arith.constant 358 : i32
        %add3A_782 = arith.addi %mul3A_547, %add3A_781 : i32
        %swap3A_783 = arith.index_cast %add3A_782 : i32 to index
        %swap3A_784 = tpu.vector_load %arg52[%swap3A_783] {strides = array<i32>} : memref<5984xf32, #tpu.memory_space<vmem>>, vector<16xf32>,
        %swap3A_785 = vector.shape_cast %swap3A_784 : vector<16xf32> to vector<16xf32>
        %swap3A_786 = vector.shape_cast %get3A_780 : vector<16xf32> to vector<16xf32>
        tpu.vector_store %arg52[%swap3A_783], %swap3A_786 {strides = array<i32>} : memref<5984xf32, #tpu.memory_space<vmem>>, vector<16xf32>,
      }
      %scan3A_414 = arith.constant 16 : i32
      %dma_wait3A_415 = arith.constant 0 : i32
      %dma_wait3A_416 = arith.constant 0 : i32
      %dma_wait3A_417 = tpu.memref_slice %arg35[%dma_wait3A_415, %dma_wait3A_416] : memref<800x64xf32, #tpu.memory_space<vmem>> -> memref<128x64xf32, #tpu.memory_space<vmem>>
      %dma_wait3A_418 = arith.constant 0 : i32
      %dma_wait3A_419 = tpu.memref_slice %arg33[%dma_wait3A_418] : memref<800xi32, #tpu.memory_space<vmem>> -> memref<128xi32, #tpu.memory_space<vmem>>
      %dma_wait3A_420 = arith.constant 0 : i32
      %dma_wait3A_421 = arith.constant 0 : i32
      %dma_wait3A_422 = tpu.memref_slice %arg24[%dma_wait3A_420, %dma_wait3A_421] : memref<1000000x64xf32, #tpu.memory_space<hbm>> -> memref<1000000x64xf32, #tpu.memory_space<hbm>>
      tpu.wait_indirect_dma semaphore(%arg53 : memref<!tpu.dma_semaphore, #tpu.memory_space<semaphore_mem>>) src(%dma_wait3A_422 : memref<1000000x64xf32, #tpu.memory_space<hbm>>) dst(%dma_wait3A_417 : memref<128x64xf32, #tpu.memory_space<vmem>>)
      %dma_wait3A_423 = arith.constant 128 : i32
      %dma_wait3A_424 = arith.constant 0 : i32
      %dma_wait3A_425 = tpu.memref_slice %arg35[%dma_wait3A_423, %dma_wait3A_424] : memref<800x64xf32, #tpu.memory_space<vmem>> -> memref<128x64xf32, #tpu.memory_space<vmem>>
      %dma_wait3A_426 = arith.constant 128 : i32
      %dma_wait3A_427 = tpu.memref_slice %arg33[%dma_wait3A_426] : memref<800xi32, #tpu.memory_space<vmem>> -> memref<128xi32, #tpu.memory_space<vmem>>
      %dma_wait3A_428 = arith.constant 0 : i32
      %dma_wait3A_429 = arith.constant 0 : i32
      %dma_wait3A_430 = tpu.memref_slice %arg24[%dma_wait3A_428, %dma_wait3A_429] : memref<1000000x64xf32, #tpu.memory_space<hbm>> -> memref<1000000x64xf32, #tpu.memory_space<hbm>>
      tpu.wait_indirect_dma semaphore(%arg53 : memref<!tpu.dma_semaphore, #tpu.memory_space<semaphore_mem>>) src(%dma_wait3A_430 : memref<1000000x64xf32, #tpu.memory_space<hbm>>) dst(%dma_wait3A_425 : memref<128x64xf32, #tpu.memory_space<vmem>>)
      %dma_wait3A_431 = arith.constant 256 : i32
      %dma_wait3A_432 = arith.constant 0 : i32
      %dma_wait3A_433 = tpu.memref_slice %arg35[%dma_wait3A_431, %dma_wait3A_432] : memref<800x64xf32, #tpu.memory_space<vmem>> -> memref<128x64xf32, #tpu.memory_space<vmem>>
      %dma_wait3A_434 = arith.constant 256 : i32
      %dma_wait3A_435 = tpu.memref_slice %arg33[%dma_wait3A_434] : memref<800xi32, #tpu.memory_space<vmem>> -> memref<128xi32, #tpu.memory_space<vmem>>
      %dma_wait3A_436 = arith.constant 0 : i32
      %dma_wait3A_437 = arith.constant 0 : i32
      %dma_wait3A_438 = tpu.memref_slice %arg24[%dma_wait3A_436, %dma_wait3A_437] : memref<1000000x64xf32, #tpu.memory_space<hbm>> -> memref<1000000x64xf32, #tpu.memory_space<hbm>>
      tpu.wait_indirect_dma semaphore(%arg53 : memref<!tpu.dma_semaphore, #tpu.memory_space<semaphore_mem>>) src(%dma_wait3A_438 : memref<1000000x64xf32, #tpu.memory_space<hbm>>) dst(%dma_wait3A_433 : memref<128x64xf32, #tpu.memory_space<vmem>>)
      %dma_wait3A_439 = arith.constant 384 : i32
      %dma_wait3A_440 = arith.constant 0 : i32
      %dma_wait3A_441 = tpu.memref_slice %arg35[%dma_wait3A_439, %dma_wait3A_440] : memref<800x64xf32, #tpu.memory_space<vmem>> -> memref<128x64xf32, #tpu.memory_space<vmem>>
      %dma_wait3A_442 = arith.constant 384 : i32
      %dma_wait3A_443 = tpu.memref_slice %arg33[%dma_wait3A_442] : memref<800xi32, #tpu.memory_space<vmem>> -> memref<128xi32, #tpu.memory_space<vmem>>
      %dma_wait3A_444 = arith.constant 0 : i32
      %dma_wait3A_445 = arith.constant 0 : i32
      %dma_wait3A_446 = tpu.memref_slice %arg24[%dma_wait3A_444, %dma_wait3A_445] : memref<1000000x64xf32, #tpu.memory_space<hbm>> -> memref<1000000x64xf32, #tpu.memory_space<hbm>>
      tpu.wait_indirect_dma semaphore(%arg53 : memref<!tpu.dma_semaphore, #tpu.memory_space<semaphore_mem>>) src(%dma_wait3A_446 : memref<1000000x64xf32, #tpu.memory_space<hbm>>) dst(%dma_wait3A_441 : memref<128x64xf32, #tpu.memory_space<vmem>>)
      %dma_wait3A_447 = arith.constant 512 : i32
      %dma_wait3A_448 = arith.constant 0 : i32
      %dma_wait3A_449 = tpu.memref_slice %arg35[%dma_wait3A_447, %dma_wait3A_448] : memref<800x64xf32, #tpu.memory_space<vmem>> -> memref<128x64xf32, #tpu.memory_space<vmem>>
      %dma_wait3A_450 = arith.constant 512 : i32
      %dma_wait3A_451 = tpu.memref_slice %arg33[%dma_wait3A_450] : memref<800xi32, #tpu.memory_space<vmem>> -> memref<128xi32, #tpu.memory_space<vmem>>
      %dma_wait3A_452 = arith.constant 0 : i32
      %dma_wait3A_453 = arith.constant 0 : i32
      %dma_wait3A_454 = tpu.memref_slice %arg24[%dma_wait3A_452, %dma_wait3A_453] : memref<1000000x64xf32, #tpu.memory_space<hbm>> -> memref<1000000x64xf32, #tpu.memory_space<hbm>>
      tpu.wait_indirect_dma semaphore(%arg53 : memref<!tpu.dma_semaphore, #tpu.memory_space<semaphore_mem>>) src(%dma_wait3A_454 : memref<1000000x64xf32, #tpu.memory_space<hbm>>) dst(%dma_wait3A_449 : memref<128x64xf32, #tpu.memory_space<vmem>>)
      %dma_wait3A_455 = arith.constant 640 : i32
      %dma_wait3A_456 = arith.constant 0 : i32
      %dma_wait3A_457 = tpu.memref_slice %arg35[%dma_wait3A_455, %dma_wait3A_456] : memref<800x64xf32, #tpu.memory_space<vmem>> -> memref<128x64xf32, #tpu.memory_space<vmem>>
      %dma_wait3A_458 = arith.constant 640 : i32
      %dma_wait3A_459 = tpu.memref_slice %arg33[%dma_wait3A_458] : memref<800xi32, #tpu.memory_space<vmem>> -> memref<128xi32, #tpu.memory_space<vmem>>
      %dma_wait3A_460 = arith.constant 0 : i32
      %dma_wait3A_461 = arith.constant 0 : i32
      %dma_wait3A_462 = tpu.memref_slice %arg24[%dma_wait3A_460, %dma_wait3A_461] : memref<1000000x64xf32, #tpu.memory_space<hbm>> -> memref<1000000x64xf32, #tpu.memory_space<hbm>>
      tpu.wait_indirect_dma semaphore(%arg53 : memref<!tpu.dma_semaphore, #tpu.memory_space<semaphore_mem>>) src(%dma_wait3A_462 : memref<1000000x64xf32, #tpu.memory_space<hbm>>) dst(%dma_wait3A_457 : memref<128x64xf32, #tpu.memory_space<vmem>>)
      %dma_wait3A_463 = arith.constant 768 : i32
      %dma_wait3A_464 = arith.constant 0 : i32
      %dma_wait3A_465 = tpu.memref_slice %arg35[%dma_wait3A_463, %dma_wait3A_464] : memref<800x64xf32, #tpu.memory_space<vmem>> -> memref<32x64xf32, #tpu.memory_space<vmem>>
      %dma_wait3A_466 = arith.constant 768 : i32
      %dma_wait3A_467 = tpu.memref_slice %arg33[%dma_wait3A_466] : memref<800xi32, #tpu.memory_space<vmem>> -> memref<32xi32, #tpu.memory_space<vmem>>
      %dma_wait3A_468 = arith.constant 0 : i32
      %dma_wait3A_469 = arith.constant 0 : i32
      %dma_wait3A_470 = tpu.memref_slice %arg24[%dma_wait3A_468, %dma_wait3A_469] : memref<1000000x64xf32, #tpu.memory_space<hbm>> -> memref<1000000x64xf32, #tpu.memory_space<hbm>>
      tpu.wait_indirect_dma semaphore(%arg53 : memref<!tpu.dma_semaphore, #tpu.memory_space<semaphore_mem>>) src(%dma_wait3A_470 : memref<1000000x64xf32, #tpu.memory_space<hbm>>) dst(%dma_wait3A_465 : memref<32x64xf32, #tpu.memory_space<vmem>>)
      %scan3A_471 = arith.constant 0 : i32
      %scan3A_472 = arith.constant 0 : i32
      %scan3A_473 = arith.constant 16 : i32
      %scan3A_474 = arith.addi %scan3A_472, %scan3A_473 : i32
      %scan3A_475 = arith.constant 1 : i32
      scf.for %scan3A_545 = %scan3A_472 to %scan3A_474 step %scan3A_475  : i32 {
        %mul3A_546 = arith.constant 50 : i32
        %mul3A_547 = arith.muli %scan3A_545, %mul3A_546 : i32
        %broadcast_in_dim3A = arith.constant 0.000000e+00 : f32
        %broadcast_in_dim3A_548 = vector.broadcast %broadcast_in_dim3A : f32 to vector<16xf32>
        %broadcast_in_dim3A_549 = arith.constant 0.000000e+00 : f32
        %broadcast_in_dim3A_550 = vector.broadcast %broadcast_in_dim3A_549 : f32 to vector<16xf32>
        %broadcast_in_dim3A_551 = arith.constant 0.000000e+00 : f32
        %broadcast_in_dim3A_552 = vector.broadcast %broadcast_in_dim3A_551 : f32 to vector<16xf32>
        %broadcast_in_dim3A_553 = arith.constant 0.000000e+00 : f32
        %broadcast_in_dim3A_554 = vector.broadcast %broadcast_in_dim3A_553 : f32 to vector<16xf32>
        %scan3A_555 = arith.constant 0 : i32
        %scan3A_556 = arith.constant 5 : i32
        %scan3A_557 = arith.addi %scan3A_555, %scan3A_556 : i32
        %scan3A_558 = arith.constant 1 : i32
        %scan3A_559:4 = scf.for %scan3A_600 = %scan3A_555 to %scan3A_557 step %scan3A_558 iter_args(%scan3A_601 = %broadcast_in_dim3A_548, %scan3A_602 = %broadcast_in_dim3A_550, %scan3A_603 = %broadcast_in_dim3A_552, %scan3A_604 = %broadcast_in_dim3A_554) -> (vector<16xf32>, vector<16xf32>, vector<16xf32>, vector<16xf32>)  : i32 {
          %mul3A_605 = arith.constant 10 : i32
          %mul3A_606 = arith.muli %scan3A_600, %mul3A_605 : i32
          %add3A_607 = arith.addi %mul3A_547, %mul3A_606 : i32
          %add3A_608 = arith.constant 0 : i32
          %add3A_609 = arith.addi %add3A_607, %add3A_608 : i32
          %get3A_610 = arith.index_cast %add3A_609 : i32 to index
          %get3A_611 = arith.constant 0 : index
          %get3A_612 = tpu.vector_load %arg35[%get3A_610, %get3A_611] {strides = array<i32>} : memref<800x64xf32, #tpu.memory_space<vmem>>, vector<1x16xf32>,
          %get3A_613 = vector.shape_cast %get3A_612 : vector<1x16xf32> to vector<16xf32>
          %get3A_614 = arith.index_cast %add3A_609 : i32 to index
          %get3A_615 = arith.constant 16 : index
          %get3A_616 = tpu.vector_load %arg35[%get3A_614, %get3A_615] {strides = array<i32>} : memref<800x64xf32, #tpu.memory_space<vmem>>, vector<1x16xf32>,
          %get3A_617 = vector.shape_cast %get3A_616 : vector<1x16xf32> to vector<16xf32>
          %get3A_618 = arith.index_cast %add3A_609 : i32 to index
          %get3A_619 = arith.constant 32 : index
          %get3A_620 = tpu.vector_load %arg35[%get3A_618, %get3A_619] {strides = array<i32>} : memref<800x64xf32, #tpu.memory_space<vmem>>, vector<1x16xf32>,
          %get3A_621 = vector.shape_cast %get3A_620 : vector<1x16xf32> to vector<16xf32>
          %get3A_622 = arith.index_cast %add3A_609 : i32 to index
          %get3A_623 = arith.constant 48 : index
          %get3A_624 = tpu.vector_load %arg35[%get3A_622, %get3A_623] {strides = array<i32>} : memref<800x64xf32, #tpu.memory_space<vmem>>, vector<1x16xf32>,
          %get3A_625 = vector.shape_cast %get3A_624 : vector<1x16xf32> to vector<16xf32>
          %get3A_626 = arith.index_cast %add3A_609 : i32 to index
          %get3A_627 = tpu.vector_load %arg34[%get3A_626] {strides = array<i32>} : memref<816xf32, #tpu.memory_space<vmem>>, vector<16xf32>,
          %get3A_628 = vector.shape_cast %get3A_627 : vector<16xf32> to vector<16xf32>
          %and3A = arith.constant 0 : i32
          %and3A_629 = vector.broadcast %and3A : i32 to vector<16xi32>
          %and3A_630 = arith.andi %iota3A, %and3A_629 : vector<16xi32>
          %broadcast_in_dim3A_631 = vector.shape_cast %and3A_630 : vector<16xi32> to vector<16x1xi32>
          %gather3A = vector.shape_cast %broadcast_in_dim3A_631 : vector<16x1xi32> to vector<16xi32>
          %gather3A_632 = tpu.dynamic_gather %get3A_628[%gather3A] in [0] : vector<16xf32>, vector<16xi32> -> vector<16xf32>
          %mul3A_633 = arith.mulf %get3A_613, %gather3A_632 : vector<16xf32>
          %add3A_634 = arith.addf %scan3A_601, %mul3A_633 : vector<16xf32>
          %mul3A_635 = arith.mulf %get3A_617, %gather3A_632 : vector<16xf32>
          %add3A_636 = arith.addf %scan3A_602, %mul3A_635 : vector<16xf32>
          %mul3A_637 = arith.mulf %get3A_621, %gather3A_632 : vector<16xf32>
          %add3A_638 = arith.addf %scan3A_603, %mul3A_637 : vector<16xf32>
          %mul3A_639 = arith.mulf %get3A_625, %gather3A_632 : vector<16xf32>
          %add3A_640 = arith.addf %scan3A_604, %mul3A_639 : vector<16xf32>
          %mul3A_641 = arith.constant 10 : i32
          %mul3A_642 = arith.muli %scan3A_600, %mul3A_641 : i32
          %add3A_643 = arith.addi %mul3A_547, %mul3A_642 : i32
          %add3A_644 = arith.constant 1 : i32
          %add3A_645 = arith.addi %add3A_643, %add3A_644 : i32
          %get3A_646 = arith.index_cast %add3A_645 : i32 to index
          %get3A_647 = arith.constant 0 : index
          %get3A_648 = tpu.vector_load %arg35[%get3A_646, %get3A_647] {strides = array<i32>} : memref<800x64xf32, #tpu.memory_space<vmem>>, vector<1x16xf32>,
          %get3A_649 = vector.shape_cast %get3A_648 : vector<1x16xf32> to vector<16xf32>
          %get3A_650 = arith.index_cast %add3A_645 : i32 to index
          %get3A_651 = arith.constant 16 : index
          %get3A_652 = tpu.vector_load %arg35[%get3A_650, %get3A_651] {strides = array<i32>} : memref<800x64xf32, #tpu.memory_space<vmem>>, vector<1x16xf32>,
          %get3A_653 = vector.shape_cast %get3A_652 : vector<1x16xf32> to vector<16xf32>
          %get3A_654 = arith.index_cast %add3A_645 : i32 to index
          %get3A_655 = arith.constant 32 : index
          %get3A_656 = tpu.vector_load %arg35[%get3A_654, %get3A_655] {strides = array<i32>} : memref<800x64xf32, #tpu.memory_space<vmem>>, vector<1x16xf32>,
          %get3A_657 = vector.shape_cast %get3A_656 : vector<1x16xf32> to vector<16xf32>
          %get3A_658 = arith.index_cast %add3A_645 : i32 to index
          %get3A_659 = arith.constant 48 : index
          %get3A_660 = tpu.vector_load %arg35[%get3A_658, %get3A_659] {strides = array<i32>} : memref<800x64xf32, #tpu.memory_space<vmem>>, vector<1x16xf32>,
          %get3A_661 = vector.shape_cast %get3A_660 : vector<1x16xf32> to vector<16xf32>
          %get3A_662 = arith.index_cast %add3A_645 : i32 to index
          %get3A_663 = tpu.vector_load %arg34[%get3A_662] {strides = array<i32>} : memref<816xf32, #tpu.memory_space<vmem>>, vector<16xf32>,
          %get3A_664 = vector.shape_cast %get3A_663 : vector<16xf32> to vector<16xf32>
          %and3A_665 = arith.constant 0 : i32
          %and3A_666 = vector.broadcast %and3A_665 : i32 to vector<16xi32>
          %and3A_667 = arith.andi %iota3A, %and3A_666 : vector<16xi32>
          %broadcast_in_dim3A_668 = vector.shape_cast %and3A_667 : vector<16xi32> to vector<16x1xi32>
          %gather3A_669 = vector.shape_cast %broadcast_in_dim3A_668 : vector<16x1xi32> to vector<16xi32>
          %gather3A_670 = tpu.dynamic_gather %get3A_664[%gather3A_669] in [0] : vector<16xf32>, vector<16xi32> -> vector<16xf32>
          %mul3A_671 = arith.mulf %get3A_649, %gather3A_670 : vector<16xf32>
          %add3A_672 = arith.addf %add3A_634, %mul3A_671 : vector<16xf32>
          %mul3A_673 = arith.mulf %get3A_653, %gather3A_670 : vector<16xf32>
          %add3A_674 = arith.addf %add3A_636, %mul3A_673 : vector<16xf32>
          %mul3A_675 = arith.mulf %get3A_657, %gather3A_670 : vector<16xf32>
          %add3A_676 = arith.addf %add3A_638, %mul3A_675 : vector<16xf32>
          %mul3A_677 = arith.mulf %get3A_661, %gather3A_670 : vector<16xf32>
          %add3A_678 = arith.addf %add3A_640, %mul3A_677 : vector<16xf32>
          %mul3A_679 = arith.constant 10 : i32
          %mul3A_680 = arith.muli %scan3A_600, %mul3A_679 : i32
          %add3A_681 = arith.addi %mul3A_547, %mul3A_680 : i32
          %add3A_682 = arith.constant 2 : i32
          %add3A_683 = arith.addi %add3A_681, %add3A_682 : i32
          %get3A_684 = arith.index_cast %add3A_683 : i32 to index
          %get3A_685 = arith.constant 0 : index
          %get3A_686 = tpu.vector_load %arg35[%get3A_684, %get3A_685] {strides = array<i32>} : memref<800x64xf32, #tpu.memory_space<vmem>>, vector<1x16xf32>,
          %get3A_687 = vector.shape_cast %get3A_686 : vector<1x16xf32> to vector<16xf32>
          %get3A_688 = arith.index_cast %add3A_683 : i32 to index
          %get3A_689 = arith.constant 16 : index
          %get3A_690 = tpu.vector_load %arg35[%get3A_688, %get3A_689] {strides = array<i32>} : memref<800x64xf32, #tpu.memory_space<vmem>>, vector<1x16xf32>,
          %get3A_691 = vector.shape_cast %get3A_690 : vector<1x16xf32> to vector<16xf32>
          %get3A_692 = arith.index_cast %add3A_683 : i32 to index
          %get3A_693 = arith.constant 32 : index
          %get3A_694 = tpu.vector_load %arg35[%get3A_692, %get3A_693] {strides = array<i32>} : memref<800x64xf32, #tpu.memory_space<vmem>>, vector<1x16xf32>,
          %get3A_695 = vector.shape_cast %get3A_694 : vector<1x16xf32> to vector<16xf32>
          %get3A_696 = arith.index_cast %add3A_683 : i32 to index
          %get3A_697 = arith.constant 48 : index
          %get3A_698 = tpu.vector_load %arg35[%get3A_696, %get3A_697] {strides = array<i32>} : memref<800x64xf32, #tpu.memory_space<vmem>>, vector<1x16xf32>,
          %get3A_699 = vector.shape_cast %get3A_698 : vector<1x16xf32> to vector<16xf32>
          %get3A_700 = arith.index_cast %add3A_683 : i32 to index
          %get3A_701 = tpu.vector_load %arg34[%get3A_700] {strides = array<i32>} : memref<816xf32, #tpu.memory_space<vmem>>, vector<16xf32>,
          %get3A_702 = vector.shape_cast %get3A_701 : vector<16xf32> to vector<16xf32>
          %and3A_703 = arith.constant 0 : i32
          %and3A_704 = vector.broadcast %and3A_703 : i32 to vector<16xi32>
          %and3A_705 = arith.andi %iota3A, %and3A_704 : vector<16xi32>
          %broadcast_in_dim3A_706 = vector.shape_cast %and3A_705 : vector<16xi32> to vector<16x1xi32>
          %gather3A_707 = vector.shape_cast %broadcast_in_dim3A_706 : vector<16x1xi32> to vector<16xi32>
          %gather3A_708 = tpu.dynamic_gather %get3A_702[%gather3A_707] in [0] : vector<16xf32>, vector<16xi32> -> vector<16xf32>
          %mul3A_709 = arith.mulf %get3A_687, %gather3A_708 : vector<16xf32>
          %add3A_710 = arith.addf %add3A_672, %mul3A_709 : vector<16xf32>
          %mul3A_711 = arith.mulf %get3A_691, %gather3A_708 : vector<16xf32>
          %add3A_712 = arith.addf %add3A_674, %mul3A_711 : vector<16xf32>
          %mul3A_713 = arith.mulf %get3A_695, %gather3A_708 : vector<16xf32>
          %add3A_714 = arith.addf %add3A_676, %mul3A_713 : vector<16xf32>
          %mul3A_715 = arith.mulf %get3A_699, %gather3A_708 : vector<16xf32>
          %add3A_716 = arith.addf %add3A_678, %mul3A_715 : vector<16xf32>
          %mul3A_717 = arith.constant 10 : i32
          %mul3A_718 = arith.muli %scan3A_600, %mul3A_717 : i32
          %add3A_719 = arith.addi %mul3A_547, %mul3A_718 : i32
          %add3A_720 = arith.constant 3 : i32
          %add3A_721 = arith.addi %add3A_719, %add3A_720 : i32
          %get3A_722 = arith.index_cast %add3A_721 : i32 to index
          %get3A_723 = arith.constant 0 : index
          %get3A_724 = tpu.vector_load %arg35[%get3A_722, %get3A_723] {strides = array<i32>} : memref<800x64xf32, #tpu.memory_space<vmem>>, vector<1x16xf32>,
          %get3A_725 = vector.shape_cast %get3A_724 : vector<1x16xf32> to vector<16xf32>
          %get3A_726 = arith.index_cast %add3A_721 : i32 to index
          %get3A_727 = arith.constant 16 : index
          %get3A_728 = tpu.vector_load %arg35[%get3A_726, %get3A_727] {strides = array<i32>} : memref<800x64xf32, #tpu.memory_space<vmem>>, vector<1x16xf32>,
          %get3A_729 = vector.shape_cast %get3A_728 : vector<1x16xf32> to vector<16xf32>
          %get3A_730 = arith.index_cast %add3A_721 : i32 to index
          %get3A_731 = arith.constant 32 : index
          %get3A_732 = tpu.vector_load %arg35[%get3A_730, %get3A_731] {strides = array<i32>} : memref<800x64xf32, #tpu.memory_space<vmem>>, vector<1x16xf32>,
          %get3A_733 = vector.shape_cast %get3A_732 : vector<1x16xf32> to vector<16xf32>
          %get3A_734 = arith.index_cast %add3A_721 : i32 to index
          %get3A_735 = arith.constant 48 : index
          %get3A_736 = tpu.vector_load %arg35[%get3A_734, %get3A_735] {strides = array<i32>} : memref<800x64xf32, #tpu.memory_space<vmem>>, vector<1x16xf32>,
          %get3A_737 = vector.shape_cast %get3A_736 : vector<1x16xf32> to vector<16xf32>
          %get3A_738 = arith.index_cast %add3A_721 : i32 to index
          %get3A_739 = tpu.vector_load %arg34[%get3A_738] {strides = array<i32>} : memref<816xf32, #tpu.memory_space<vmem>>, vector<16xf32>,
          %get3A_740 = vector.shape_cast %get3A_739 : vector<16xf32> to vector<16xf32>
          %and3A_741 = arith.constant 0 : i32
          %and3A_742 = vector.broadcast %and3A_741 : i32 to vector<16xi32>
          %and3A_743 = arith.andi %iota3A, %and3A_742 : vector<16xi32>
          %broadcast_in_dim3A_744 = vector.shape_cast %and3A_743 : vector<16xi32> to vector<16x1xi32>
          %gather3A_745 = vector.shape_cast %broadcast_in_dim3A_744 : vector<16x1xi32> to vector<16xi32>
          %gather3A_746 = tpu.dynamic_gather %get3A_740[%gather3A_745] in [0] : vector<16xf32>, vector<16xi32> -> vector<16xf32>
          %mul3A_747 = arith.mulf %get3A_725, %gather3A_746 : vector<16xf32>
          %add3A_748 = arith.addf %add3A_710, %mul3A_747 : vector<16xf32>
          %mul3A_749 = arith.mulf %get3A_729, %gather3A_746 : vector<16xf32>
          %add3A_750 = arith.addf %add3A_712, %mul3A_749 : vector<16xf32>
          %mul3A_751 = arith.mulf %get3A_733, %gather3A_746 : vector<16xf32>
          %add3A_752 = arith.addf %add3A_714, %mul3A_751 : vector<16xf32>
          %mul3A_753 = arith.mulf %get3A_737, %gather3A_746 : vector<16xf32>
          %add3A_754 = arith.addf %add3A_716, %mul3A_753 : vector<16xf32>
          %mul3A_755 = arith.constant 10 : i32
          %mul3A_756 = arith.muli %scan3A_600, %mul3A_755 : i32
          %add3A_757 = arith.addi %mul3A_547, %mul3A_756 : i32
          %add3A_758 = arith.constant 4 : i32
          %add3A_759 = arith.addi %add3A_757, %add3A_758 : i32
          %get3A_760 = arith.index_cast %add3A_759 : i32 to index
          %get3A_761 = arith.constant 0 : index
          %get3A_762 = tpu.vector_load %arg35[%get3A_760, %get3A_761] {strides = array<i32>} : memref<800x64xf32, #tpu.memory_space<vmem>>, vector<1x16xf32>,
          %get3A_763 = vector.shape_cast %get3A_762 : vector<1x16xf32> to vector<16xf32>
          %get3A_764 = arith.index_cast %add3A_759 : i32 to index
          %get3A_765 = arith.constant 16 : index
          %get3A_766 = tpu.vector_load %arg35[%get3A_764, %get3A_765] {strides = array<i32>} : memref<800x64xf32, #tpu.memory_space<vmem>>, vector<1x16xf32>,
          %get3A_767 = vector.shape_cast %get3A_766 : vector<1x16xf32> to vector<16xf32>
          %get3A_768 = arith.index_cast %add3A_759 : i32 to index
          %get3A_769 = arith.constant 32 : index
          %get3A_770 = tpu.vector_load %arg35[%get3A_768, %get3A_769] {strides = array<i32>} : memref<800x64xf32, #tpu.memory_space<vmem>>, vector<1x16xf32>,
          %get3A_771 = vector.shape_cast %get3A_770 : vector<1x16xf32> to vector<16xf32>
          %get3A_772 = arith.index_cast %add3A_759 : i32 to index
          %get3A_773 = arith.constant 48 : index
          %get3A_774 = tpu.vector_load %arg35[%get3A_772, %get3A_773] {strides = array<i32>} : memref<800x64xf32, #tpu.memory_space<vmem>>, vector<1x16xf32>,
          %get3A_775 = vector.shape_cast %get3A_774 : vector<1x16xf32> to vector<16xf32>
          %get3A_776 = arith.index_cast %add3A_759 : i32 to index
          %get3A_777 = tpu.vector_load %arg34[%get3A_776] {strides = array<i32>} : memref<816xf32, #tpu.memory_space<vmem>>, vector<16xf32>,
          %get3A_778 = vector.shape_cast %get3A_777 : vector<16xf32> to vector<16xf32>
          %and3A_779 = arith.constant 0 : i32
          %and3A_780 = vector.broadcast %and3A_779 : i32 to vector<16xi32>
          %and3A_781 = arith.andi %iota3A, %and3A_780 : vector<16xi32>
          %broadcast_in_dim3A_782 = vector.shape_cast %and3A_781 : vector<16xi32> to vector<16x1xi32>
          %gather3A_783 = vector.shape_cast %broadcast_in_dim3A_782 : vector<16x1xi32> to vector<16xi32>
          %gather3A_784 = tpu.dynamic_gather %get3A_778[%gather3A_783] in [0] : vector<16xf32>, vector<16xi32> -> vector<16xf32>
          %mul3A_785 = arith.mulf %get3A_763, %gather3A_784 : vector<16xf32>
          %add3A_786 = arith.addf %add3A_748, %mul3A_785 : vector<16xf32>
          %mul3A_787 = arith.mulf %get3A_767, %gather3A_784 : vector<16xf32>
          %add3A_788 = arith.addf %add3A_750, %mul3A_787 : vector<16xf32>
          %mul3A_789 = arith.mulf %get3A_771, %gather3A_784 : vector<16xf32>
          %add3A_790 = arith.addf %add3A_752, %mul3A_789 : vector<16xf32>
          %mul3A_791 = arith.mulf %get3A_775, %gather3A_784 : vector<16xf32>
          %add3A_792 = arith.addf %add3A_754, %mul3A_791 : vector<16xf32>
          %mul3A_793 = arith.constant 10 : i32
          %mul3A_794 = arith.muli %scan3A_600, %mul3A_793 : i32
          %add3A_795 = arith.addi %mul3A_547, %mul3A_794 : i32
          %add3A_796 = arith.constant 5 : i32
          %add3A_797 = arith.addi %add3A_795, %add3A_796 : i32
          %get3A_798 = arith.index_cast %add3A_797 : i32 to index
          %get3A_799 = arith.constant 0 : index
          %get3A_800 = tpu.vector_load %arg35[%get3A_798, %get3A_799] {strides = array<i32>} : memref<800x64xf32, #tpu.memory_space<vmem>>, vector<1x16xf32>,
          %get3A_801 = vector.shape_cast %get3A_800 : vector<1x16xf32> to vector<16xf32>
          %get3A_802 = arith.index_cast %add3A_797 : i32 to index
          %get3A_803 = arith.constant 16 : index
          %get3A_804 = tpu.vector_load %arg35[%get3A_802, %get3A_803] {strides = array<i32>} : memref<800x64xf32, #tpu.memory_space<vmem>>, vector<1x16xf32>,
          %get3A_805 = vector.shape_cast %get3A_804 : vector<1x16xf32> to vector<16xf32>
          %get3A_806 = arith.index_cast %add3A_797 : i32 to index
          %get3A_807 = arith.constant 32 : index
          %get3A_808 = tpu.vector_load %arg35[%get3A_806, %get3A_807] {strides = array<i32>} : memref<800x64xf32, #tpu.memory_space<vmem>>, vector<1x16xf32>,
          %get3A_809 = vector.shape_cast %get3A_808 : vector<1x16xf32> to vector<16xf32>
          %get3A_810 = arith.index_cast %add3A_797 : i32 to index
          %get3A_811 = arith.constant 48 : index
          %get3A_812 = tpu.vector_load %arg35[%get3A_810, %get3A_811] {strides = array<i32>} : memref<800x64xf32, #tpu.memory_space<vmem>>, vector<1x16xf32>,
          %get3A_813 = vector.shape_cast %get3A_812 : vector<1x16xf32> to vector<16xf32>
          %get3A_814 = arith.index_cast %add3A_797 : i32 to index
          %get3A_815 = tpu.vector_load %arg34[%get3A_814] {strides = array<i32>} : memref<816xf32, #tpu.memory_space<vmem>>, vector<16xf32>,
          %get3A_816 = vector.shape_cast %get3A_815 : vector<16xf32> to vector<16xf32>
          %and3A_817 = arith.constant 0 : i32
          %and3A_818 = vector.broadcast %and3A_817 : i32 to vector<16xi32>
          %and3A_819 = arith.andi %iota3A, %and3A_818 : vector<16xi32>
          %broadcast_in_dim3A_820 = vector.shape_cast %and3A_819 : vector<16xi32> to vector<16x1xi32>
          %gather3A_821 = vector.shape_cast %broadcast_in_dim3A_820 : vector<16x1xi32> to vector<16xi32>
          %gather3A_822 = tpu.dynamic_gather %get3A_816[%gather3A_821] in [0] : vector<16xf32>, vector<16xi32> -> vector<16xf32>
          %mul3A_823 = arith.mulf %get3A_801, %gather3A_822 : vector<16xf32>
          %add3A_824 = arith.addf %add3A_786, %mul3A_823 : vector<16xf32>
          %mul3A_825 = arith.mulf %get3A_805, %gather3A_822 : vector<16xf32>
          %add3A_826 = arith.addf %add3A_788, %mul3A_825 : vector<16xf32>
          %mul3A_827 = arith.mulf %get3A_809, %gather3A_822 : vector<16xf32>
          %add3A_828 = arith.addf %add3A_790, %mul3A_827 : vector<16xf32>
          %mul3A_829 = arith.mulf %get3A_813, %gather3A_822 : vector<16xf32>
          %add3A_830 = arith.addf %add3A_792, %mul3A_829 : vector<16xf32>
          %mul3A_831 = arith.constant 10 : i32
          %mul3A_832 = arith.muli %scan3A_600, %mul3A_831 : i32
          %add3A_833 = arith.addi %mul3A_547, %mul3A_832 : i32
          %add3A_834 = arith.constant 6 : i32
          %add3A_835 = arith.addi %add3A_833, %add3A_834 : i32
          %get3A_836 = arith.index_cast %add3A_835 : i32 to index
          %get3A_837 = arith.constant 0 : index
          %get3A_838 = tpu.vector_load %arg35[%get3A_836, %get3A_837] {strides = array<i32>} : memref<800x64xf32, #tpu.memory_space<vmem>>, vector<1x16xf32>,
          %get3A_839 = vector.shape_cast %get3A_838 : vector<1x16xf32> to vector<16xf32>
          %get3A_840 = arith.index_cast %add3A_835 : i32 to index
          %get3A_841 = arith.constant 16 : index
          %get3A_842 = tpu.vector_load %arg35[%get3A_840, %get3A_841] {strides = array<i32>} : memref<800x64xf32, #tpu.memory_space<vmem>>, vector<1x16xf32>,
          %get3A_843 = vector.shape_cast %get3A_842 : vector<1x16xf32> to vector<16xf32>
          %get3A_844 = arith.index_cast %add3A_835 : i32 to index
          %get3A_845 = arith.constant 32 : index
          %get3A_846 = tpu.vector_load %arg35[%get3A_844, %get3A_845] {strides = array<i32>} : memref<800x64xf32, #tpu.memory_space<vmem>>, vector<1x16xf32>,
          %get3A_847 = vector.shape_cast %get3A_846 : vector<1x16xf32> to vector<16xf32>
          %get3A_848 = arith.index_cast %add3A_835 : i32 to index
          %get3A_849 = arith.constant 48 : index
          %get3A_850 = tpu.vector_load %arg35[%get3A_848, %get3A_849] {strides = array<i32>} : memref<800x64xf32, #tpu.memory_space<vmem>>, vector<1x16xf32>,
          %get3A_851 = vector.shape_cast %get3A_850 : vector<1x16xf32> to vector<16xf32>
          %get3A_852 = arith.index_cast %add3A_835 : i32 to index
          %get3A_853 = tpu.vector_load %arg34[%get3A_852] {strides = array<i32>} : memref<816xf32, #tpu.memory_space<vmem>>, vector<16xf32>,
          %get3A_854 = vector.shape_cast %get3A_853 : vector<16xf32> to vector<16xf32>
          %and3A_855 = arith.constant 0 : i32
          %and3A_856 = vector.broadcast %and3A_855 : i32 to vector<16xi32>
          %and3A_857 = arith.andi %iota3A, %and3A_856 : vector<16xi32>
          %broadcast_in_dim3A_858 = vector.shape_cast %and3A_857 : vector<16xi32> to vector<16x1xi32>
          %gather3A_859 = vector.shape_cast %broadcast_in_dim3A_858 : vector<16x1xi32> to vector<16xi32>
          %gather3A_860 = tpu.dynamic_gather %get3A_854[%gather3A_859] in [0] : vector<16xf32>, vector<16xi32> -> vector<16xf32>
          %mul3A_861 = arith.mulf %get3A_839, %gather3A_860 : vector<16xf32>
          %add3A_862 = arith.addf %add3A_824, %mul3A_861 : vector<16xf32>
          %mul3A_863 = arith.mulf %get3A_843, %gather3A_860 : vector<16xf32>
          %add3A_864 = arith.addf %add3A_826, %mul3A_863 : vector<16xf32>
          %mul3A_865 = arith.mulf %get3A_847, %gather3A_860 : vector<16xf32>
          %add3A_866 = arith.addf %add3A_828, %mul3A_865 : vector<16xf32>
          %mul3A_867 = arith.mulf %get3A_851, %gather3A_860 : vector<16xf32>
          %add3A_868 = arith.addf %add3A_830, %mul3A_867 : vector<16xf32>
          %mul3A_869 = arith.constant 10 : i32
          %mul3A_870 = arith.muli %scan3A_600, %mul3A_869 : i32
          %add3A_871 = arith.addi %mul3A_547, %mul3A_870 : i32
          %add3A_872 = arith.constant 7 : i32
          %add3A_873 = arith.addi %add3A_871, %add3A_872 : i32
          %get3A_874 = arith.index_cast %add3A_873 : i32 to index
          %get3A_875 = arith.constant 0 : index
          %get3A_876 = tpu.vector_load %arg35[%get3A_874, %get3A_875] {strides = array<i32>} : memref<800x64xf32, #tpu.memory_space<vmem>>, vector<1x16xf32>,
          %get3A_877 = vector.shape_cast %get3A_876 : vector<1x16xf32> to vector<16xf32>
          %get3A_878 = arith.index_cast %add3A_873 : i32 to index
          %get3A_879 = arith.constant 16 : index
          %get3A_880 = tpu.vector_load %arg35[%get3A_878, %get3A_879] {strides = array<i32>} : memref<800x64xf32, #tpu.memory_space<vmem>>, vector<1x16xf32>,
          %get3A_881 = vector.shape_cast %get3A_880 : vector<1x16xf32> to vector<16xf32>
          %get3A_882 = arith.index_cast %add3A_873 : i32 to index
          %get3A_883 = arith.constant 32 : index
          %get3A_884 = tpu.vector_load %arg35[%get3A_882, %get3A_883] {strides = array<i32>} : memref<800x64xf32, #tpu.memory_space<vmem>>, vector<1x16xf32>,
          %get3A_885 = vector.shape_cast %get3A_884 : vector<1x16xf32> to vector<16xf32>
          %get3A_886 = arith.index_cast %add3A_873 : i32 to index
          %get3A_887 = arith.constant 48 : index
          %get3A_888 = tpu.vector_load %arg35[%get3A_886, %get3A_887] {strides = array<i32>} : memref<800x64xf32, #tpu.memory_space<vmem>>, vector<1x16xf32>,
          %get3A_889 = vector.shape_cast %get3A_888 : vector<1x16xf32> to vector<16xf32>
          %get3A_890 = arith.index_cast %add3A_873 : i32 to index
          %get3A_891 = tpu.vector_load %arg34[%get3A_890] {strides = array<i32>} : memref<816xf32, #tpu.memory_space<vmem>>, vector<16xf32>,
          %get3A_892 = vector.shape_cast %get3A_891 : vector<16xf32> to vector<16xf32>
          %and3A_893 = arith.constant 0 : i32
          %and3A_894 = vector.broadcast %and3A_893 : i32 to vector<16xi32>
          %and3A_895 = arith.andi %iota3A, %and3A_894 : vector<16xi32>
          %broadcast_in_dim3A_896 = vector.shape_cast %and3A_895 : vector<16xi32> to vector<16x1xi32>
          %gather3A_897 = vector.shape_cast %broadcast_in_dim3A_896 : vector<16x1xi32> to vector<16xi32>
          %gather3A_898 = tpu.dynamic_gather %get3A_892[%gather3A_897] in [0] : vector<16xf32>, vector<16xi32> -> vector<16xf32>
          %mul3A_899 = arith.mulf %get3A_877, %gather3A_898 : vector<16xf32>
          %add3A_900 = arith.addf %add3A_862, %mul3A_899 : vector<16xf32>
          %mul3A_901 = arith.mulf %get3A_881, %gather3A_898 : vector<16xf32>
          %add3A_902 = arith.addf %add3A_864, %mul3A_901 : vector<16xf32>
          %mul3A_903 = arith.mulf %get3A_885, %gather3A_898 : vector<16xf32>
          %add3A_904 = arith.addf %add3A_866, %mul3A_903 : vector<16xf32>
          %mul3A_905 = arith.mulf %get3A_889, %gather3A_898 : vector<16xf32>
          %add3A_906 = arith.addf %add3A_868, %mul3A_905 : vector<16xf32>
          %mul3A_907 = arith.constant 10 : i32
          %mul3A_908 = arith.muli %scan3A_600, %mul3A_907 : i32
          %add3A_909 = arith.addi %mul3A_547, %mul3A_908 : i32
          %add3A_910 = arith.constant 8 : i32
          %add3A_911 = arith.addi %add3A_909, %add3A_910 : i32
          %get3A_912 = arith.index_cast %add3A_911 : i32 to index
          %get3A_913 = arith.constant 0 : index
          %get3A_914 = tpu.vector_load %arg35[%get3A_912, %get3A_913] {strides = array<i32>} : memref<800x64xf32, #tpu.memory_space<vmem>>, vector<1x16xf32>,
          %get3A_915 = vector.shape_cast %get3A_914 : vector<1x16xf32> to vector<16xf32>
          %get3A_916 = arith.index_cast %add3A_911 : i32 to index
          %get3A_917 = arith.constant 16 : index
          %get3A_918 = tpu.vector_load %arg35[%get3A_916, %get3A_917] {strides = array<i32>} : memref<800x64xf32, #tpu.memory_space<vmem>>, vector<1x16xf32>,
          %get3A_919 = vector.shape_cast %get3A_918 : vector<1x16xf32> to vector<16xf32>
          %get3A_920 = arith.index_cast %add3A_911 : i32 to index
          %get3A_921 = arith.constant 32 : index
          %get3A_922 = tpu.vector_load %arg35[%get3A_920, %get3A_921] {strides = array<i32>} : memref<800x64xf32, #tpu.memory_space<vmem>>, vector<1x16xf32>,
          %get3A_923 = vector.shape_cast %get3A_922 : vector<1x16xf32> to vector<16xf32>
          %get3A_924 = arith.index_cast %add3A_911 : i32 to index
          %get3A_925 = arith.constant 48 : index
          %get3A_926 = tpu.vector_load %arg35[%get3A_924, %get3A_925] {strides = array<i32>} : memref<800x64xf32, #tpu.memory_space<vmem>>, vector<1x16xf32>,
          %get3A_927 = vector.shape_cast %get3A_926 : vector<1x16xf32> to vector<16xf32>
          %get3A_928 = arith.index_cast %add3A_911 : i32 to index
          %get3A_929 = tpu.vector_load %arg34[%get3A_928] {strides = array<i32>} : memref<816xf32, #tpu.memory_space<vmem>>, vector<16xf32>,
          %get3A_930 = vector.shape_cast %get3A_929 : vector<16xf32> to vector<16xf32>
          %and3A_931 = arith.constant 0 : i32
          %and3A_932 = vector.broadcast %and3A_931 : i32 to vector<16xi32>
          %and3A_933 = arith.andi %iota3A, %and3A_932 : vector<16xi32>
          %broadcast_in_dim3A_934 = vector.shape_cast %and3A_933 : vector<16xi32> to vector<16x1xi32>
          %gather3A_935 = vector.shape_cast %broadcast_in_dim3A_934 : vector<16x1xi32> to vector<16xi32>
          %gather3A_936 = tpu.dynamic_gather %get3A_930[%gather3A_935] in [0] : vector<16xf32>, vector<16xi32> -> vector<16xf32>
          %mul3A_937 = arith.mulf %get3A_915, %gather3A_936 : vector<16xf32>
          %add3A_938 = arith.addf %add3A_900, %mul3A_937 : vector<16xf32>
          %mul3A_939 = arith.mulf %get3A_919, %gather3A_936 : vector<16xf32>
          %add3A_940 = arith.addf %add3A_902, %mul3A_939 : vector<16xf32>
          %mul3A_941 = arith.mulf %get3A_923, %gather3A_936 : vector<16xf32>
          %add3A_942 = arith.addf %add3A_904, %mul3A_941 : vector<16xf32>
          %mul3A_943 = arith.mulf %get3A_927, %gather3A_936 : vector<16xf32>
          %add3A_944 = arith.addf %add3A_906, %mul3A_943 : vector<16xf32>
          %mul3A_945 = arith.constant 10 : i32
          %mul3A_946 = arith.muli %scan3A_600, %mul3A_945 : i32
          %add3A_947 = arith.addi %mul3A_547, %mul3A_946 : i32
          %add3A_948 = arith.constant 9 : i32
          %add3A_949 = arith.addi %add3A_947, %add3A_948 : i32
          %get3A_950 = arith.index_cast %add3A_949 : i32 to index
          %get3A_951 = arith.constant 0 : index
          %get3A_952 = tpu.vector_load %arg35[%get3A_950, %get3A_951] {strides = array<i32>} : memref<800x64xf32, #tpu.memory_space<vmem>>, vector<1x16xf32>,
          %get3A_953 = vector.shape_cast %get3A_952 : vector<1x16xf32> to vector<16xf32>
          %get3A_954 = arith.index_cast %add3A_949 : i32 to index
          %get3A_955 = arith.constant 16 : index
          %get3A_956 = tpu.vector_load %arg35[%get3A_954, %get3A_955] {strides = array<i32>} : memref<800x64xf32, #tpu.memory_space<vmem>>, vector<1x16xf32>,
          %get3A_957 = vector.shape_cast %get3A_956 : vector<1x16xf32> to vector<16xf32>
          %get3A_958 = arith.index_cast %add3A_949 : i32 to index
          %get3A_959 = arith.constant 32 : index
          %get3A_960 = tpu.vector_load %arg35[%get3A_958, %get3A_959] {strides = array<i32>} : memref<800x64xf32, #tpu.memory_space<vmem>>, vector<1x16xf32>,
          %get3A_961 = vector.shape_cast %get3A_960 : vector<1x16xf32> to vector<16xf32>
          %get3A_962 = arith.index_cast %add3A_949 : i32 to index
          %get3A_963 = arith.constant 48 : index
          %get3A_964 = tpu.vector_load %arg35[%get3A_962, %get3A_963] {strides = array<i32>} : memref<800x64xf32, #tpu.memory_space<vmem>>, vector<1x16xf32>,
          %get3A_965 = vector.shape_cast %get3A_964 : vector<1x16xf32> to vector<16xf32>
          %get3A_966 = arith.index_cast %add3A_949 : i32 to index
          %get3A_967 = tpu.vector_load %arg34[%get3A_966] {strides = array<i32>} : memref<816xf32, #tpu.memory_space<vmem>>, vector<16xf32>,
          %get3A_968 = vector.shape_cast %get3A_967 : vector<16xf32> to vector<16xf32>
          %and3A_969 = arith.constant 0 : i32
          %and3A_970 = vector.broadcast %and3A_969 : i32 to vector<16xi32>
          %and3A_971 = arith.andi %iota3A, %and3A_970 : vector<16xi32>
          %broadcast_in_dim3A_972 = vector.shape_cast %and3A_971 : vector<16xi32> to vector<16x1xi32>
          %gather3A_973 = vector.shape_cast %broadcast_in_dim3A_972 : vector<16x1xi32> to vector<16xi32>
          %gather3A_974 = tpu.dynamic_gather %get3A_968[%gather3A_973] in [0] : vector<16xf32>, vector<16xi32> -> vector<16xf32>
          %mul3A_975 = arith.mulf %get3A_953, %gather3A_974 : vector<16xf32>
          %add3A_976 = arith.addf %add3A_938, %mul3A_975 : vector<16xf32>
          %mul3A_977 = arith.mulf %get3A_957, %gather3A_974 : vector<16xf32>
          %add3A_978 = arith.addf %add3A_940, %mul3A_977 : vector<16xf32>
          %mul3A_979 = arith.mulf %get3A_961, %gather3A_974 : vector<16xf32>
          %add3A_980 = arith.addf %add3A_942, %mul3A_979 : vector<16xf32>
          %mul3A_981 = arith.mulf %get3A_965, %gather3A_974 : vector<16xf32>
          %add3A_982 = arith.addf %add3A_944, %mul3A_981 : vector<16xf32>
          scf.yield %add3A_976, %add3A_978, %add3A_980, %add3A_982 : vector<16xf32>, vector<16xf32>, vector<16xf32>, vector<16xf32>
        }
        %scan3A_560 = arith.constant 5 : i32
        %mul3A_561 = arith.constant 374 : i32
        %mul3A_562 = arith.muli %scan3A_545, %mul3A_561 : i32
        %add3A_563 = arith.constant 44 : i32
        %add3A_564 = arith.addi %mul3A_562, %add3A_563 : i32
        %add3A_565 = arith.constant 0 : i32
        %add3A_566 = arith.addi %add3A_564, %add3A_565 : i32
        %swap3A = arith.index_cast %add3A_566 : i32 to index
        %swap3A_567 = tpu.vector_load %arg52[%swap3A] {strides = array<i32>} : memref<5984xf32, #tpu.memory_space<vmem>>, vector<16xf32>,
        %swap3A_568 = vector.shape_cast %swap3A_567 : vector<16xf32> to vector<16xf32>
        %swap3A_569 = vector.shape_cast %scan3A_559#0 : vector<16xf32> to vector<16xf32>
        tpu.vector_store %arg52[%swap3A], %swap3A_569 {strides = array<i32>} : memref<5984xf32, #tpu.memory_space<vmem>>, vector<16xf32>,
        %mul3A_570 = arith.constant 374 : i32
        %mul3A_571 = arith.muli %scan3A_545, %mul3A_570 : i32
        %add3A_572 = arith.constant 44 : i32
        %add3A_573 = arith.addi %mul3A_571, %add3A_572 : i32
        %add3A_574 = arith.constant 16 : i32
        %add3A_575 = arith.addi %add3A_573, %add3A_574 : i32
        %swap3A_576 = arith.index_cast %add3A_575 : i32 to index
        %swap3A_577 = tpu.vector_load %arg52[%swap3A_576] {strides = array<i32>} : memref<5984xf32, #tpu.memory_space<vmem>>, vector<16xf32>,
        %swap3A_578 = vector.shape_cast %swap3A_577 : vector<16xf32> to vector<16xf32>
        %swap3A_579 = vector.shape_cast %scan3A_559#1 : vector<16xf32> to vector<16xf32>
        tpu.vector_store %arg52[%swap3A_576], %swap3A_579 {strides = array<i32>} : memref<5984xf32, #tpu.memory_space<vmem>>, vector<16xf32>,
        %mul3A_580 = arith.constant 374 : i32
        %mul3A_581 = arith.muli %scan3A_545, %mul3A_580 : i32
        %add3A_582 = arith.constant 44 : i32
        %add3A_583 = arith.addi %mul3A_581, %add3A_582 : i32
        %add3A_584 = arith.constant 32 : i32
        %add3A_585 = arith.addi %add3A_583, %add3A_584 : i32
        %swap3A_586 = arith.index_cast %add3A_585 : i32 to index
        %swap3A_587 = tpu.vector_load %arg52[%swap3A_586] {strides = array<i32>} : memref<5984xf32, #tpu.memory_space<vmem>>, vector<16xf32>,
        %swap3A_588 = vector.shape_cast %swap3A_587 : vector<16xf32> to vector<16xf32>
        %swap3A_589 = vector.shape_cast %scan3A_559#2 : vector<16xf32> to vector<16xf32>
        tpu.vector_store %arg52[%swap3A_586], %swap3A_589 {strides = array<i32>} : memref<5984xf32, #tpu.memory_space<vmem>>, vector<16xf32>,
        %mul3A_590 = arith.constant 374 : i32
        %mul3A_591 = arith.muli %scan3A_545, %mul3A_590 : i32
        %add3A_592 = arith.constant 44 : i32
        %add3A_593 = arith.addi %mul3A_591, %add3A_592 : i32
        %add3A_594 = arith.constant 48 : i32
        %add3A_595 = arith.addi %add3A_593, %add3A_594 : i32
        %swap3A_596 = arith.index_cast %add3A_595 : i32 to index
        %swap3A_597 = tpu.vector_load %arg52[%swap3A_596] {strides = array<i32>} : memref<5984xf32, #tpu.memory_space<vmem>>, vector<16xf32>,
        %swap3A_598 = vector.shape_cast %swap3A_597 : vector<16xf32> to vector<16xf32>
        %swap3A_599 = vector.shape_cast %scan3A_559#3 : vector<16xf32> to vector<16xf32>
        tpu.vector_store %arg52[%swap3A_596], %swap3A_599 {strides = array<i32>} : memref<5984xf32, #tpu.memory_space<vmem>>, vector<16xf32>,
      }
      %scan3A_476 = arith.constant 16 : i32
      %dma_wait3A_477 = arith.constant 0 : i32
      %dma_wait3A_478 = arith.constant 0 : i32
      %dma_wait3A_479 = tpu.memref_slice %arg39[%dma_wait3A_477, %dma_wait3A_478] : memref<800x64xf32, #tpu.memory_space<vmem>> -> memref<128x64xf32, #tpu.memory_space<vmem>>
      %dma_wait3A_480 = arith.constant 0 : i32
      %dma_wait3A_481 = tpu.memref_slice %arg36[%dma_wait3A_480] : memref<800xi32, #tpu.memory_space<vmem>> -> memref<128xi32, #tpu.memory_space<vmem>>
      %dma_wait3A_482 = arith.constant 0 : i32
      %dma_wait3A_483 = arith.constant 0 : i32
      %dma_wait3A_484 = tpu.memref_slice %arg25[%dma_wait3A_482, %dma_wait3A_483] : memref<100000x64xf32, #tpu.memory_space<hbm>> -> memref<100000x64xf32, #tpu.memory_space<hbm>>
      tpu.wait_indirect_dma semaphore(%arg54 : memref<!tpu.dma_semaphore, #tpu.memory_space<semaphore_mem>>) src(%dma_wait3A_484 : memref<100000x64xf32, #tpu.memory_space<hbm>>) dst(%dma_wait3A_479 : memref<128x64xf32, #tpu.memory_space<vmem>>)
      %dma_wait3A_485 = arith.constant 128 : i32
      %dma_wait3A_486 = arith.constant 0 : i32
      %dma_wait3A_487 = tpu.memref_slice %arg39[%dma_wait3A_485, %dma_wait3A_486] : memref<800x64xf32, #tpu.memory_space<vmem>> -> memref<128x64xf32, #tpu.memory_space<vmem>>
      %dma_wait3A_488 = arith.constant 128 : i32
      %dma_wait3A_489 = tpu.memref_slice %arg36[%dma_wait3A_488] : memref<800xi32, #tpu.memory_space<vmem>> -> memref<128xi32, #tpu.memory_space<vmem>>
      %dma_wait3A_490 = arith.constant 0 : i32
      %dma_wait3A_491 = arith.constant 0 : i32
      %dma_wait3A_492 = tpu.memref_slice %arg25[%dma_wait3A_490, %dma_wait3A_491] : memref<100000x64xf32, #tpu.memory_space<hbm>> -> memref<100000x64xf32, #tpu.memory_space<hbm>>
      tpu.wait_indirect_dma semaphore(%arg54 : memref<!tpu.dma_semaphore, #tpu.memory_space<semaphore_mem>>) src(%dma_wait3A_492 : memref<100000x64xf32, #tpu.memory_space<hbm>>) dst(%dma_wait3A_487 : memref<128x64xf32, #tpu.memory_space<vmem>>)
      %dma_wait3A_493 = arith.constant 256 : i32
      %dma_wait3A_494 = arith.constant 0 : i32
      %dma_wait3A_495 = tpu.memref_slice %arg39[%dma_wait3A_493, %dma_wait3A_494] : memref<800x64xf32, #tpu.memory_space<vmem>> -> memref<128x64xf32, #tpu.memory_space<vmem>>
      %dma_wait3A_496 = arith.constant 256 : i32
      %dma_wait3A_497 = tpu.memref_slice %arg36[%dma_wait3A_496] : memref<800xi32, #tpu.memory_space<vmem>> -> memref<128xi32, #tpu.memory_space<vmem>>
      %dma_wait3A_498 = arith.constant 0 : i32
      %dma_wait3A_499 = arith.constant 0 : i32
      %dma_wait3A_500 = tpu.memref_slice %arg25[%dma_wait3A_498, %dma_wait3A_499] : memref<100000x64xf32, #tpu.memory_space<hbm>> -> memref<100000x64xf32, #tpu.memory_space<hbm>>
      tpu.wait_indirect_dma semaphore(%arg54 : memref<!tpu.dma_semaphore, #tpu.memory_space<semaphore_mem>>) src(%dma_wait3A_500 : memref<100000x64xf32, #tpu.memory_space<hbm>>) dst(%dma_wait3A_495 : memref<128x64xf32, #tpu.memory_space<vmem>>)
      %dma_wait3A_501 = arith.constant 384 : i32
      %dma_wait3A_502 = arith.constant 0 : i32
      %dma_wait3A_503 = tpu.memref_slice %arg39[%dma_wait3A_501, %dma_wait3A_502] : memref<800x64xf32, #tpu.memory_space<vmem>> -> memref<128x64xf32, #tpu.memory_space<vmem>>
      %dma_wait3A_504 = arith.constant 384 : i32
      %dma_wait3A_505 = tpu.memref_slice %arg36[%dma_wait3A_504] : memref<800xi32, #tpu.memory_space<vmem>> -> memref<128xi32, #tpu.memory_space<vmem>>
      %dma_wait3A_506 = arith.constant 0 : i32
      %dma_wait3A_507 = arith.constant 0 : i32
      %dma_wait3A_508 = tpu.memref_slice %arg25[%dma_wait3A_506, %dma_wait3A_507] : memref<100000x64xf32, #tpu.memory_space<hbm>> -> memref<100000x64xf32, #tpu.memory_space<hbm>>
      tpu.wait_indirect_dma semaphore(%arg54 : memref<!tpu.dma_semaphore, #tpu.memory_space<semaphore_mem>>) src(%dma_wait3A_508 : memref<100000x64xf32, #tpu.memory_space<hbm>>) dst(%dma_wait3A_503 : memref<128x64xf32, #tpu.memory_space<vmem>>)
      %dma_wait3A_509 = arith.constant 512 : i32
      %dma_wait3A_510 = arith.constant 0 : i32
      %dma_wait3A_511 = tpu.memref_slice %arg39[%dma_wait3A_509, %dma_wait3A_510] : memref<800x64xf32, #tpu.memory_space<vmem>> -> memref<128x64xf32, #tpu.memory_space<vmem>>
      %dma_wait3A_512 = arith.constant 512 : i32
      %dma_wait3A_513 = tpu.memref_slice %arg36[%dma_wait3A_512] : memref<800xi32, #tpu.memory_space<vmem>> -> memref<128xi32, #tpu.memory_space<vmem>>
      %dma_wait3A_514 = arith.constant 0 : i32
      %dma_wait3A_515 = arith.constant 0 : i32
      %dma_wait3A_516 = tpu.memref_slice %arg25[%dma_wait3A_514, %dma_wait3A_515] : memref<100000x64xf32, #tpu.memory_space<hbm>> -> memref<100000x64xf32, #tpu.memory_space<hbm>>
      tpu.wait_indirect_dma semaphore(%arg54 : memref<!tpu.dma_semaphore, #tpu.memory_space<semaphore_mem>>) src(%dma_wait3A_516 : memref<100000x64xf32, #tpu.memory_space<hbm>>) dst(%dma_wait3A_511 : memref<128x64xf32, #tpu.memory_space<vmem>>)
      %dma_wait3A_517 = arith.constant 640 : i32
      %dma_wait3A_518 = arith.constant 0 : i32
      %dma_wait3A_519 = tpu.memref_slice %arg39[%dma_wait3A_517, %dma_wait3A_518] : memref<800x64xf32, #tpu.memory_space<vmem>> -> memref<128x64xf32, #tpu.memory_space<vmem>>
      %dma_wait3A_520 = arith.constant 640 : i32
      %dma_wait3A_521 = tpu.memref_slice %arg36[%dma_wait3A_520] : memref<800xi32, #tpu.memory_space<vmem>> -> memref<128xi32, #tpu.memory_space<vmem>>
      %dma_wait3A_522 = arith.constant 0 : i32
      %dma_wait3A_523 = arith.constant 0 : i32
      %dma_wait3A_524 = tpu.memref_slice %arg25[%dma_wait3A_522, %dma_wait3A_523] : memref<100000x64xf32, #tpu.memory_space<hbm>> -> memref<100000x64xf32, #tpu.memory_space<hbm>>
      tpu.wait_indirect_dma semaphore(%arg54 : memref<!tpu.dma_semaphore, #tpu.memory_space<semaphore_mem>>) src(%dma_wait3A_524 : memref<100000x64xf32, #tpu.memory_space<hbm>>) dst(%dma_wait3A_519 : memref<128x64xf32, #tpu.memory_space<vmem>>)
      %dma_wait3A_525 = arith.constant 768 : i32
      %dma_wait3A_526 = arith.constant 0 : i32
      %dma_wait3A_527 = tpu.memref_slice %arg39[%dma_wait3A_525, %dma_wait3A_526] : memref<800x64xf32, #tpu.memory_space<vmem>> -> memref<32x64xf32, #tpu.memory_space<vmem>>
      %dma_wait3A_528 = arith.constant 768 : i32
      %dma_wait3A_529 = tpu.memref_slice %arg36[%dma_wait3A_528] : memref<800xi32, #tpu.memory_space<vmem>> -> memref<32xi32, #tpu.memory_space<vmem>>
      %dma_wait3A_530 = arith.constant 0 : i32
      %dma_wait3A_531 = arith.constant 0 : i32
      %dma_wait3A_532 = tpu.memref_slice %arg25[%dma_wait3A_530, %dma_wait3A_531] : memref<100000x64xf32, #tpu.memory_space<hbm>> -> memref<100000x64xf32, #tpu.memory_space<hbm>>
      tpu.wait_indirect_dma semaphore(%arg54 : memref<!tpu.dma_semaphore, #tpu.memory_space<semaphore_mem>>) src(%dma_wait3A_532 : memref<100000x64xf32, #tpu.memory_space<hbm>>) dst(%dma_wait3A_527 : memref<32x64xf32, #tpu.memory_space<vmem>>)
      %scan3A_533 = arith.constant 0 : i32
      %scan3A_534 = arith.constant 0 : i32
      %scan3A_535 = arith.constant 16 : i32
      %scan3A_536 = arith.addi %scan3A_534, %scan3A_535 : i32
      %scan3A_537 = arith.constant 1 : i32
      scf.for %scan3A_545 = %scan3A_534 to %scan3A_536 step %scan3A_537  : i32 {
        %mul3A_546 = arith.constant 50 : i32
        %mul3A_547 = arith.muli %scan3A_545, %mul3A_546 : i32
        %broadcast_in_dim3A = arith.constant 0.000000e+00 : f32
        %broadcast_in_dim3A_548 = vector.broadcast %broadcast_in_dim3A : f32 to vector<16xf32>
        %broadcast_in_dim3A_549 = arith.constant 0.000000e+00 : f32
        %broadcast_in_dim3A_550 = vector.broadcast %broadcast_in_dim3A_549 : f32 to vector<16xf32>
        %broadcast_in_dim3A_551 = arith.constant 0.000000e+00 : f32
        %broadcast_in_dim3A_552 = vector.broadcast %broadcast_in_dim3A_551 : f32 to vector<16xf32>
        %broadcast_in_dim3A_553 = arith.constant 0.000000e+00 : f32
        %broadcast_in_dim3A_554 = vector.broadcast %broadcast_in_dim3A_553 : f32 to vector<16xf32>
        %broadcast_in_dim3A_555 = arith.constant 0.000000e+00 : f32
        %broadcast_in_dim3A_556 = vector.broadcast %broadcast_in_dim3A_555 : f32 to vector<16xf32>
        %broadcast_in_dim3A_557 = arith.constant 0.000000e+00 : f32
        %broadcast_in_dim3A_558 = vector.broadcast %broadcast_in_dim3A_557 : f32 to vector<16xf32>
        %broadcast_in_dim3A_559 = arith.constant 0.000000e+00 : f32
        %broadcast_in_dim3A_560 = vector.broadcast %broadcast_in_dim3A_559 : f32 to vector<16xf32>
        %broadcast_in_dim3A_561 = arith.constant 0.000000e+00 : f32
        %broadcast_in_dim3A_562 = vector.broadcast %broadcast_in_dim3A_561 : f32 to vector<16xf32>
        %scan3A_563 = arith.constant 0 : i32
        %scan3A_564 = arith.constant 5 : i32
        %scan3A_565 = arith.addi %scan3A_563, %scan3A_564 : i32
        %scan3A_566 = arith.constant 1 : i32
        %scan3A_567:8 = scf.for %scan3A_648 = %scan3A_563 to %scan3A_565 step %scan3A_566 iter_args(%scan3A_649 = %broadcast_in_dim3A_548, %scan3A_650 = %broadcast_in_dim3A_550, %scan3A_651 = %broadcast_in_dim3A_552, %scan3A_652 = %broadcast_in_dim3A_554, %scan3A_653 = %broadcast_in_dim3A_556, %scan3A_654 = %broadcast_in_dim3A_558, %scan3A_655 = %broadcast_in_dim3A_560, %scan3A_656 = %broadcast_in_dim3A_562) -> (vector<16xf32>, vector<16xf32>, vector<16xf32>, vector<16xf32>, vector<16xf32>, vector<16xf32>, vector<16xf32>, vector<16xf32>)  : i32 {
          %mul3A_657 = arith.constant 10 : i32
          %mul3A_658 = arith.muli %scan3A_648, %mul3A_657 : i32
          %add3A_659 = arith.addi %mul3A_547, %mul3A_658 : i32
          %add3A_660 = arith.constant 0 : i32
          %add3A_661 = arith.addi %add3A_659, %add3A_660 : i32
          %get3A_662 = arith.index_cast %add3A_661 : i32 to index
          %get3A_663 = arith.constant 0 : index
          %get3A_664 = tpu.vector_load %arg39[%get3A_662, %get3A_663] {strides = array<i32>} : memref<800x64xf32, #tpu.memory_space<vmem>>, vector<1x16xf32>,
          %get3A_665 = vector.shape_cast %get3A_664 : vector<1x16xf32> to vector<16xf32>
          %get3A_666 = arith.index_cast %add3A_661 : i32 to index
          %get3A_667 = arith.constant 16 : index
          %get3A_668 = tpu.vector_load %arg39[%get3A_666, %get3A_667] {strides = array<i32>} : memref<800x64xf32, #tpu.memory_space<vmem>>, vector<1x16xf32>,
          %get3A_669 = vector.shape_cast %get3A_668 : vector<1x16xf32> to vector<16xf32>
          %get3A_670 = arith.index_cast %add3A_661 : i32 to index
          %get3A_671 = arith.constant 32 : index
          %get3A_672 = tpu.vector_load %arg39[%get3A_670, %get3A_671] {strides = array<i32>} : memref<800x64xf32, #tpu.memory_space<vmem>>, vector<1x16xf32>,
          %get3A_673 = vector.shape_cast %get3A_672 : vector<1x16xf32> to vector<16xf32>
          %get3A_674 = arith.index_cast %add3A_661 : i32 to index
          %get3A_675 = arith.constant 48 : index
          %get3A_676 = tpu.vector_load %arg39[%get3A_674, %get3A_675] {strides = array<i32>} : memref<800x64xf32, #tpu.memory_space<vmem>>, vector<1x16xf32>,
          %get3A_677 = vector.shape_cast %get3A_676 : vector<1x16xf32> to vector<16xf32>
          %get3A_678 = arith.index_cast %add3A_661 : i32 to index
          %get3A_679 = tpu.vector_load %arg37[%get3A_678] {strides = array<i32>} : memref<816xf32, #tpu.memory_space<vmem>>, vector<16xf32>,
          %get3A_680 = vector.shape_cast %get3A_679 : vector<16xf32> to vector<16xf32>
          %and3A = arith.constant 0 : i32
          %and3A_681 = vector.broadcast %and3A : i32 to vector<16xi32>
          %and3A_682 = arith.andi %iota3A, %and3A_681 : vector<16xi32>
          %broadcast_in_dim3A_683 = vector.shape_cast %and3A_682 : vector<16xi32> to vector<16x1xi32>
          %gather3A = vector.shape_cast %broadcast_in_dim3A_683 : vector<16x1xi32> to vector<16xi32>
          %gather3A_684 = tpu.dynamic_gather %get3A_680[%gather3A] in [0] : vector<16xf32>, vector<16xi32> -> vector<16xf32>
          %get3A_685 = arith.index_cast %add3A_661 : i32 to index
          %get3A_686 = tpu.vector_load %arg38[%get3A_685] {strides = array<i32>} : memref<816xf32, #tpu.memory_space<vmem>>, vector<16xf32>,
          %get3A_687 = vector.shape_cast %get3A_686 : vector<16xf32> to vector<16xf32>
          %and3A_688 = arith.constant 0 : i32
          %and3A_689 = vector.broadcast %and3A_688 : i32 to vector<16xi32>
          %and3A_690 = arith.andi %iota3A, %and3A_689 : vector<16xi32>
          %broadcast_in_dim3A_691 = vector.shape_cast %and3A_690 : vector<16xi32> to vector<16x1xi32>
          %gather3A_692 = vector.shape_cast %broadcast_in_dim3A_691 : vector<16x1xi32> to vector<16xi32>
          %gather3A_693 = tpu.dynamic_gather %get3A_687[%gather3A_692] in [0] : vector<16xf32>, vector<16xi32> -> vector<16xf32>
          %mul3A_694 = arith.mulf %get3A_665, %gather3A_684 : vector<16xf32>
          %add3A_695 = arith.addf %scan3A_649, %mul3A_694 : vector<16xf32>
          %mul3A_696 = arith.mulf %get3A_669, %gather3A_684 : vector<16xf32>
          %add3A_697 = arith.addf %scan3A_650, %mul3A_696 : vector<16xf32>
          %mul3A_698 = arith.mulf %get3A_673, %gather3A_684 : vector<16xf32>
          %add3A_699 = arith.addf %scan3A_651, %mul3A_698 : vector<16xf32>
          %mul3A_700 = arith.mulf %get3A_677, %gather3A_684 : vector<16xf32>
          %add3A_701 = arith.addf %scan3A_652, %mul3A_700 : vector<16xf32>
          %mul3A_702 = arith.mulf %get3A_665, %gather3A_693 : vector<16xf32>
          %add3A_703 = arith.addf %scan3A_653, %mul3A_702 : vector<16xf32>
          %mul3A_704 = arith.mulf %get3A_669, %gather3A_693 : vector<16xf32>
          %add3A_705 = arith.addf %scan3A_654, %mul3A_704 : vector<16xf32>
          %mul3A_706 = arith.mulf %get3A_673, %gather3A_693 : vector<16xf32>
          %add3A_707 = arith.addf %scan3A_655, %mul3A_706 : vector<16xf32>
          %mul3A_708 = arith.mulf %get3A_677, %gather3A_693 : vector<16xf32>
          %add3A_709 = arith.addf %scan3A_656, %mul3A_708 : vector<16xf32>
          %mul3A_710 = arith.constant 10 : i32
          %mul3A_711 = arith.muli %scan3A_648, %mul3A_710 : i32
          %add3A_712 = arith.addi %mul3A_547, %mul3A_711 : i32
          %add3A_713 = arith.constant 1 : i32
          %add3A_714 = arith.addi %add3A_712, %add3A_713 : i32
          %get3A_715 = arith.index_cast %add3A_714 : i32 to index
          %get3A_716 = arith.constant 0 : index
          %get3A_717 = tpu.vector_load %arg39[%get3A_715, %get3A_716] {strides = array<i32>} : memref<800x64xf32, #tpu.memory_space<vmem>>, vector<1x16xf32>,
          %get3A_718 = vector.shape_cast %get3A_717 : vector<1x16xf32> to vector<16xf32>
          %get3A_719 = arith.index_cast %add3A_714 : i32 to index
          %get3A_720 = arith.constant 16 : index
          %get3A_721 = tpu.vector_load %arg39[%get3A_719, %get3A_720] {strides = array<i32>} : memref<800x64xf32, #tpu.memory_space<vmem>>, vector<1x16xf32>,
          %get3A_722 = vector.shape_cast %get3A_721 : vector<1x16xf32> to vector<16xf32>
          %get3A_723 = arith.index_cast %add3A_714 : i32 to index
          %get3A_724 = arith.constant 32 : index
          %get3A_725 = tpu.vector_load %arg39[%get3A_723, %get3A_724] {strides = array<i32>} : memref<800x64xf32, #tpu.memory_space<vmem>>, vector<1x16xf32>,
          %get3A_726 = vector.shape_cast %get3A_725 : vector<1x16xf32> to vector<16xf32>
          %get3A_727 = arith.index_cast %add3A_714 : i32 to index
          %get3A_728 = arith.constant 48 : index
          %get3A_729 = tpu.vector_load %arg39[%get3A_727, %get3A_728] {strides = array<i32>} : memref<800x64xf32, #tpu.memory_space<vmem>>, vector<1x16xf32>,
          %get3A_730 = vector.shape_cast %get3A_729 : vector<1x16xf32> to vector<16xf32>
          %get3A_731 = arith.index_cast %add3A_714 : i32 to index
          %get3A_732 = tpu.vector_load %arg37[%get3A_731] {strides = array<i32>} : memref<816xf32, #tpu.memory_space<vmem>>, vector<16xf32>,
          %get3A_733 = vector.shape_cast %get3A_732 : vector<16xf32> to vector<16xf32>
          %and3A_734 = arith.constant 0 : i32
          %and3A_735 = vector.broadcast %and3A_734 : i32 to vector<16xi32>
          %and3A_736 = arith.andi %iota3A, %and3A_735 : vector<16xi32>
          %broadcast_in_dim3A_737 = vector.shape_cast %and3A_736 : vector<16xi32> to vector<16x1xi32>
          %gather3A_738 = vector.shape_cast %broadcast_in_dim3A_737 : vector<16x1xi32> to vector<16xi32>
          %gather3A_739 = tpu.dynamic_gather %get3A_733[%gather3A_738] in [0] : vector<16xf32>, vector<16xi32> -> vector<16xf32>
          %get3A_740 = arith.index_cast %add3A_714 : i32 to index
          %get3A_741 = tpu.vector_load %arg38[%get3A_740] {strides = array<i32>} : memref<816xf32, #tpu.memory_space<vmem>>, vector<16xf32>,
          %get3A_742 = vector.shape_cast %get3A_741 : vector<16xf32> to vector<16xf32>
          %and3A_743 = arith.constant 0 : i32
          %and3A_744 = vector.broadcast %and3A_743 : i32 to vector<16xi32>
          %and3A_745 = arith.andi %iota3A, %and3A_744 : vector<16xi32>
          %broadcast_in_dim3A_746 = vector.shape_cast %and3A_745 : vector<16xi32> to vector<16x1xi32>
          %gather3A_747 = vector.shape_cast %broadcast_in_dim3A_746 : vector<16x1xi32> to vector<16xi32>
          %gather3A_748 = tpu.dynamic_gather %get3A_742[%gather3A_747] in [0] : vector<16xf32>, vector<16xi32> -> vector<16xf32>
          %mul3A_749 = arith.mulf %get3A_718, %gather3A_739 : vector<16xf32>
          %add3A_750 = arith.addf %add3A_695, %mul3A_749 : vector<16xf32>
          %mul3A_751 = arith.mulf %get3A_722, %gather3A_739 : vector<16xf32>
          %add3A_752 = arith.addf %add3A_697, %mul3A_751 : vector<16xf32>
          %mul3A_753 = arith.mulf %get3A_726, %gather3A_739 : vector<16xf32>
          %add3A_754 = arith.addf %add3A_699, %mul3A_753 : vector<16xf32>
          %mul3A_755 = arith.mulf %get3A_730, %gather3A_739 : vector<16xf32>
          %add3A_756 = arith.addf %add3A_701, %mul3A_755 : vector<16xf32>
          %mul3A_757 = arith.mulf %get3A_718, %gather3A_748 : vector<16xf32>
          %add3A_758 = arith.addf %add3A_703, %mul3A_757 : vector<16xf32>
          %mul3A_759 = arith.mulf %get3A_722, %gather3A_748 : vector<16xf32>
          %add3A_760 = arith.addf %add3A_705, %mul3A_759 : vector<16xf32>
          %mul3A_761 = arith.mulf %get3A_726, %gather3A_748 : vector<16xf32>
          %add3A_762 = arith.addf %add3A_707, %mul3A_761 : vector<16xf32>
          %mul3A_763 = arith.mulf %get3A_730, %gather3A_748 : vector<16xf32>
          %add3A_764 = arith.addf %add3A_709, %mul3A_763 : vector<16xf32>
          %mul3A_765 = arith.constant 10 : i32
          %mul3A_766 = arith.muli %scan3A_648, %mul3A_765 : i32
          %add3A_767 = arith.addi %mul3A_547, %mul3A_766 : i32
          %add3A_768 = arith.constant 2 : i32
          %add3A_769 = arith.addi %add3A_767, %add3A_768 : i32
          %get3A_770 = arith.index_cast %add3A_769 : i32 to index
          %get3A_771 = arith.constant 0 : index
          %get3A_772 = tpu.vector_load %arg39[%get3A_770, %get3A_771] {strides = array<i32>} : memref<800x64xf32, #tpu.memory_space<vmem>>, vector<1x16xf32>,
          %get3A_773 = vector.shape_cast %get3A_772 : vector<1x16xf32> to vector<16xf32>
          %get3A_774 = arith.index_cast %add3A_769 : i32 to index
          %get3A_775 = arith.constant 16 : index
          %get3A_776 = tpu.vector_load %arg39[%get3A_774, %get3A_775] {strides = array<i32>} : memref<800x64xf32, #tpu.memory_space<vmem>>, vector<1x16xf32>,
          %get3A_777 = vector.shape_cast %get3A_776 : vector<1x16xf32> to vector<16xf32>
          %get3A_778 = arith.index_cast %add3A_769 : i32 to index
          %get3A_779 = arith.constant 32 : index
          %get3A_780 = tpu.vector_load %arg39[%get3A_778, %get3A_779] {strides = array<i32>} : memref<800x64xf32, #tpu.memory_space<vmem>>, vector<1x16xf32>,
          %get3A_781 = vector.shape_cast %get3A_780 : vector<1x16xf32> to vector<16xf32>
          %get3A_782 = arith.index_cast %add3A_769 : i32 to index
          %get3A_783 = arith.constant 48 : index
          %get3A_784 = tpu.vector_load %arg39[%get3A_782, %get3A_783] {strides = array<i32>} : memref<800x64xf32, #tpu.memory_space<vmem>>, vector<1x16xf32>,
          %get3A_785 = vector.shape_cast %get3A_784 : vector<1x16xf32> to vector<16xf32>
          %get3A_786 = arith.index_cast %add3A_769 : i32 to index
          %get3A_787 = tpu.vector_load %arg37[%get3A_786] {strides = array<i32>} : memref<816xf32, #tpu.memory_space<vmem>>, vector<16xf32>,
          %get3A_788 = vector.shape_cast %get3A_787 : vector<16xf32> to vector<16xf32>
          %and3A_789 = arith.constant 0 : i32
          %and3A_790 = vector.broadcast %and3A_789 : i32 to vector<16xi32>
          %and3A_791 = arith.andi %iota3A, %and3A_790 : vector<16xi32>
          %broadcast_in_dim3A_792 = vector.shape_cast %and3A_791 : vector<16xi32> to vector<16x1xi32>
          %gather3A_793 = vector.shape_cast %broadcast_in_dim3A_792 : vector<16x1xi32> to vector<16xi32>
          %gather3A_794 = tpu.dynamic_gather %get3A_788[%gather3A_793] in [0] : vector<16xf32>, vector<16xi32> -> vector<16xf32>
          %get3A_795 = arith.index_cast %add3A_769 : i32 to index
          %get3A_796 = tpu.vector_load %arg38[%get3A_795] {strides = array<i32>} : memref<816xf32, #tpu.memory_space<vmem>>, vector<16xf32>,
          %get3A_797 = vector.shape_cast %get3A_796 : vector<16xf32> to vector<16xf32>
          %and3A_798 = arith.constant 0 : i32
          %and3A_799 = vector.broadcast %and3A_798 : i32 to vector<16xi32>
          %and3A_800 = arith.andi %iota3A, %and3A_799 : vector<16xi32>
          %broadcast_in_dim3A_801 = vector.shape_cast %and3A_800 : vector<16xi32> to vector<16x1xi32>
          %gather3A_802 = vector.shape_cast %broadcast_in_dim3A_801 : vector<16x1xi32> to vector<16xi32>
          %gather3A_803 = tpu.dynamic_gather %get3A_797[%gather3A_802] in [0] : vector<16xf32>, vector<16xi32> -> vector<16xf32>
          %mul3A_804 = arith.mulf %get3A_773, %gather3A_794 : vector<16xf32>
          %add3A_805 = arith.addf %add3A_750, %mul3A_804 : vector<16xf32>
          %mul3A_806 = arith.mulf %get3A_777, %gather3A_794 : vector<16xf32>
          %add3A_807 = arith.addf %add3A_752, %mul3A_806 : vector<16xf32>
          %mul3A_808 = arith.mulf %get3A_781, %gather3A_794 : vector<16xf32>
          %add3A_809 = arith.addf %add3A_754, %mul3A_808 : vector<16xf32>
          %mul3A_810 = arith.mulf %get3A_785, %gather3A_794 : vector<16xf32>
          %add3A_811 = arith.addf %add3A_756, %mul3A_810 : vector<16xf32>
          %mul3A_812 = arith.mulf %get3A_773, %gather3A_803 : vector<16xf32>
          %add3A_813 = arith.addf %add3A_758, %mul3A_812 : vector<16xf32>
          %mul3A_814 = arith.mulf %get3A_777, %gather3A_803 : vector<16xf32>
          %add3A_815 = arith.addf %add3A_760, %mul3A_814 : vector<16xf32>
          %mul3A_816 = arith.mulf %get3A_781, %gather3A_803 : vector<16xf32>
          %add3A_817 = arith.addf %add3A_762, %mul3A_816 : vector<16xf32>
          %mul3A_818 = arith.mulf %get3A_785, %gather3A_803 : vector<16xf32>
          %add3A_819 = arith.addf %add3A_764, %mul3A_818 : vector<16xf32>
          %mul3A_820 = arith.constant 10 : i32
          %mul3A_821 = arith.muli %scan3A_648, %mul3A_820 : i32
          %add3A_822 = arith.addi %mul3A_547, %mul3A_821 : i32
          %add3A_823 = arith.constant 3 : i32
          %add3A_824 = arith.addi %add3A_822, %add3A_823 : i32
          %get3A_825 = arith.index_cast %add3A_824 : i32 to index
          %get3A_826 = arith.constant 0 : index
          %get3A_827 = tpu.vector_load %arg39[%get3A_825, %get3A_826] {strides = array<i32>} : memref<800x64xf32, #tpu.memory_space<vmem>>, vector<1x16xf32>,
          %get3A_828 = vector.shape_cast %get3A_827 : vector<1x16xf32> to vector<16xf32>
          %get3A_829 = arith.index_cast %add3A_824 : i32 to index
          %get3A_830 = arith.constant 16 : index
          %get3A_831 = tpu.vector_load %arg39[%get3A_829, %get3A_830] {strides = array<i32>} : memref<800x64xf32, #tpu.memory_space<vmem>>, vector<1x16xf32>,
          %get3A_832 = vector.shape_cast %get3A_831 : vector<1x16xf32> to vector<16xf32>
          %get3A_833 = arith.index_cast %add3A_824 : i32 to index
          %get3A_834 = arith.constant 32 : index
          %get3A_835 = tpu.vector_load %arg39[%get3A_833, %get3A_834] {strides = array<i32>} : memref<800x64xf32, #tpu.memory_space<vmem>>, vector<1x16xf32>,
          %get3A_836 = vector.shape_cast %get3A_835 : vector<1x16xf32> to vector<16xf32>
          %get3A_837 = arith.index_cast %add3A_824 : i32 to index
          %get3A_838 = arith.constant 48 : index
          %get3A_839 = tpu.vector_load %arg39[%get3A_837, %get3A_838] {strides = array<i32>} : memref<800x64xf32, #tpu.memory_space<vmem>>, vector<1x16xf32>,
          %get3A_840 = vector.shape_cast %get3A_839 : vector<1x16xf32> to vector<16xf32>
          %get3A_841 = arith.index_cast %add3A_824 : i32 to index
          %get3A_842 = tpu.vector_load %arg37[%get3A_841] {strides = array<i32>} : memref<816xf32, #tpu.memory_space<vmem>>, vector<16xf32>,
          %get3A_843 = vector.shape_cast %get3A_842 : vector<16xf32> to vector<16xf32>
          %and3A_844 = arith.constant 0 : i32
          %and3A_845 = vector.broadcast %and3A_844 : i32 to vector<16xi32>
          %and3A_846 = arith.andi %iota3A, %and3A_845 : vector<16xi32>
          %broadcast_in_dim3A_847 = vector.shape_cast %and3A_846 : vector<16xi32> to vector<16x1xi32>
          %gather3A_848 = vector.shape_cast %broadcast_in_dim3A_847 : vector<16x1xi32> to vector<16xi32>
          %gather3A_849 = tpu.dynamic_gather %get3A_843[%gather3A_848] in [0] : vector<16xf32>, vector<16xi32> -> vector<16xf32>
          %get3A_850 = arith.index_cast %add3A_824 : i32 to index
          %get3A_851 = tpu.vector_load %arg38[%get3A_850] {strides = array<i32>} : memref<816xf32, #tpu.memory_space<vmem>>, vector<16xf32>,
          %get3A_852 = vector.shape_cast %get3A_851 : vector<16xf32> to vector<16xf32>
          %and3A_853 = arith.constant 0 : i32
          %and3A_854 = vector.broadcast %and3A_853 : i32 to vector<16xi32>
          %and3A_855 = arith.andi %iota3A, %and3A_854 : vector<16xi32>
          %broadcast_in_dim3A_856 = vector.shape_cast %and3A_855 : vector<16xi32> to vector<16x1xi32>
          %gather3A_857 = vector.shape_cast %broadcast_in_dim3A_856 : vector<16x1xi32> to vector<16xi32>
          %gather3A_858 = tpu.dynamic_gather %get3A_852[%gather3A_857] in [0] : vector<16xf32>, vector<16xi32> -> vector<16xf32>
          %mul3A_859 = arith.mulf %get3A_828, %gather3A_849 : vector<16xf32>
          %add3A_860 = arith.addf %add3A_805, %mul3A_859 : vector<16xf32>
          %mul3A_861 = arith.mulf %get3A_832, %gather3A_849 : vector<16xf32>
          %add3A_862 = arith.addf %add3A_807, %mul3A_861 : vector<16xf32>
          %mul3A_863 = arith.mulf %get3A_836, %gather3A_849 : vector<16xf32>
          %add3A_864 = arith.addf %add3A_809, %mul3A_863 : vector<16xf32>
          %mul3A_865 = arith.mulf %get3A_840, %gather3A_849 : vector<16xf32>
          %add3A_866 = arith.addf %add3A_811, %mul3A_865 : vector<16xf32>
          %mul3A_867 = arith.mulf %get3A_828, %gather3A_858 : vector<16xf32>
          %add3A_868 = arith.addf %add3A_813, %mul3A_867 : vector<16xf32>
          %mul3A_869 = arith.mulf %get3A_832, %gather3A_858 : vector<16xf32>
          %add3A_870 = arith.addf %add3A_815, %mul3A_869 : vector<16xf32>
          %mul3A_871 = arith.mulf %get3A_836, %gather3A_858 : vector<16xf32>
          %add3A_872 = arith.addf %add3A_817, %mul3A_871 : vector<16xf32>
          %mul3A_873 = arith.mulf %get3A_840, %gather3A_858 : vector<16xf32>
          %add3A_874 = arith.addf %add3A_819, %mul3A_873 : vector<16xf32>
          %mul3A_875 = arith.constant 10 : i32
          %mul3A_876 = arith.muli %scan3A_648, %mul3A_875 : i32
          %add3A_877 = arith.addi %mul3A_547, %mul3A_876 : i32
          %add3A_878 = arith.constant 4 : i32
          %add3A_879 = arith.addi %add3A_877, %add3A_878 : i32
          %get3A_880 = arith.index_cast %add3A_879 : i32 to index
          %get3A_881 = arith.constant 0 : index
          %get3A_882 = tpu.vector_load %arg39[%get3A_880, %get3A_881] {strides = array<i32>} : memref<800x64xf32, #tpu.memory_space<vmem>>, vector<1x16xf32>,
          %get3A_883 = vector.shape_cast %get3A_882 : vector<1x16xf32> to vector<16xf32>
          %get3A_884 = arith.index_cast %add3A_879 : i32 to index
          %get3A_885 = arith.constant 16 : index
          %get3A_886 = tpu.vector_load %arg39[%get3A_884, %get3A_885] {strides = array<i32>} : memref<800x64xf32, #tpu.memory_space<vmem>>, vector<1x16xf32>,
          %get3A_887 = vector.shape_cast %get3A_886 : vector<1x16xf32> to vector<16xf32>
          %get3A_888 = arith.index_cast %add3A_879 : i32 to index
          %get3A_889 = arith.constant 32 : index
          %get3A_890 = tpu.vector_load %arg39[%get3A_888, %get3A_889] {strides = array<i32>} : memref<800x64xf32, #tpu.memory_space<vmem>>, vector<1x16xf32>,
          %get3A_891 = vector.shape_cast %get3A_890 : vector<1x16xf32> to vector<16xf32>
          %get3A_892 = arith.index_cast %add3A_879 : i32 to index
          %get3A_893 = arith.constant 48 : index
          %get3A_894 = tpu.vector_load %arg39[%get3A_892, %get3A_893] {strides = array<i32>} : memref<800x64xf32, #tpu.memory_space<vmem>>, vector<1x16xf32>,
          %get3A_895 = vector.shape_cast %get3A_894 : vector<1x16xf32> to vector<16xf32>
          %get3A_896 = arith.index_cast %add3A_879 : i32 to index
          %get3A_897 = tpu.vector_load %arg37[%get3A_896] {strides = array<i32>} : memref<816xf32, #tpu.memory_space<vmem>>, vector<16xf32>,
          %get3A_898 = vector.shape_cast %get3A_897 : vector<16xf32> to vector<16xf32>
          %and3A_899 = arith.constant 0 : i32
          %and3A_900 = vector.broadcast %and3A_899 : i32 to vector<16xi32>
          %and3A_901 = arith.andi %iota3A, %and3A_900 : vector<16xi32>
          %broadcast_in_dim3A_902 = vector.shape_cast %and3A_901 : vector<16xi32> to vector<16x1xi32>
          %gather3A_903 = vector.shape_cast %broadcast_in_dim3A_902 : vector<16x1xi32> to vector<16xi32>
          %gather3A_904 = tpu.dynamic_gather %get3A_898[%gather3A_903] in [0] : vector<16xf32>, vector<16xi32> -> vector<16xf32>
          %get3A_905 = arith.index_cast %add3A_879 : i32 to index
          %get3A_906 = tpu.vector_load %arg38[%get3A_905] {strides = array<i32>} : memref<816xf32, #tpu.memory_space<vmem>>, vector<16xf32>,
          %get3A_907 = vector.shape_cast %get3A_906 : vector<16xf32> to vector<16xf32>
          %and3A_908 = arith.constant 0 : i32
          %and3A_909 = vector.broadcast %and3A_908 : i32 to vector<16xi32>
          %and3A_910 = arith.andi %iota3A, %and3A_909 : vector<16xi32>
          %broadcast_in_dim3A_911 = vector.shape_cast %and3A_910 : vector<16xi32> to vector<16x1xi32>
          %gather3A_912 = vector.shape_cast %broadcast_in_dim3A_911 : vector<16x1xi32> to vector<16xi32>
          %gather3A_913 = tpu.dynamic_gather %get3A_907[%gather3A_912] in [0] : vector<16xf32>, vector<16xi32> -> vector<16xf32>
          %mul3A_914 = arith.mulf %get3A_883, %gather3A_904 : vector<16xf32>
          %add3A_915 = arith.addf %add3A_860, %mul3A_914 : vector<16xf32>
          %mul3A_916 = arith.mulf %get3A_887, %gather3A_904 : vector<16xf32>
          %add3A_917 = arith.addf %add3A_862, %mul3A_916 : vector<16xf32>
          %mul3A_918 = arith.mulf %get3A_891, %gather3A_904 : vector<16xf32>
          %add3A_919 = arith.addf %add3A_864, %mul3A_918 : vector<16xf32>
          %mul3A_920 = arith.mulf %get3A_895, %gather3A_904 : vector<16xf32>
          %add3A_921 = arith.addf %add3A_866, %mul3A_920 : vector<16xf32>
          %mul3A_922 = arith.mulf %get3A_883, %gather3A_913 : vector<16xf32>
          %add3A_923 = arith.addf %add3A_868, %mul3A_922 : vector<16xf32>
          %mul3A_924 = arith.mulf %get3A_887, %gather3A_913 : vector<16xf32>
          %add3A_925 = arith.addf %add3A_870, %mul3A_924 : vector<16xf32>
          %mul3A_926 = arith.mulf %get3A_891, %gather3A_913 : vector<16xf32>
          %add3A_927 = arith.addf %add3A_872, %mul3A_926 : vector<16xf32>
          %mul3A_928 = arith.mulf %get3A_895, %gather3A_913 : vector<16xf32>
          %add3A_929 = arith.addf %add3A_874, %mul3A_928 : vector<16xf32>
          %mul3A_930 = arith.constant 10 : i32
          %mul3A_931 = arith.muli %scan3A_648, %mul3A_930 : i32
          %add3A_932 = arith.addi %mul3A_547, %mul3A_931 : i32
          %add3A_933 = arith.constant 5 : i32
          %add3A_934 = arith.addi %add3A_932, %add3A_933 : i32
          %get3A_935 = arith.index_cast %add3A_934 : i32 to index
          %get3A_936 = arith.constant 0 : index
          %get3A_937 = tpu.vector_load %arg39[%get3A_935, %get3A_936] {strides = array<i32>} : memref<800x64xf32, #tpu.memory_space<vmem>>, vector<1x16xf32>,
          %get3A_938 = vector.shape_cast %get3A_937 : vector<1x16xf32> to vector<16xf32>
          %get3A_939 = arith.index_cast %add3A_934 : i32 to index
          %get3A_940 = arith.constant 16 : index
          %get3A_941 = tpu.vector_load %arg39[%get3A_939, %get3A_940] {strides = array<i32>} : memref<800x64xf32, #tpu.memory_space<vmem>>, vector<1x16xf32>,
          %get3A_942 = vector.shape_cast %get3A_941 : vector<1x16xf32> to vector<16xf32>
          %get3A_943 = arith.index_cast %add3A_934 : i32 to index
          %get3A_944 = arith.constant 32 : index
          %get3A_945 = tpu.vector_load %arg39[%get3A_943, %get3A_944] {strides = array<i32>} : memref<800x64xf32, #tpu.memory_space<vmem>>, vector<1x16xf32>,
          %get3A_946 = vector.shape_cast %get3A_945 : vector<1x16xf32> to vector<16xf32>
          %get3A_947 = arith.index_cast %add3A_934 : i32 to index
          %get3A_948 = arith.constant 48 : index
          %get3A_949 = tpu.vector_load %arg39[%get3A_947, %get3A_948] {strides = array<i32>} : memref<800x64xf32, #tpu.memory_space<vmem>>, vector<1x16xf32>,
          %get3A_950 = vector.shape_cast %get3A_949 : vector<1x16xf32> to vector<16xf32>
          %get3A_951 = arith.index_cast %add3A_934 : i32 to index
          %get3A_952 = tpu.vector_load %arg37[%get3A_951] {strides = array<i32>} : memref<816xf32, #tpu.memory_space<vmem>>, vector<16xf32>,
          %get3A_953 = vector.shape_cast %get3A_952 : vector<16xf32> to vector<16xf32>
          %and3A_954 = arith.constant 0 : i32
          %and3A_955 = vector.broadcast %and3A_954 : i32 to vector<16xi32>
          %and3A_956 = arith.andi %iota3A, %and3A_955 : vector<16xi32>
          %broadcast_in_dim3A_957 = vector.shape_cast %and3A_956 : vector<16xi32> to vector<16x1xi32>
          %gather3A_958 = vector.shape_cast %broadcast_in_dim3A_957 : vector<16x1xi32> to vector<16xi32>
          %gather3A_959 = tpu.dynamic_gather %get3A_953[%gather3A_958] in [0] : vector<16xf32>, vector<16xi32> -> vector<16xf32>
          %get3A_960 = arith.index_cast %add3A_934 : i32 to index
          %get3A_961 = tpu.vector_load %arg38[%get3A_960] {strides = array<i32>} : memref<816xf32, #tpu.memory_space<vmem>>, vector<16xf32>,
          %get3A_962 = vector.shape_cast %get3A_961 : vector<16xf32> to vector<16xf32>
          %and3A_963 = arith.constant 0 : i32
          %and3A_964 = vector.broadcast %and3A_963 : i32 to vector<16xi32>
          %and3A_965 = arith.andi %iota3A, %and3A_964 : vector<16xi32>
          %broadcast_in_dim3A_966 = vector.shape_cast %and3A_965 : vector<16xi32> to vector<16x1xi32>
          %gather3A_967 = vector.shape_cast %broadcast_in_dim3A_966 : vector<16x1xi32> to vector<16xi32>
          %gather3A_968 = tpu.dynamic_gather %get3A_962[%gather3A_967] in [0] : vector<16xf32>, vector<16xi32> -> vector<16xf32>
          %mul3A_969 = arith.mulf %get3A_938, %gather3A_959 : vector<16xf32>
          %add3A_970 = arith.addf %add3A_915, %mul3A_969 : vector<16xf32>
          %mul3A_971 = arith.mulf %get3A_942, %gather3A_959 : vector<16xf32>
          %add3A_972 = arith.addf %add3A_917, %mul3A_971 : vector<16xf32>
          %mul3A_973 = arith.mulf %get3A_946, %gather3A_959 : vector<16xf32>
          %add3A_974 = arith.addf %add3A_919, %mul3A_973 : vector<16xf32>
          %mul3A_975 = arith.mulf %get3A_950, %gather3A_959 : vector<16xf32>
          %add3A_976 = arith.addf %add3A_921, %mul3A_975 : vector<16xf32>
          %mul3A_977 = arith.mulf %get3A_938, %gather3A_968 : vector<16xf32>
          %add3A_978 = arith.addf %add3A_923, %mul3A_977 : vector<16xf32>
          %mul3A_979 = arith.mulf %get3A_942, %gather3A_968 : vector<16xf32>
          %add3A_980 = arith.addf %add3A_925, %mul3A_979 : vector<16xf32>
          %mul3A_981 = arith.mulf %get3A_946, %gather3A_968 : vector<16xf32>
          %add3A_982 = arith.addf %add3A_927, %mul3A_981 : vector<16xf32>
          %mul3A_983 = arith.mulf %get3A_950, %gather3A_968 : vector<16xf32>
          %add3A_984 = arith.addf %add3A_929, %mul3A_983 : vector<16xf32>
          %mul3A_985 = arith.constant 10 : i32
          %mul3A_986 = arith.muli %scan3A_648, %mul3A_985 : i32
          %add3A_987 = arith.addi %mul3A_547, %mul3A_986 : i32
          %add3A_988 = arith.constant 6 : i32
          %add3A_989 = arith.addi %add3A_987, %add3A_988 : i32
          %get3A_990 = arith.index_cast %add3A_989 : i32 to index
          %get3A_991 = arith.constant 0 : index
          %get3A_992 = tpu.vector_load %arg39[%get3A_990, %get3A_991] {strides = array<i32>} : memref<800x64xf32, #tpu.memory_space<vmem>>, vector<1x16xf32>,
          %get3A_993 = vector.shape_cast %get3A_992 : vector<1x16xf32> to vector<16xf32>
          %get3A_994 = arith.index_cast %add3A_989 : i32 to index
          %get3A_995 = arith.constant 16 : index
          %get3A_996 = tpu.vector_load %arg39[%get3A_994, %get3A_995] {strides = array<i32>} : memref<800x64xf32, #tpu.memory_space<vmem>>, vector<1x16xf32>,
          %get3A_997 = vector.shape_cast %get3A_996 : vector<1x16xf32> to vector<16xf32>
          %get3A_998 = arith.index_cast %add3A_989 : i32 to index
          %get3A_999 = arith.constant 32 : index
          %get3A_1000 = tpu.vector_load %arg39[%get3A_998, %get3A_999] {strides = array<i32>} : memref<800x64xf32, #tpu.memory_space<vmem>>, vector<1x16xf32>,
          %get3A_1001 = vector.shape_cast %get3A_1000 : vector<1x16xf32> to vector<16xf32>
          %get3A_1002 = arith.index_cast %add3A_989 : i32 to index
          %get3A_1003 = arith.constant 48 : index
          %get3A_1004 = tpu.vector_load %arg39[%get3A_1002, %get3A_1003] {strides = array<i32>} : memref<800x64xf32, #tpu.memory_space<vmem>>, vector<1x16xf32>,
          %get3A_1005 = vector.shape_cast %get3A_1004 : vector<1x16xf32> to vector<16xf32>
          %get3A_1006 = arith.index_cast %add3A_989 : i32 to index
          %get3A_1007 = tpu.vector_load %arg37[%get3A_1006] {strides = array<i32>} : memref<816xf32, #tpu.memory_space<vmem>>, vector<16xf32>,
          %get3A_1008 = vector.shape_cast %get3A_1007 : vector<16xf32> to vector<16xf32>
          %and3A_1009 = arith.constant 0 : i32
          %and3A_1010 = vector.broadcast %and3A_1009 : i32 to vector<16xi32>
          %and3A_1011 = arith.andi %iota3A, %and3A_1010 : vector<16xi32>
          %broadcast_in_dim3A_1012 = vector.shape_cast %and3A_1011 : vector<16xi32> to vector<16x1xi32>
          %gather3A_1013 = vector.shape_cast %broadcast_in_dim3A_1012 : vector<16x1xi32> to vector<16xi32>
          %gather3A_1014 = tpu.dynamic_gather %get3A_1008[%gather3A_1013] in [0] : vector<16xf32>, vector<16xi32> -> vector<16xf32>
          %get3A_1015 = arith.index_cast %add3A_989 : i32 to index
          %get3A_1016 = tpu.vector_load %arg38[%get3A_1015] {strides = array<i32>} : memref<816xf32, #tpu.memory_space<vmem>>, vector<16xf32>,
          %get3A_1017 = vector.shape_cast %get3A_1016 : vector<16xf32> to vector<16xf32>
          %and3A_1018 = arith.constant 0 : i32
          %and3A_1019 = vector.broadcast %and3A_1018 : i32 to vector<16xi32>
          %and3A_1020 = arith.andi %iota3A, %and3A_1019 : vector<16xi32>
          %broadcast_in_dim3A_1021 = vector.shape_cast %and3A_1020 : vector<16xi32> to vector<16x1xi32>
          %gather3A_1022 = vector.shape_cast %broadcast_in_dim3A_1021 : vector<16x1xi32> to vector<16xi32>
          %gather3A_1023 = tpu.dynamic_gather %get3A_1017[%gather3A_1022] in [0] : vector<16xf32>, vector<16xi32> -> vector<16xf32>
          %mul3A_1024 = arith.mulf %get3A_993, %gather3A_1014 : vector<16xf32>
          %add3A_1025 = arith.addf %add3A_970, %mul3A_1024 : vector<16xf32>
          %mul3A_1026 = arith.mulf %get3A_997, %gather3A_1014 : vector<16xf32>
          %add3A_1027 = arith.addf %add3A_972, %mul3A_1026 : vector<16xf32>
          %mul3A_1028 = arith.mulf %get3A_1001, %gather3A_1014 : vector<16xf32>
          %add3A_1029 = arith.addf %add3A_974, %mul3A_1028 : vector<16xf32>
          %mul3A_1030 = arith.mulf %get3A_1005, %gather3A_1014 : vector<16xf32>
          %add3A_1031 = arith.addf %add3A_976, %mul3A_1030 : vector<16xf32>
          %mul3A_1032 = arith.mulf %get3A_993, %gather3A_1023 : vector<16xf32>
          %add3A_1033 = arith.addf %add3A_978, %mul3A_1032 : vector<16xf32>
          %mul3A_1034 = arith.mulf %get3A_997, %gather3A_1023 : vector<16xf32>
          %add3A_1035 = arith.addf %add3A_980, %mul3A_1034 : vector<16xf32>
          %mul3A_1036 = arith.mulf %get3A_1001, %gather3A_1023 : vector<16xf32>
          %add3A_1037 = arith.addf %add3A_982, %mul3A_1036 : vector<16xf32>
          %mul3A_1038 = arith.mulf %get3A_1005, %gather3A_1023 : vector<16xf32>
          %add3A_1039 = arith.addf %add3A_984, %mul3A_1038 : vector<16xf32>
          %mul3A_1040 = arith.constant 10 : i32
          %mul3A_1041 = arith.muli %scan3A_648, %mul3A_1040 : i32
          %add3A_1042 = arith.addi %mul3A_547, %mul3A_1041 : i32
          %add3A_1043 = arith.constant 7 : i32
          %add3A_1044 = arith.addi %add3A_1042, %add3A_1043 : i32
          %get3A_1045 = arith.index_cast %add3A_1044 : i32 to index
          %get3A_1046 = arith.constant 0 : index
          %get3A_1047 = tpu.vector_load %arg39[%get3A_1045, %get3A_1046] {strides = array<i32>} : memref<800x64xf32, #tpu.memory_space<vmem>>, vector<1x16xf32>,
          %get3A_1048 = vector.shape_cast %get3A_1047 : vector<1x16xf32> to vector<16xf32>
          %get3A_1049 = arith.index_cast %add3A_1044 : i32 to index
          %get3A_1050 = arith.constant 16 : index
          %get3A_1051 = tpu.vector_load %arg39[%get3A_1049, %get3A_1050] {strides = array<i32>} : memref<800x64xf32, #tpu.memory_space<vmem>>, vector<1x16xf32>,
          %get3A_1052 = vector.shape_cast %get3A_1051 : vector<1x16xf32> to vector<16xf32>
          %get3A_1053 = arith.index_cast %add3A_1044 : i32 to index
          %get3A_1054 = arith.constant 32 : index
          %get3A_1055 = tpu.vector_load %arg39[%get3A_1053, %get3A_1054] {strides = array<i32>} : memref<800x64xf32, #tpu.memory_space<vmem>>, vector<1x16xf32>,
          %get3A_1056 = vector.shape_cast %get3A_1055 : vector<1x16xf32> to vector<16xf32>
          %get3A_1057 = arith.index_cast %add3A_1044 : i32 to index
          %get3A_1058 = arith.constant 48 : index
          %get3A_1059 = tpu.vector_load %arg39[%get3A_1057, %get3A_1058] {strides = array<i32>} : memref<800x64xf32, #tpu.memory_space<vmem>>, vector<1x16xf32>,
          %get3A_1060 = vector.shape_cast %get3A_1059 : vector<1x16xf32> to vector<16xf32>
          %get3A_1061 = arith.index_cast %add3A_1044 : i32 to index
          %get3A_1062 = tpu.vector_load %arg37[%get3A_1061] {strides = array<i32>} : memref<816xf32, #tpu.memory_space<vmem>>, vector<16xf32>,
          %get3A_1063 = vector.shape_cast %get3A_1062 : vector<16xf32> to vector<16xf32>
          %and3A_1064 = arith.constant 0 : i32
          %and3A_1065 = vector.broadcast %and3A_1064 : i32 to vector<16xi32>
          %and3A_1066 = arith.andi %iota3A, %and3A_1065 : vector<16xi32>
          %broadcast_in_dim3A_1067 = vector.shape_cast %and3A_1066 : vector<16xi32> to vector<16x1xi32>
          %gather3A_1068 = vector.shape_cast %broadcast_in_dim3A_1067 : vector<16x1xi32> to vector<16xi32>
          %gather3A_1069 = tpu.dynamic_gather %get3A_1063[%gather3A_1068] in [0] : vector<16xf32>, vector<16xi32> -> vector<16xf32>
          %get3A_1070 = arith.index_cast %add3A_1044 : i32 to index
          %get3A_1071 = tpu.vector_load %arg38[%get3A_1070] {strides = array<i32>} : memref<816xf32, #tpu.memory_space<vmem>>, vector<16xf32>,
          %get3A_1072 = vector.shape_cast %get3A_1071 : vector<16xf32> to vector<16xf32>
          %and3A_1073 = arith.constant 0 : i32
          %and3A_1074 = vector.broadcast %and3A_1073 : i32 to vector<16xi32>
          %and3A_1075 = arith.andi %iota3A, %and3A_1074 : vector<16xi32>
          %broadcast_in_dim3A_1076 = vector.shape_cast %and3A_1075 : vector<16xi32> to vector<16x1xi32>
          %gather3A_1077 = vector.shape_cast %broadcast_in_dim3A_1076 : vector<16x1xi32> to vector<16xi32>
          %gather3A_1078 = tpu.dynamic_gather %get3A_1072[%gather3A_1077] in [0] : vector<16xf32>, vector<16xi32> -> vector<16xf32>
          %mul3A_1079 = arith.mulf %get3A_1048, %gather3A_1069 : vector<16xf32>
          %add3A_1080 = arith.addf %add3A_1025, %mul3A_1079 : vector<16xf32>
          %mul3A_1081 = arith.mulf %get3A_1052, %gather3A_1069 : vector<16xf32>
          %add3A_1082 = arith.addf %add3A_1027, %mul3A_1081 : vector<16xf32>
          %mul3A_1083 = arith.mulf %get3A_1056, %gather3A_1069 : vector<16xf32>
          %add3A_1084 = arith.addf %add3A_1029, %mul3A_1083 : vector<16xf32>
          %mul3A_1085 = arith.mulf %get3A_1060, %gather3A_1069 : vector<16xf32>
          %add3A_1086 = arith.addf %add3A_1031, %mul3A_1085 : vector<16xf32>
          %mul3A_1087 = arith.mulf %get3A_1048, %gather3A_1078 : vector<16xf32>
          %add3A_1088 = arith.addf %add3A_1033, %mul3A_1087 : vector<16xf32>
          %mul3A_1089 = arith.mulf %get3A_1052, %gather3A_1078 : vector<16xf32>
          %add3A_1090 = arith.addf %add3A_1035, %mul3A_1089 : vector<16xf32>
          %mul3A_1091 = arith.mulf %get3A_1056, %gather3A_1078 : vector<16xf32>
          %add3A_1092 = arith.addf %add3A_1037, %mul3A_1091 : vector<16xf32>
          %mul3A_1093 = arith.mulf %get3A_1060, %gather3A_1078 : vector<16xf32>
          %add3A_1094 = arith.addf %add3A_1039, %mul3A_1093 : vector<16xf32>
          %mul3A_1095 = arith.constant 10 : i32
          %mul3A_1096 = arith.muli %scan3A_648, %mul3A_1095 : i32
          %add3A_1097 = arith.addi %mul3A_547, %mul3A_1096 : i32
          %add3A_1098 = arith.constant 8 : i32
          %add3A_1099 = arith.addi %add3A_1097, %add3A_1098 : i32
          %get3A_1100 = arith.index_cast %add3A_1099 : i32 to index
          %get3A_1101 = arith.constant 0 : index
          %get3A_1102 = tpu.vector_load %arg39[%get3A_1100, %get3A_1101] {strides = array<i32>} : memref<800x64xf32, #tpu.memory_space<vmem>>, vector<1x16xf32>,
          %get3A_1103 = vector.shape_cast %get3A_1102 : vector<1x16xf32> to vector<16xf32>
          %get3A_1104 = arith.index_cast %add3A_1099 : i32 to index
          %get3A_1105 = arith.constant 16 : index
          %get3A_1106 = tpu.vector_load %arg39[%get3A_1104, %get3A_1105] {strides = array<i32>} : memref<800x64xf32, #tpu.memory_space<vmem>>, vector<1x16xf32>,
          %get3A_1107 = vector.shape_cast %get3A_1106 : vector<1x16xf32> to vector<16xf32>
          %get3A_1108 = arith.index_cast %add3A_1099 : i32 to index
          %get3A_1109 = arith.constant 32 : index
          %get3A_1110 = tpu.vector_load %arg39[%get3A_1108, %get3A_1109] {strides = array<i32>} : memref<800x64xf32, #tpu.memory_space<vmem>>, vector<1x16xf32>,
          %get3A_1111 = vector.shape_cast %get3A_1110 : vector<1x16xf32> to vector<16xf32>
          %get3A_1112 = arith.index_cast %add3A_1099 : i32 to index
          %get3A_1113 = arith.constant 48 : index
          %get3A_1114 = tpu.vector_load %arg39[%get3A_1112, %get3A_1113] {strides = array<i32>} : memref<800x64xf32, #tpu.memory_space<vmem>>, vector<1x16xf32>,
          %get3A_1115 = vector.shape_cast %get3A_1114 : vector<1x16xf32> to vector<16xf32>
          %get3A_1116 = arith.index_cast %add3A_1099 : i32 to index
          %get3A_1117 = tpu.vector_load %arg37[%get3A_1116] {strides = array<i32>} : memref<816xf32, #tpu.memory_space<vmem>>, vector<16xf32>,
          %get3A_1118 = vector.shape_cast %get3A_1117 : vector<16xf32> to vector<16xf32>
          %and3A_1119 = arith.constant 0 : i32
          %and3A_1120 = vector.broadcast %and3A_1119 : i32 to vector<16xi32>
          %and3A_1121 = arith.andi %iota3A, %and3A_1120 : vector<16xi32>
          %broadcast_in_dim3A_1122 = vector.shape_cast %and3A_1121 : vector<16xi32> to vector<16x1xi32>
          %gather3A_1123 = vector.shape_cast %broadcast_in_dim3A_1122 : vector<16x1xi32> to vector<16xi32>
          %gather3A_1124 = tpu.dynamic_gather %get3A_1118[%gather3A_1123] in [0] : vector<16xf32>, vector<16xi32> -> vector<16xf32>
          %get3A_1125 = arith.index_cast %add3A_1099 : i32 to index
          %get3A_1126 = tpu.vector_load %arg38[%get3A_1125] {strides = array<i32>} : memref<816xf32, #tpu.memory_space<vmem>>, vector<16xf32>,
          %get3A_1127 = vector.shape_cast %get3A_1126 : vector<16xf32> to vector<16xf32>
          %and3A_1128 = arith.constant 0 : i32
          %and3A_1129 = vector.broadcast %and3A_1128 : i32 to vector<16xi32>
          %and3A_1130 = arith.andi %iota3A, %and3A_1129 : vector<16xi32>
          %broadcast_in_dim3A_1131 = vector.shape_cast %and3A_1130 : vector<16xi32> to vector<16x1xi32>
          %gather3A_1132 = vector.shape_cast %broadcast_in_dim3A_1131 : vector<16x1xi32> to vector<16xi32>
          %gather3A_1133 = tpu.dynamic_gather %get3A_1127[%gather3A_1132] in [0] : vector<16xf32>, vector<16xi32> -> vector<16xf32>
          %mul3A_1134 = arith.mulf %get3A_1103, %gather3A_1124 : vector<16xf32>
          %add3A_1135 = arith.addf %add3A_1080, %mul3A_1134 : vector<16xf32>
          %mul3A_1136 = arith.mulf %get3A_1107, %gather3A_1124 : vector<16xf32>
          %add3A_1137 = arith.addf %add3A_1082, %mul3A_1136 : vector<16xf32>
          %mul3A_1138 = arith.mulf %get3A_1111, %gather3A_1124 : vector<16xf32>
          %add3A_1139 = arith.addf %add3A_1084, %mul3A_1138 : vector<16xf32>
          %mul3A_1140 = arith.mulf %get3A_1115, %gather3A_1124 : vector<16xf32>
          %add3A_1141 = arith.addf %add3A_1086, %mul3A_1140 : vector<16xf32>
          %mul3A_1142 = arith.mulf %get3A_1103, %gather3A_1133 : vector<16xf32>
          %add3A_1143 = arith.addf %add3A_1088, %mul3A_1142 : vector<16xf32>
          %mul3A_1144 = arith.mulf %get3A_1107, %gather3A_1133 : vector<16xf32>
          %add3A_1145 = arith.addf %add3A_1090, %mul3A_1144 : vector<16xf32>
          %mul3A_1146 = arith.mulf %get3A_1111, %gather3A_1133 : vector<16xf32>
          %add3A_1147 = arith.addf %add3A_1092, %mul3A_1146 : vector<16xf32>
          %mul3A_1148 = arith.mulf %get3A_1115, %gather3A_1133 : vector<16xf32>
          %add3A_1149 = arith.addf %add3A_1094, %mul3A_1148 : vector<16xf32>
          %mul3A_1150 = arith.constant 10 : i32
          %mul3A_1151 = arith.muli %scan3A_648, %mul3A_1150 : i32
          %add3A_1152 = arith.addi %mul3A_547, %mul3A_1151 : i32
          %add3A_1153 = arith.constant 9 : i32
          %add3A_1154 = arith.addi %add3A_1152, %add3A_1153 : i32
          %get3A_1155 = arith.index_cast %add3A_1154 : i32 to index
          %get3A_1156 = arith.constant 0 : index
          %get3A_1157 = tpu.vector_load %arg39[%get3A_1155, %get3A_1156] {strides = array<i32>} : memref<800x64xf32, #tpu.memory_space<vmem>>, vector<1x16xf32>,
          %get3A_1158 = vector.shape_cast %get3A_1157 : vector<1x16xf32> to vector<16xf32>
          %get3A_1159 = arith.index_cast %add3A_1154 : i32 to index
          %get3A_1160 = arith.constant 16 : index
          %get3A_1161 = tpu.vector_load %arg39[%get3A_1159, %get3A_1160] {strides = array<i32>} : memref<800x64xf32, #tpu.memory_space<vmem>>, vector<1x16xf32>,
          %get3A_1162 = vector.shape_cast %get3A_1161 : vector<1x16xf32> to vector<16xf32>
          %get3A_1163 = arith.index_cast %add3A_1154 : i32 to index
          %get3A_1164 = arith.constant 32 : index
          %get3A_1165 = tpu.vector_load %arg39[%get3A_1163, %get3A_1164] {strides = array<i32>} : memref<800x64xf32, #tpu.memory_space<vmem>>, vector<1x16xf32>,
          %get3A_1166 = vector.shape_cast %get3A_1165 : vector<1x16xf32> to vector<16xf32>
          %get3A_1167 = arith.index_cast %add3A_1154 : i32 to index
          %get3A_1168 = arith.constant 48 : index
          %get3A_1169 = tpu.vector_load %arg39[%get3A_1167, %get3A_1168] {strides = array<i32>} : memref<800x64xf32, #tpu.memory_space<vmem>>, vector<1x16xf32>,
          %get3A_1170 = vector.shape_cast %get3A_1169 : vector<1x16xf32> to vector<16xf32>
          %get3A_1171 = arith.index_cast %add3A_1154 : i32 to index
          %get3A_1172 = tpu.vector_load %arg37[%get3A_1171] {strides = array<i32>} : memref<816xf32, #tpu.memory_space<vmem>>, vector<16xf32>,
          %get3A_1173 = vector.shape_cast %get3A_1172 : vector<16xf32> to vector<16xf32>
          %and3A_1174 = arith.constant 0 : i32
          %and3A_1175 = vector.broadcast %and3A_1174 : i32 to vector<16xi32>
          %and3A_1176 = arith.andi %iota3A, %and3A_1175 : vector<16xi32>
          %broadcast_in_dim3A_1177 = vector.shape_cast %and3A_1176 : vector<16xi32> to vector<16x1xi32>
          %gather3A_1178 = vector.shape_cast %broadcast_in_dim3A_1177 : vector<16x1xi32> to vector<16xi32>
          %gather3A_1179 = tpu.dynamic_gather %get3A_1173[%gather3A_1178] in [0] : vector<16xf32>, vector<16xi32> -> vector<16xf32>
          %get3A_1180 = arith.index_cast %add3A_1154 : i32 to index
          %get3A_1181 = tpu.vector_load %arg38[%get3A_1180] {strides = array<i32>} : memref<816xf32, #tpu.memory_space<vmem>>, vector<16xf32>,
          %get3A_1182 = vector.shape_cast %get3A_1181 : vector<16xf32> to vector<16xf32>
          %and3A_1183 = arith.constant 0 : i32
          %and3A_1184 = vector.broadcast %and3A_1183 : i32 to vector<16xi32>
          %and3A_1185 = arith.andi %iota3A, %and3A_1184 : vector<16xi32>
          %broadcast_in_dim3A_1186 = vector.shape_cast %and3A_1185 : vector<16xi32> to vector<16x1xi32>
          %gather3A_1187 = vector.shape_cast %broadcast_in_dim3A_1186 : vector<16x1xi32> to vector<16xi32>
          %gather3A_1188 = tpu.dynamic_gather %get3A_1182[%gather3A_1187] in [0] : vector<16xf32>, vector<16xi32> -> vector<16xf32>
          %mul3A_1189 = arith.mulf %get3A_1158, %gather3A_1179 : vector<16xf32>
          %add3A_1190 = arith.addf %add3A_1135, %mul3A_1189 : vector<16xf32>
          %mul3A_1191 = arith.mulf %get3A_1162, %gather3A_1179 : vector<16xf32>
          %add3A_1192 = arith.addf %add3A_1137, %mul3A_1191 : vector<16xf32>
          %mul3A_1193 = arith.mulf %get3A_1166, %gather3A_1179 : vector<16xf32>
          %add3A_1194 = arith.addf %add3A_1139, %mul3A_1193 : vector<16xf32>
          %mul3A_1195 = arith.mulf %get3A_1170, %gather3A_1179 : vector<16xf32>
          %add3A_1196 = arith.addf %add3A_1141, %mul3A_1195 : vector<16xf32>
          %mul3A_1197 = arith.mulf %get3A_1158, %gather3A_1188 : vector<16xf32>
          %add3A_1198 = arith.addf %add3A_1143, %mul3A_1197 : vector<16xf32>
          %mul3A_1199 = arith.mulf %get3A_1162, %gather3A_1188 : vector<16xf32>
          %add3A_1200 = arith.addf %add3A_1145, %mul3A_1199 : vector<16xf32>
          %mul3A_1201 = arith.mulf %get3A_1166, %gather3A_1188 : vector<16xf32>
          %add3A_1202 = arith.addf %add3A_1147, %mul3A_1201 : vector<16xf32>
          %mul3A_1203 = arith.mulf %get3A_1170, %gather3A_1188 : vector<16xf32>
          %add3A_1204 = arith.addf %add3A_1149, %mul3A_1203 : vector<16xf32>
          scf.yield %add3A_1190, %add3A_1192, %add3A_1194, %add3A_1196, %add3A_1198, %add3A_1200, %add3A_1202, %add3A_1204 : vector<16xf32>, vector<16xf32>, vector<16xf32>, vector<16xf32>, vector<16xf32>, vector<16xf32>, vector<16xf32>, vector<16xf32>
        }
        %scan3A_568 = arith.constant 5 : i32
        %mul3A_569 = arith.constant 374 : i32
        %mul3A_570 = arith.muli %scan3A_545, %mul3A_569 : i32
        %add3A_571 = arith.constant 108 : i32
        %add3A_572 = arith.addi %mul3A_570, %add3A_571 : i32
        %add3A_573 = arith.constant 0 : i32
        %add3A_574 = arith.addi %add3A_572, %add3A_573 : i32
        %swap3A = arith.index_cast %add3A_574 : i32 to index
        %swap3A_575 = tpu.vector_load %arg52[%swap3A] {strides = array<i32>} : memref<5984xf32, #tpu.memory_space<vmem>>, vector<16xf32>,
        %swap3A_576 = vector.shape_cast %swap3A_575 : vector<16xf32> to vector<16xf32>
        %swap3A_577 = vector.shape_cast %scan3A_567#0 : vector<16xf32> to vector<16xf32>
        tpu.vector_store %arg52[%swap3A], %swap3A_577 {strides = array<i32>} : memref<5984xf32, #tpu.memory_space<vmem>>, vector<16xf32>,
        %mul3A_578 = arith.constant 374 : i32
        %mul3A_579 = arith.muli %scan3A_545, %mul3A_578 : i32
        %add3A_580 = arith.constant 108 : i32
        %add3A_581 = arith.addi %mul3A_579, %add3A_580 : i32
        %add3A_582 = arith.constant 16 : i32
        %add3A_583 = arith.addi %add3A_581, %add3A_582 : i32
        %swap3A_584 = arith.index_cast %add3A_583 : i32 to index
        %swap3A_585 = tpu.vector_load %arg52[%swap3A_584] {strides = array<i32>} : memref<5984xf32, #tpu.memory_space<vmem>>, vector<16xf32>,
        %swap3A_586 = vector.shape_cast %swap3A_585 : vector<16xf32> to vector<16xf32>
        %swap3A_587 = vector.shape_cast %scan3A_567#1 : vector<16xf32> to vector<16xf32>
        tpu.vector_store %arg52[%swap3A_584], %swap3A_587 {strides = array<i32>} : memref<5984xf32, #tpu.memory_space<vmem>>, vector<16xf32>,
        %mul3A_588 = arith.constant 374 : i32
        %mul3A_589 = arith.muli %scan3A_545, %mul3A_588 : i32
        %add3A_590 = arith.constant 108 : i32
        %add3A_591 = arith.addi %mul3A_589, %add3A_590 : i32
        %add3A_592 = arith.constant 32 : i32
        %add3A_593 = arith.addi %add3A_591, %add3A_592 : i32
        %swap3A_594 = arith.index_cast %add3A_593 : i32 to index
        %swap3A_595 = tpu.vector_load %arg52[%swap3A_594] {strides = array<i32>} : memref<5984xf32, #tpu.memory_space<vmem>>, vector<16xf32>,
        %swap3A_596 = vector.shape_cast %swap3A_595 : vector<16xf32> to vector<16xf32>
        %swap3A_597 = vector.shape_cast %scan3A_567#2 : vector<16xf32> to vector<16xf32>
        tpu.vector_store %arg52[%swap3A_594], %swap3A_597 {strides = array<i32>} : memref<5984xf32, #tpu.memory_space<vmem>>, vector<16xf32>,
        %mul3A_598 = arith.constant 374 : i32
        %mul3A_599 = arith.muli %scan3A_545, %mul3A_598 : i32
        %add3A_600 = arith.constant 108 : i32
        %add3A_601 = arith.addi %mul3A_599, %add3A_600 : i32
        %add3A_602 = arith.constant 48 : i32
        %add3A_603 = arith.addi %add3A_601, %add3A_602 : i32
        %swap3A_604 = arith.index_cast %add3A_603 : i32 to index
        %swap3A_605 = tpu.vector_load %arg52[%swap3A_604] {strides = array<i32>} : memref<5984xf32, #tpu.memory_space<vmem>>, vector<16xf32>,
        %swap3A_606 = vector.shape_cast %swap3A_605 : vector<16xf32> to vector<16xf32>
        %swap3A_607 = vector.shape_cast %scan3A_567#3 : vector<16xf32> to vector<16xf32>
        tpu.vector_store %arg52[%swap3A_604], %swap3A_607 {strides = array<i32>} : memref<5984xf32, #tpu.memory_space<vmem>>, vector<16xf32>,
        %mul3A_608 = arith.constant 374 : i32
        %mul3A_609 = arith.muli %scan3A_545, %mul3A_608 : i32
        %add3A_610 = arith.constant 172 : i32
        %add3A_611 = arith.addi %mul3A_609, %add3A_610 : i32
        %add3A_612 = arith.constant 0 : i32
        %add3A_613 = arith.addi %add3A_611, %add3A_612 : i32
        %swap3A_614 = arith.index_cast %add3A_613 : i32 to index
        %swap3A_615 = tpu.vector_load %arg52[%swap3A_614] {strides = array<i32>} : memref<5984xf32, #tpu.memory_space<vmem>>, vector<16xf32>,
        %swap3A_616 = vector.shape_cast %swap3A_615 : vector<16xf32> to vector<16xf32>
        %swap3A_617 = vector.shape_cast %scan3A_567#4 : vector<16xf32> to vector<16xf32>
        tpu.vector_store %arg52[%swap3A_614], %swap3A_617 {strides = array<i32>} : memref<5984xf32, #tpu.memory_space<vmem>>, vector<16xf32>,
        %mul3A_618 = arith.constant 374 : i32
        %mul3A_619 = arith.muli %scan3A_545, %mul3A_618 : i32
        %add3A_620 = arith.constant 172 : i32
        %add3A_621 = arith.addi %mul3A_619, %add3A_620 : i32
        %add3A_622 = arith.constant 16 : i32
        %add3A_623 = arith.addi %add3A_621, %add3A_622 : i32
        %swap3A_624 = arith.index_cast %add3A_623 : i32 to index
        %swap3A_625 = tpu.vector_load %arg52[%swap3A_624] {strides = array<i32>} : memref<5984xf32, #tpu.memory_space<vmem>>, vector<16xf32>,
        %swap3A_626 = vector.shape_cast %swap3A_625 : vector<16xf32> to vector<16xf32>
        %swap3A_627 = vector.shape_cast %scan3A_567#5 : vector<16xf32> to vector<16xf32>
        tpu.vector_store %arg52[%swap3A_624], %swap3A_627 {strides = array<i32>} : memref<5984xf32, #tpu.memory_space<vmem>>, vector<16xf32>,
        %mul3A_628 = arith.constant 374 : i32
        %mul3A_629 = arith.muli %scan3A_545, %mul3A_628 : i32
        %add3A_630 = arith.constant 172 : i32
        %add3A_631 = arith.addi %mul3A_629, %add3A_630 : i32
        %add3A_632 = arith.constant 32 : i32
        %add3A_633 = arith.addi %add3A_631, %add3A_632 : i32
        %swap3A_634 = arith.index_cast %add3A_633 : i32 to index
        %swap3A_635 = tpu.vector_load %arg52[%swap3A_634] {strides = array<i32>} : memref<5984xf32, #tpu.memory_space<vmem>>, vector<16xf32>,
        %swap3A_636 = vector.shape_cast %swap3A_635 : vector<16xf32> to vector<16xf32>
        %swap3A_637 = vector.shape_cast %scan3A_567#6 : vector<16xf32> to vector<16xf32>
        tpu.vector_store %arg52[%swap3A_634], %swap3A_637 {strides = array<i32>} : memref<5984xf32, #tpu.memory_space<vmem>>, vector<16xf32>,
        %mul3A_638 = arith.constant 374 : i32
        %mul3A_639 = arith.muli %scan3A_545, %mul3A_638 : i32
        %add3A_640 = arith.constant 172 : i32
        %add3A_641 = arith.addi %mul3A_639, %add3A_640 : i32
        %add3A_642 = arith.constant 48 : i32
        %add3A_643 = arith.addi %add3A_641, %add3A_642 : i32
        %swap3A_644 = arith.index_cast %add3A_643 : i32 to index
        %swap3A_645 = tpu.vector_load %arg52[%swap3A_644] {strides = array<i32>} : memref<5984xf32, #tpu.memory_space<vmem>>, vector<16xf32>,
        %swap3A_646 = vector.shape_cast %swap3A_645 : vector<16xf32> to vector<16xf32>
        %swap3A_647 = vector.shape_cast %scan3A_567#7 : vector<16xf32> to vector<16xf32>
        tpu.vector_store %arg52[%swap3A_644], %swap3A_647 {strides = array<i32>} : memref<5984xf32, #tpu.memory_space<vmem>>, vector<16xf32>,
      }
      %scan3A_538 = arith.constant 16 : i32
      %mul3A_539 = arith.constant 374 : i32
      %mul3A_540 = arith.muli %add3A_24, %mul3A_539 : i32
      %dma_start3A_541 = tpu.memref_slice %arg32[%mul3A_540] : memref<6127616xf32, #tpu.memory_space<hbm>> -> memref<5984xf32, #tpu.memory_space<hbm>>
      %dma_start3A_542 = tpu.memref_slice %arg32[%mul3A_540] : memref<6127616xf32, #tpu.memory_space<hbm>> -> memref<5984xf32, #tpu.memory_space<hbm>>
      tpu.enqueue_dma source(%arg52 : memref<5984xf32, #tpu.memory_space<vmem>>) target(%dma_start3A_542 : memref<5984xf32, #tpu.memory_space<hbm>>) target_semaphore(%arg57 : memref<!tpu.dma_semaphore, #tpu.memory_space<semaphore_mem>>)
      %dma_wait3A_543 = tpu.memref_slice %arg32[%mul3A_540] : memref<6127616xf32, #tpu.memory_space<hbm>> -> memref<5984xf32, #tpu.memory_space<hbm>>
      %dma_wait3A_544 = tpu.memref_slice %arg32[%mul3A_540] : memref<6127616xf32, #tpu.memory_space<hbm>> -> memref<5984xf32, #tpu.memory_space<hbm>>
      tpu.wait_dma2 semaphore(%arg57 : memref<!tpu.dma_semaphore, #tpu.memory_space<semaphore_mem>>) src(%arg52 : memref<5984xf32, #tpu.memory_space<vmem>>) dst(%dma_wait3A_544 : memref<5984xf32, #tpu.memory_space<hbm>>)
    }
    %scan3A_20 = arith.constant 32 : i32
    return
  }
}

</mosaic_0001>

<sc_bundles>
// kernel: _run.3.cloned.1.call-start
scs
__scs_entry_jumppad:
0x0: {  	(pc) =	sbr.rel $0x88, $3  }
0x1: {  	(tag) =	ssettag $0x0;
	lr =	simm.s32 $0x1  }
0x2: {  	[smem:$0x3F83] =	sst lr;
	_ =	strace $0xD0000000  }
0x3: {  	_ = 	snop  }
0x4: {  	_ = 	snop  }
0x5: {  	_ = 	snop  }
0x6: {  	_ = 	snop  }
0x7: {  	_ = 	snop  }
__scs_overlays_trampoline_lowered:
0x8: {  	[smem:$0x3F92] =	sst s0  }
0x9: {  	[smem:$0x3F93] =	sst s1  }
0xa: {  	[smem:$0x3F94] =	sst s2  }
0xb: {  	[smem:$0x3F95] =	sst s3  }
0xc: {  	[smem:$0x3F96] =	sst s4  }
0xd: {  	[smem:$0x3F97] =	sst s5  }
0xe: {  	[smem:$0x3F98] =	sst s6  }
0xf: {  	[smem:$0x3F99] =	sst s7  }
0x10: {  	[smem:$0x3F9A] =	sst s8  }
0x11: {  	[smem:$0x3F9B] =	sst s9;
	s0 =	simm.s32 @!p0 $0x0  }
0x12: {  	s1 =	sld [smem:$0x3F81];
	s0 =	simm.s32 @p0 $0x1  }
0x13: {  	[smem:$0x3F9C] =	sst s0;
	s0 =	simm.s32 @!p1 $0x0  }
0x14: {  	s2 =	sld [smem:$0x3F80];
	s0 =	simm.s32 @p1 $0x1  }
0x15: {  	[smem:$0x3F9D] =	sst s0;
	s0 =	simm.s32 @!p2 $0x0  }
0x16: {  	s3 =	sld [smem:$0x3FDB];
	s0 =	simm.s32 @p2 $0x1  }
0x17: {  	s4 =	simm.s32 $0x1BF5;
	[smem:$0x3F9F] =	sst s0  }
0x18: {  	s0 =	sld [smem:$0x3F82];
	_ =	swait.ge [sflag:s4], $0x0  }
0x19: {  	s7 =	sld [smem:$0x3F83]  }
0x1a: {  	s8 =	sadd.s32 $0xFFFFE003, lr  }
0x1b: {  	s9 =	sadd.s32 $0xFFFFFEF7, lr;
	s5 =	simm.s32 $0xFFFFFFFF;
	p2 =	slt.u32 s8, $0xFFFFF086  }
0x1c: {  	p1 =	slt.u32 s9, $0xF7A;
	s5 =	simm.s32 @!p2 $0x0  }
0x1d: {  	s5 =	simm.s32 @p1 $0x1;
	p0 =	seq.s32 s7, s2  }
0x1e: {  	s7 =	smul.u32 @!p0 $0xF7A, s2;
	p2 =	seq.s32 @!p0 s5, $0x0  }
0x1f: {  	s9 =	smul.u32 $0xF7A, s1;
	s8 =	simm.s32 @!p0 $0x1BF5;
	p2 =	por !p2, p0  }
0x20: {  	[sflag:s8] =	ssyncset.s32 @!p0 $0xFFFFF086;
	s6 =	sadd.s32 @!p0 s3, s7;
	s7 =	simm.s32 @!p0 $0x108  }
0x21: {  	s3 =	sadd.s32 s3, s9;
	s6 =	sadd.s32 @!p0 $0x88, s6;
	s7 =	simm.s32 @p2 $0x1082  }
0x22: {  	[simem:s7], [sflag:s8] =	dma.local @!p0 [hbm:s6], $0xF7A  }
0x23: {  	s9 =	sor.u32 $0xD0000000, s2;
	s6 =	simm.s32 $0x108;
	_ =	swait.ge @!p0 [sflag:s8], $0x0  }
0x24: {  	s3 =	sadd.s32 $0x88, s3;
	s6 =	simm.s32 @!p1 $0x1082;
	[sflag:s4] =	ssyncset.s32 $0xFFFFF086  }
0x25: {  	[simem:s6], [sflag:s4] =	dma.local [hbm:s3], $0xF7A  }
0x26: {  	[smem:$0x3F83] =	sst s1;
	(tag) =	ssettag s2;
	_ =	strace s9  }
0x27: {  	s1 =	sld [smem:$0x3F93]  }
0x28: {  	s2 =	sld [smem:$0x3F94]  }
0x29: {  	s4 =	sld [smem:$0x3F96]  }
0x2a: {  	p0 =	seq.s32 s5, $0x0;
	s5 =	sld [smem:$0x3F97]  }
0x2b: {  	s6 =	sld [smem:$0x3F98]  }
0x2c: {  	s7 =	sld [smem:$0x3F99]  }
0x2d: {  	s3 =	simm.s32 $0x108;
	s8 =	sld [smem:$0x3F9A]  }
0x2e: {  	s3 =	simm.s32 @!p0 $0x1082;
	s9 =	sld [smem:$0x3F9B]  }
0x2f: {  	lr =	sadd.s32 s0, s3;
	s0 =	sld [smem:$0x3F92]  }
0x30: {  	s3 =	sld [smem:$0x3F95]  }
0x31: {  	[smem:$0x3F9E] =	sst s10  }
0x32: {  	s10 =	sld [smem:$0x3F9C];
	_ =	sdelay $0x3  }
0x33: {  	p0 =	seq.s32 s10, $0x1;
	s10 =	sld [smem:$0x3F9E];
	_ =	sdelay $0x3  }
0x34: {  	[smem:$0x3F9E] =	sst s10  }
0x35: {  	s10 =	sld [smem:$0x3F9D];
	_ =	sdelay $0x3  }
0x36: {  	p1 =	seq.s32 s10, $0x1;
	s10 =	sld [smem:$0x3F9E];
	_ =	sdelay $0x3  }
0x37: {  	[smem:$0x3F9E] =	sst s10  }
0x38: {  	s10 =	sld [smem:$0x3F9F]  }
0x39: {  	_ = 	snop;
	(pc) =	sbr.ind lr, $3  }
0x3a: {  	_ = 	snop  }
0x3b: {  	_ = 	snop  }
0x3c: {  	p2 =	seq.s32 s10, $0x1;
	s10 =	sld [smem:$0x3F9E]  }
0x3d: {  	_ =	shalt  }
0x3e: {  	_ =	shalt  }
0x3f: {  	_ =	shalt  }
0x40: {  	_ =	shalt  }
0x41: {  	_ =	shalt  }
0x42: {  	_ =	shalt  }
0x43: {  	_ =	shalt  }
0x44: {  	_ =	shalt  }
0x45: {  	_ =	shalt  }
0x46: {  	_ =	shalt  }
0x47: {  	_ =	shalt  }
0x48: {  	_ =	shalt  }
0x49: {  	_ =	shalt  }
0x4a: {  	_ =	shalt  }
0x4b: {  	_ =	shalt  }
0x4c: {  	_ =	shalt  }
0x4d: {  	_ =	shalt  }
0x4e: {  	_ =	shalt  }
0x4f: {  	_ =	shalt  }
0x50: {  	_ =	shalt  }
0x51: {  	_ =	shalt  }
0x52: {  	_ =	shalt  }
0x53: {  	_ =	shalt  }
0x54: {  	_ =	shalt  }
0x55: {  	_ =	shalt  }
0x56: {  	_ =	shalt  }
0x57: {  	_ =	shalt  }
0x58: {  	_ =	shalt  }
0x59: {  	_ =	shalt  }
0x5a: {  	_ =	shalt  }
0x5b: {  	_ =	shalt  }
0x5c: {  	_ =	shalt  }
0x5d: {  	_ =	shalt  }
0x5e: {  	_ =	shalt  }
0x5f: {  	_ =	shalt  }
0x60: {  	_ =	shalt  }
0x61: {  	_ =	shalt  }
0x62: {  	_ =	shalt  }
0x63: {  	_ =	shalt  }
0x64: {  	_ =	shalt  }
0x65: {  	_ =	shalt  }
0x66: {  	_ =	shalt  }
0x67: {  	_ =	shalt  }
0x68: {  	_ =	shalt  }
0x69: {  	_ =	shalt  }
0x6a: {  	_ =	shalt  }
0x6b: {  	_ =	shalt  }
0x6c: {  	_ =	shalt  }
0x6d: {  	_ =	shalt  }
0x6e: {  	_ =	shalt  }
0x6f: {  	_ =	shalt  }
0x70: {  	_ =	shalt  }
0x71: {  	_ =	shalt  }
0x72: {  	_ =	shalt  }
0x73: {  	_ =	shalt  }
0x74: {  	_ =	shalt  }
0x75: {  	_ =	shalt  }
0x76: {  	_ =	shalt  }
0x77: {  	_ =	shalt  }
0x78: {  	_ =	shalt  }
0x79: {  	_ =	shalt  }
0x7a: {  	_ =	shalt  }
0x7b: {  	_ =	shalt  }
0x7c: {  	_ =	shalt  }
0x7d: {  	_ =	shalt  }
0x7e: {  	_ =	shalt  }
0x7f: {  	_ =	shalt  }
0x80: {  	_ =	shalt  }
0x81: {  	_ =	shalt  }
0x82: {  	_ =	shalt  }
0x83: {  	_ =	shalt  }
0x84: {  	_ =	shalt  }
0x85: {  	_ =	shalt  }
0x86: {  	_ =	shalt  }
0x87: {  	_ =	shalt  }
.Lfunc_end0:
.L_simem_size_0:
called_computation_lowered:
.L_overlay_start_0:
0x88: {  	s2 =	sld [smem:$0x3FD9]  }
0x89: {  	s3 =	sld [smem:$0x3FFE];
	_ =	sdelay $0x1  }
0x8a: {  	s1 =	srdreg.scid  }
0x8b: {  	s0 =	sand.u32 $0x1, s1  }
0x8c: {  	s29 =	sshll.u32 s0, $0xA;
	s2 =	sadd.s32 s3, s2  }
0x8d: {  	s2 =	sadd.s32 s2, s29  }
0x8e: {  	[smem:$0x3FAA] =	sst s2  }
0x8f: {  	_ = 	snop  }
0x90: {  	s2 =	sld [smem:$0x3FC9]  }
0x91: {  	s3 =	sld [smem:$0x3FC8]  }
0x92: {  	s4 =	sld [smem:$0x3FC7]  }
0x93: {  	s5 =	sld [smem:$0x3FC6]  }
0x94: {  	s6 =	sld [smem:$0x3FC5]  }
0x95: {  	s7 =	sld [smem:$0x3FC4]  }
0x96: {  	s8 =	sld [smem:$0x3FC3]  }
0x97: {  	s9 =	sld [smem:$0x3FC2]  }
0x98: {  	s10 =	sld [smem:$0x3FC1]  }
0x99: {  	s11 =	sld [smem:$0x3FC0]  }
0x9a: {  	s12 =	sld [smem:$0x3FBF]  }
0x9b: {  	s13 =	sld [smem:$0x3FBE]  }
0x9c: {  	s14 =	sld [smem:$0x3FBD]  }
0x9d: {  	s15 =	sld [smem:$0x3FBC]  }
0x9e: {  	s18 =	sld [smem:$0x3FBB]  }
0x9f: {  	s19 =	sld [smem:$0x3FBA]  }
0xa0: {  	s20 =	sld [smem:$0x3FB9]  }
0xa1: {  	s21 =	sld [smem:$0x3FB8]  }
0xa2: {  	s22 =	sld [smem:$0x3FB7]  }
0xa3: {  	s23 =	sld [smem:$0x3FB6]  }
0xa4: {  	s24 =	sld [smem:$0x3FB5]  }
0xa5: {  	s25 =	sld [smem:$0x3FB4]  }
0xa6: {  	s17 =	sld [smem:$0x3FD0];
	(tm) =	ssettm $0x1  }
0xa7: {  	s16 =	sld [smem:$0x3FFB];
	_ =	sdelay $0x3  }
0xa8: {  	_ =	strace s16  }
0xa9: {  	s16 =	sld [smem:$0x3FFC];
	_ =	sdelay $0x3  }
0xaa: {  	_ =	strace s16  }
0xab: {  	s16 =	sld [smem:$0x3FFD];
	_ =	sdelay $0x3  }
0xac: {  	_ =	strace s16  }
0xad: {  	_ =	strace $0x8FFFFFFF  }
0xae: {  	s30 =	sld [smem:$0x3FDB];
	_ =	sdelay $0x1  }
0xaf: {  	s26 =	simm.s32 $_scs_section_size  }
0xb0: {  	s28 =	simm.s32 $_size__tile_task_arg_handler_lowered;
	s29 =	simm.s32 $_tile_task_arg_handler_lowered  }
0xb1: {  	s31 =	sshll.u32 s28, $0x1;
	s29 =	sshll.u32 s29, $0x1;
	s26 =	sadd.s32 s26, s30  }
0xb2: {  	s30 =	simm.s32 $0x60;
	s28 =	sadd.s32 s29, s26;
	s29 =	simm.s32 $0x1BFF  }
0xb3: {  	[timem:s30], [sflag:s29] =	dma.local [hbm:s28], s31  }
0xb4: {  	_ =	swait.ge [sflag:s29], s31  }
0xb5: {  	s16 =	ssub.s32 $0x0, s31;
	s30 =	simm.s32 $_tile_overlayer_lowered;
	[sflag:s29] =	ssyncset.done $0x0  }
0xb6: {  	s31 =	sshll.u32 s30, $0x1;
	s30 =	simm.s32 $_size__tile_overlayer_lowered;
	[sflag:s29] =	ssyncadd.s32 s16  }
0xb7: {  	s28 =	sshll.u32 s30, $0x1;
	s31 =	sadd.s32 s31, s26;
	s16 =	simm.s32 $0x0  }
0xb8: {  	[timem:s16], [sflag:s29] =	dma.local [hbm:s31], s28  }
0xb9: {  	_ =	swait.ge [sflag:s29], s28  }
0xba: {  	s28 =	ssub.s32 $0x0, s28;
	[sflag:s29] =	ssyncset.done $0x0  }
0xbb: {  	[sflag:s29] =	ssyncadd.s32 s28;
	_ =	sdelay $0x1  }
0xbc: {  	s29 =	simm.s32 $0x1B8B  }
0xbd: {  	_ =	swait.ge [sflag:s29], $0x1  }
0xbe: {  	[sflag:s29] =	ssyncset.done $0x0  }
0xbf: {  	s30 =	simm.s32 $0x1B8E;
	s28 =	sld [smem:$0x3FFE];
	[sflag:s29] =	ssyncadd.s32 $0xFFFFFFFF  }
0xc0: {  	s31 =	simm.s32 $execute0_lowered;
	[smem:$0x3FD2] =	sst s30  }
0xc1: {  	s29 =	sshll.u32 s31, $0x1;
	_ =	strace $0x80000046;
	[dreg:$0x1] =	wrdreg $0xFFFFFFFF  }
0xc2: {  	s26 =	sadd.s32 s26, s29;
	s30 =	simm.s32 $_size_execute0_lowered;
	[dreg:$0x0] =	wrdreg $0x0  }
0xc3: {  	s31 =	sshll.u32 s30, $0x1;
	[dreg:$0x2] =	wrdreg s26  }
0xc4: {  	[dreg:$0x3] =	wrdreg s31  }
0xc5: {  	[dreg:$0x4] =	wrdreg $0xC0  }
0xc6: {  	_ =	task [dreg:s16], $0x5FFFF  }
0xc7: {  	[dreg:$0x1] =	wrdreg $0xFFFFFFFF  }
0xc8: {  	[dreg:$0x0] =	wrdreg $0x30  }
0xc9: {  	[dreg:$0x2] =	wrdreg $0x0  }
0xca: {  	[dreg:$0x3] =	wrdreg s18  }
0xcb: {  	[dreg:$0x4] =	wrdreg s19  }
0xcc: {  	[dreg:$0x5] =	wrdreg s20  }
0xcd: {  	[dreg:$0x6] =	wrdreg s21  }
0xce: {  	[dreg:$0x7] =	wrdreg s22  }
0xcf: {  	[dreg:$0x8] =	wrdreg s23  }
0xd0: {  	[dreg:$0x9] =	wrdreg s24  }
0xd1: {  	[dreg:$0xa] =	wrdreg s25  }
0xd2: {  	[dreg:$0xb] =	wrdreg s28  }
0xd3: {  	[dreg:$0xc] =	wrdreg s17  }
0xd4: {  	[dreg:$0xd] =	wrdreg $0x9  }
0xd5: {  	_ =	task [dreg:s16], $0xEFFFF  }
0xd6: {  	[dreg:$0x1] =	wrdreg $0xFFFFFFFF  }
0xd7: {  	[dreg:$0x0] =	wrdreg $0x60  }
0xd8: {  	[dreg:$0x2] =	wrdreg s2  }
0xd9: {  	[dreg:$0x3] =	wrdreg s3  }
0xda: {  	[dreg:$0x4] =	wrdreg s4  }
0xdb: {  	[dreg:$0x5] =	wrdreg s5  }
0xdc: {  	[dreg:$0x6] =	wrdreg s6  }
0xdd: {  	[dreg:$0x7] =	wrdreg s7  }
0xde: {  	[dreg:$0x8] =	wrdreg s8  }
0xdf: {  	[dreg:$0x9] =	wrdreg s9  }
0xe0: {  	[dreg:$0xa] =	wrdreg s10  }
0xe1: {  	[dreg:$0xb] =	wrdreg s11  }
0xe2: {  	[dreg:$0xc] =	wrdreg s12  }
0xe3: {  	[dreg:$0xd] =	wrdreg s13  }
0xe4: {  	[dreg:$0xe] =	wrdreg s14  }
0xe5: {  	[dreg:$0xf] =	wrdreg s15  }
0xe6: {  	_ =	task.clear_ibuf [dreg:s16], $0x10FFFF;
	_ =	strace $0x90000046  }
0xe7: {  	s28 =	simm.s32 $0x9;
	_ =	strace $0x80000048  }
0xe8: {  	_ =	swait.ge [sflag:s28], $0x1  }
0xe9: {  	[sflag:s28] =	ssyncadd.s32 $0xFFFFFFFF  }
0xea: {  	_ =	strace $0x90000048  }
0xeb: {  	_ =	sfence  }
0xec: {  	s29 =	sld [smem:$0x0];
	_ =	sdelay $0x2  }
0xed: {  	s30 =	sshll.u32 s1, $0xD;
	s1 =	sshrl.u32 s1, $0x2  }
0xee: {  	s31 =	sand.u32 $0x4000, s30;
	s1 =	sadd.s32 s1, s29  }
0xef: {  	s0 =	sor.u32 s31, s0;
	s1 =	sshll.u32 s1, $0x11  }
0xf0: {  	s0 =	sor.u32 s1, s0  }
0xf1: {  	s0 =	sadd.s32 $0x8F2B, s0  }
0xf2: {  	[sflag:s0] =	ssyncadd.remote.s32 $0x1  }
0xf3: {  	_ =	sfence.sel $0xFFFF  }
0xf4: {  	[dreg:$0x0] =	wrdreg $0xFFFFFFFF;
	(pc) =	sbr.abs _section_cstart, $3  }
0xf5: {  	[dreg:$0x1] =	wrdreg $0xFFFFFFFF  }
0xf6: {  	_ =	task.clear_ibuf [dreg:s16], $0x2FFFF;
	_ =	strace $0x9FFFFFFF  }
0xf7: {  	(tm) =	ssettm $0x7FFFFFFF  }
tec
_tile_task_arg_handler_lowered:
.L_overlay_start_1:
0x0: {  	(tag) =	ssettag $0x1  }
0x1: {  	s0 =	rddreg [dreg:$0x0]  }
0x2: {  	s1 =	rddreg [dreg:$0x1]  }
0x3: {  	s2 =	rddreg [dreg:$0x2]  }
0x4: {  	s3 =	rddreg [dreg:$0x3]  }
0x5: {  	s4 =	rddreg [dreg:$0x4]  }
0x6: {  	s5 =	rddreg [dreg:$0x5]  }
0x7: {  	s6 =	rddreg [dreg:$0x6]  }
0x8: {  	s7 =	rddreg [dreg:$0x7]  }
0x9: {  	s8 =	rddreg [dreg:$0x8]  }
0xa: {  	s9 =	rddreg [dreg:$0x9]  }
0xb: {  	s10 =	rddreg [dreg:$0xa]  }
0xc: {  	s11 =	rddreg [dreg:$0xb]  }
0xd: {  	s12 =	rddreg [dreg:$0xc]  }
0xe: {  	s13 =	rddreg [dreg:$0xd]  }
0xf: {  	[smem:s0] =	sst s1  }
0x10: {  	[smem:s0+$0x1] =	sst s2  }
0x11: {  	[smem:s0+$0x2] =	sst s3  }
0x12: {  	[smem:s0+$0x3] =	sst s4  }
0x13: {  	[smem:s0+$0x4] =	sst s5  }
0x14: {  	[smem:s0+$0x5] =	sst s6  }
0x15: {  	[smem:s0+$0x6] =	sst s7  }
0x16: {  	[smem:s0+$0x7] =	sst s8  }
0x17: {  	[smem:s0+$0x8] =	sst s9  }
0x18: {  	[smem:s0+$0x9] =	sst s10  }
0x19: {  	[smem:s0+$0xA] =	sst s11  }
0x1a: {  	[smem:s0+$0xB] =	sst s12  }
0x1b: {  	[smem:s0+$0xC] =	sst s13;
	_ =	shalt  }
.Lfunc_end2:
execute0_lowered:
.L_overlay_start_2:
0x1c: {  	(tag) =	ssettag $0x2  }
0x1d: {  	s0 =	simm.s32 $0x0  }
0x1e: {  	[smem:$0x7FF] =	sst s0  }
0x1f: {  	s0 =	sld [smem:$0x0]  }
0x20: {  	s11 =	sld [smem:$0x1]  }
0x21: {  	s12 =	sld [smem:$0x2]  }
0x22: {  	s13 =	sld [smem:$0x3]  }
0x23: {  	s14 =	sld [smem:$0x4]  }
0x24: {  	s15 =	sld [smem:$0x5]  }
0x25: {  	s1 =	sld [smem:$0x6]  }
0x26: {  	s17 =	sld [smem:$0x7]  }
0x27: {  	s2 =	sld [smem:$0x8]  }
0x28: {  	s19 =	sld [smem:$0x9]  }
0x29: {  	s20 =	sld [smem:$0xA]  }
0x2a: {  	[dreg:$0xe] =	wrdreg s0  }
0x2b: {  	[dreg:$0xf] =	wrdreg s11  }
0x2c: {  	[dreg:$0x10] =	wrdreg s12  }
0x2d: {  	s16 =	srdreg.scid;
	[dreg:$0x11] =	wrdreg s13  }
0x2e: {  	s4 =	stileid.u32;
	s5 =	simm.s32 $0x20;
	[dreg:$0x12] =	wrdreg s14  }
0x2f: {  	s6 =	simm.s32 $0x1B110;
	s9 =	simm.s32 $0x4;
	[dreg:$0x13] =	wrdreg s15  }
0x30: {  	s10 =	simm.s32 $0x10;
	s7 =	simm.s32 $0x3;
	[dreg:$0x14] =	wrdreg s1  }
0x31: {  	s8 =	simm.s32 $0x1;
	s21 =	sshll.u32 s4, $0xA;
	[dreg:$0x15] =	wrdreg s17  }
0x32: {  	s4 =	simm.s32 $0x80;
	s0 =	sand.u32 $0x1, s16;
	[dreg:$0x17] =	wrdreg s19  }
0x33: {  	[dreg:$0x16] =	wrdreg s20;
	s28 =	sadd.s32 $0xF43600, s2;
	s29 =	sadd.s32 $0x187C00, s2  }
0x34: {  	s22 =	sadd.s32 $0x4E00, s2;
	s18 =	ssub.s32 $0x2, s0;
	s0 =	sshll.u32 s0, $0x9  }
0x35: {  	s23 =	sadd.s32 $0x6200, s2;
	s24 =	sadd.s32 $0x6000, s2;
	s0 =	sor.u32 s0, s21  }
0x36: {  	s25 =	sadd.s32 $0x6400, s2;
	s26 =	sadd.s32 $0x5E00, s2;
	[dreg:$0x18] =	wrdreg s0  }
0x37: {  	s30 =	sadd.s32 $0x1200, s2;
	_ =	strace $0x80000047;
	[dreg:$0x19] =	wrdreg s22  }
0x38: {  	s2 =	simm.s32 $0x6;
	s12 =	simm.s32 $0x1B0E0;
	[dreg:$0x1a] =	wrdreg s23  }
0x39: {  	s13 =	simm.s32 $0x1B0F0;
	s14 =	simm.s32 $0x1B100;
	[dreg:$0x1b] =	wrdreg s24  }
0x3a: {  	vm0 =	vcmask $0x300;
	v0 =	vimm.f32 $0.0e+00;
	s11 =	simm.s32 $0x19FD0;
	s3 =	sshrl.u32 s18, $0x1;
	[dreg:$0x1c] =	wrdreg s25  }
0x3b: {  	vm1 =	vcmask $0x704;
	v2 =	vsel vm0, $0x3F800000, v0;
	s15 =	simm.s32 $0x2;
	s3 =	ssub.s32 s18, s3;
	[dreg:$0x1d] =	wrdreg s26  }
0x3c: {  	v19 =	vsel vm1, $0x3F800000, v0;
	s16 =	simm.s32 $0x5;
	[dreg:$0x1e] =	wrdreg s30;
	s31 =	smax.u32 s3, $0x1;
	[tilespmem:$0x1FFE0] =	vst v2  }
0x3d: {  	v1 =	vimm.s32 $0x0;
	vm0 =	vmmov $0xffff;
	s1 =	simm.s32 $0x0;
	s3 =	simm.s32 $0xCE50;
	[tilespmem:$0x1FFF0] =	vst v19;
	[dreg:$0x1f] =	wrdreg s31  }
.LBB3_1:
0x3e: {  	[smem:$0x7FD] =	sst s1;
	s17 =	simm.s32 $0x0  }
.LBB3_2:
0x3f: {  	s18 =	sshll.u32 s17, $0x4;
	s0 =	rddreg [dreg:$0x18]  }
0x40: {  	s18 =	sadd.s32 s0, s18  }
0x41: {  	s19 =	smul.u32 $0x32, s18;
	_ =	sdelay $0x1  }
0x42: {  	s23 =	rddreg [dreg:$0xf];
	s20 =	sshrl.u32 s19, $0x3  }
0x43: {  	s19 =	simm.s32 $0x0;
	s21 =	sadd.s32 s23, s20  }
0x44: {  	[tilespmem:s19], [sflag:$0x6] =	stream.linear.gather [hbm4b:s21+s19], $0x320, $0x38;
	[tilespmem:$0x1D530] =	vst v63  }
0x45: {  	_ =	swait.ge [sflag:s2], $0x320  }
0x46: {  	[sflag:s2] =	ssyncset.done $0x0;
	s24 =	rddreg [dreg:$0x11]  }
0x47: {  	[sflag:s2] =	ssyncadd.s32 $0xFFFFFCE0;
	s25 =	sadd.s32 s24, s20  }
0x48: {  	[tilespmem:s3], [sflag:$0x6] =	stream.linear.gather [hbm4b:s25+s19], $0x320, $0x38;
	[tilespmem:$0x1D530] =	vst v63  }
0x49: {  	_ =	swait.ge [sflag:s2], $0x320  }
0x4a: {  	[sflag:s2] =	ssyncset.done $0x0  }
0x4b: {  	s26 =	simm.s32 $0x650;
	[sflag:s2] =	ssyncadd.s32 $0xFFFFFCE0  }
0x4c: {  	[tilespmem:s26], [sflag:$0x1] =	stream.indirect.gather [hbm4b:s28+s4], $0x40, s19, s4, $0xb8;
	[tilespmem:$0x1D530] =	vst v63  }
0x4d: {  	s30 =	simm.s32 $0x2650  }
0x4e: {  	[tilespmem:s30], [sflag:$0x1] =	stream.indirect.gather [hbm4b:s28+s4], $0x40, s4, s4, $0xb8;
	[tilespmem:$0x1D530] =	vst v63  }
0x4f: {  	s31 =	simm.s32 $0x100;
	s1 =	simm.s32 $0x4650  }
0x50: {  	[tilespmem:s1], [sflag:$0x1] =	stream.indirect.gather [hbm4b:s28+s4], $0x40, s31, s4, $0xb8;
	[tilespmem:$0x1D530] =	vst v63  }
0x51: {  	s22 =	simm.s32 $0x6650;
	s21 =	simm.s32 $0x180  }
0x52: {  	[tilespmem:s22], [sflag:$0x1] =	stream.indirect.gather [hbm4b:s28+s4], $0x40, s21, s4, $0xb8;
	[tilespmem:$0x1D530] =	vst v63  }
0x53: {  	s23 =	simm.s32 $0x200;
	s24 =	simm.s32 $0x8650  }
0x54: {  	[tilespmem:s24], [sflag:$0x1] =	stream.indirect.gather [hbm4b:s28+s4], $0x40, s23, s4, $0xb8;
	[tilespmem:$0x1D530] =	vst v63  }
0x55: {  	s25 =	simm.s32 $0x280;
	s26 =	simm.s32 $0xA650  }
0x56: {  	[tilespmem:s26], [sflag:$0x1] =	stream.indirect.gather [hbm4b:s28+s4], $0x40, s25, s4, $0xb8;
	[tilespmem:$0x1D530] =	vst v63  }
0x57: {  	s30 =	simm.s32 $0x300;
	s31 =	simm.s32 $0xC650  }
0x58: {  	[tilespmem:s31], [sflag:$0x1] =	stream.indirect.gather [hbm4b:s28+s5], $0x40, s30, s5, $0xb8;
	[tilespmem:$0x1D530] =	vst v63  }
0x59: {  	s1 =	simm.s32 $0xD7D0  }
0x5a: {  	[tilespmem:s1], [sflag:$0x2] =	stream.indirect.gather [hbm4b:s29+s4], $0x40, s3, s4, $0xb8;
	[tilespmem:$0x1D530] =	vst v63  }
0x5b: {  	s21 =	simm.s32 $0xCED0;
	s22 =	simm.s32 $0xF7D0  }
0x5c: {  	[tilespmem:s22], [sflag:$0x2] =	stream.indirect.gather [hbm4b:s29+s4], $0x40, s21, s4, $0xb8;
	[tilespmem:$0x1D530] =	vst v63  }
0x5d: {  	s23 =	simm.s32 $0xCF50;
	s24 =	simm.s32 $0x117D0  }
0x5e: {  	[tilespmem:s24], [sflag:$0x2] =	stream.indirect.gather [hbm4b:s29+s4], $0x40, s23, s4, $0xb8;
	[tilespmem:$0x1D530] =	vst v63  }
0x5f: {  	s25 =	simm.s32 $0xCFD0;
	s26 =	simm.s32 $0x137D0  }
0x60: {  	[tilespmem:s26], [sflag:$0x2] =	stream.indirect.gather [hbm4b:s29+s4], $0x40, s25, s4, $0xb8;
	[tilespmem:$0x1D530] =	vst v63  }
0x61: {  	s30 =	simm.s32 $0xD050;
	s31 =	simm.s32 $0x157D0  }
0x62: {  	[tilespmem:s31], [sflag:$0x2] =	stream.indirect.gather [hbm4b:s29+s4], $0x40, s30, s4, $0xb8;
	[tilespmem:$0x1D530] =	vst v63  }
0x63: {  	s21 =	simm.s32 $0xD0D0;
	s22 =	simm.s32 $0x177D0;
	s23 =	simm.s32 $0xD150  }
0x64: {  	[tilespmem:s22], [sflag:$0x2] =	stream.indirect.gather [hbm4b:s29+s4], $0x40, s21, s4, $0xb8;
	[tilespmem:$0x1D530] =	vst v63  }
0x65: {  	s24 =	simm.s32 $0x197D0;
	s25 =	rddreg [dreg:$0x0];
	s21 =	sshrl.u32 s18, $0x3  }
0x66: {  	[tilespmem:s24], [sflag:$0x2] =	stream.indirect.gather [hbm4b:s29+s5], $0x40, s23, s5, $0xb8;
	[tilespmem:$0x1D530] =	vst v63  }
0x67: {  	s26 =	rddreg [dreg:$0x1];
	s22 =	sadd.s32 s25, s21  }
0x68: {  	[tilespmem:s12], [sflag:$0x4] =	stream.linear.gather [hbm4b:s22+s19], $0x10, $0x38;
	[tilespmem:$0x1D530] =	vst v63  }
0x69: {  	s31 =	rddreg [dreg:$0x2];
	s30 =	sadd.s32 s26, s21  }
0x6a: {  	[tilespmem:s13], [sflag:$0x4] =	stream.linear.gather [hbm4b:s30+s19], $0x10, $0x38;
	[tilespmem:$0x1D530] =	vst v63  }
0x6b: {  	s1 =	sadd.s32 s31, s21;
	s23 =	rddreg [dreg:$0x3]  }
0x6c: {  	[tilespmem:s14], [sflag:$0x4] =	stream.linear.gather [hbm4b:s1+s19], $0x10, $0x38;
	[tilespmem:$0x1D530] =	vst v63  }
0x6d: {  	s25 =	rddreg [dreg:$0x4];
	s24 =	sadd.s32 s23, s21  }
0x6e: {  	[tilespmem:s6], [sflag:$0x4] =	stream.linear.gather [hbm4b:s24+s19], $0x10, $0x38;
	[tilespmem:$0x1D530] =	vst v63  }
0x6f: {  	s31 =	rddreg [dreg:$0x5];
	s26 =	sadd.s32 s25, s21;
	s30 =	simm.s32 $0x1B120  }
0x70: {  	[tilespmem:s30], [sflag:$0x4] =	stream.linear.gather [hbm4b:s26+s19], $0x10, $0x38;
	[tilespmem:$0x1D530] =	vst v63  }
0x71: {  	s0 =	sadd.s32 s31, s21;
	s22 =	rddreg [dreg:$0x6];
	s1 =	simm.s32 $0x1B130  }
0x72: {  	[tilespmem:s1], [sflag:$0x4] =	stream.linear.gather [hbm4b:s0+s19], $0x10, $0x38;
	[tilespmem:$0x1D530] =	vst v63  }
0x73: {  	s25 =	rddreg [dreg:$0x7];
	s23 =	sadd.s32 s22, s21;
	s24 =	simm.s32 $0x1B140  }
0x74: {  	[tilespmem:s24], [sflag:$0x4] =	stream.linear.gather [hbm4b:s23+s19], $0x10, $0x38;
	[tilespmem:$0x1D530] =	vst v63  }
0x75: {  	s31 =	rddreg [dreg:$0x8];
	s26 =	sadd.s32 s25, s21;
	s30 =	simm.s32 $0x1B150  }
0x76: {  	[tilespmem:s30], [sflag:$0x4] =	stream.linear.gather [hbm4b:s26+s19], $0x10, $0x38;
	[tilespmem:$0x1D530] =	vst v63  }
0x77: {  	s22 =	rddreg [dreg:$0x9];
	s0 =	sadd.s32 s31, s21;
	s1 =	simm.s32 $0x1B160  }
0x78: {  	[tilespmem:s1], [sflag:$0x4] =	stream.linear.gather [hbm4b:s0+s19], $0x10, $0x38;
	[tilespmem:$0x1D530] =	vst v63  }
0x79: {  	s25 =	rddreg [dreg:$0xa];
	s23 =	sadd.s32 s22, s21;
	s24 =	simm.s32 $0x1B170  }
0x7a: {  	[tilespmem:s24], [sflag:$0x4] =	stream.linear.gather [hbm4b:s23+s19], $0x10, $0x38;
	[tilespmem:$0x1D530] =	vst v63  }
0x7b: {  	s31 =	rddreg [dreg:$0xb];
	s26 =	sadd.s32 s25, s21;
	s30 =	simm.s32 $0x1B180  }
0x7c: {  	[tilespmem:s30], [sflag:$0x4] =	stream.linear.gather [hbm4b:s26+s19], $0x10, $0x38;
	[tilespmem:$0x1D530] =	vst v63  }
0x7d: {  	s22 =	rddreg [dreg:$0xc];
	s0 =	sadd.s32 s31, s21;
	s1 =	simm.s32 $0x1B190  }
0x7e: {  	[tilespmem:s1], [sflag:$0x4] =	stream.linear.gather [hbm4b:s0+s19], $0x10, $0x38;
	[tilespmem:$0x1D530] =	vst v63  }
0x7f: {  	s25 =	rddreg [dreg:$0xd];
	s23 =	sadd.s32 s22, s21;
	s24 =	simm.s32 $0x1B1A0  }
0x80: {  	[tilespmem:s24], [sflag:$0x4] =	stream.linear.gather [hbm4b:s23+s19], $0x10, $0x38;
	[tilespmem:$0x1D530] =	vst v63  }
0x81: {  	s31 =	rddreg [dreg:$0xe];
	s26 =	sadd.s32 s25, s21;
	s30 =	simm.s32 $0x1B1B0  }
0x82: {  	[tilespmem:s30], [sflag:$0x4] =	stream.linear.gather [hbm4b:s26+s19], $0x10, $0x38;
	[tilespmem:$0x1D530] =	vst v63  }
0x83: {  	s22 =	rddreg [dreg:$0x10];
	s21 =	sadd.s32 s31, s21;
	s1 =	simm.s32 $0x1B1C0  }
0x84: {  	[tilespmem:s1], [sflag:$0x4] =	stream.linear.gather [hbm4b:s21+s19], $0x10, $0x38;
	[tilespmem:$0x1D530] =	vst v63  }
0x85: {  	s23 =	sadd.s32 s22, s20;
	s24 =	simm.s32 $0x320  }
0x86: {  	[tilespmem:s24], [sflag:$0x6] =	stream.linear.gather [hbm4b:s23+s19], $0x320, $0x38;
	[tilespmem:$0x1D530] =	vst v63  }
0x87: {  	_ =	swait.ge [sflag:s2], $0x320  }
0x88: {  	[sflag:s2] =	ssyncset.done $0x0;
	s25 =	rddreg [dreg:$0x12]  }
0x89: {  	s30 =	simm.s32 $0xD170;
	[sflag:s2] =	ssyncadd.s32 $0xFFFFFCE0;
	s26 =	sadd.s32 s25, s20  }
0x8a: {  	[tilespmem:s30], [sflag:$0x6] =	stream.linear.gather [hbm4b:s26+s19], $0x320, $0x38;
	[tilespmem:$0x1D530] =	vst v63  }
0x8b: {  	_ =	swait.ge [sflag:s2], $0x320  }
0x8c: {  	[sflag:s2] =	ssyncset.done $0x0;
	s31 =	rddreg [dreg:$0x13]  }
0x8d: {  	s1 =	simm.s32 $0xD4A0;
	[sflag:s2] =	ssyncadd.s32 $0xFFFFFCE0;
	s20 =	sadd.s32 s31, s20  }
0x8e: {  	[tilespmem:s1], [sflag:$0x6] =	stream.linear.gather [hbm4b:s20+s19], $0x320, $0x38;
	[tilespmem:$0x1D530] =	vst v63  }
0x8f: {  	_ =	swait.ge [sflag:s2], $0x320  }
0x90: {  	[sflag:s2] =	ssyncset.done $0x0;
	s21 =	rddreg [dreg:$0x14]  }
0x91: {  	[sflag:s2] =	ssyncadd.s32 $0xFFFFFCE0;
	s22 =	sadd.s32 s21, s18  }
0x92: {  	[tilespmem:s11], [sflag:$0x6] =	stream.linear.gather [hbm4b:s22+s19], $0x80, $0x38;
	[tilespmem:$0x1D530] =	vst v63  }
0x93: {  	_ =	swait.ge [sflag:s2], $0x80  }
0x94: {  	[sflag:s2] =	ssyncset.done $0x0;
	s23 =	rddreg [dreg:$0x15]  }
0x95: {  	s25 =	simm.s32 $0x1A050;
	[sflag:s2] =	ssyncadd.s32 $0xFFFFFF80;
	s24 =	sadd.s32 s23, s18  }
0x96: {  	[tilespmem:s25], [sflag:$0x6] =	stream.linear.gather [hbm4b:s24+s19], $0x80, $0x38;
	[tilespmem:$0x1D530] =	vst v63  }
0x97: {  	_ =	swait.ge [sflag:s2], $0x80  }
0x98: {  	[sflag:s2] =	ssyncset.done $0x0  }
0x99: {  	s30 =	simm.s32 $0x1A0E0;
	s26 =	rddreg [dreg:$0x19];
	[sflag:s2] =	ssyncadd.s32 $0xFFFFFF80  }
0x9a: {  	[tilespmem:s30], [sflag:$0x3] =	stream.indirect.gather [hbm4b:s26+s4], $0x20, s11, s4, $0xb8;
	[tilespmem:$0x1D530] =	vst v63  }
0x9b: {  	_ =	swait.ge [sflag:s9], $0x10  }
0x9c: {  	[sflag:s9] =	ssyncset.done $0x0  }
0x9d: {  	[sflag:s9] =	ssyncadd.s32 $0xFFFFFFF0  }
0x9e: {  	_ =	swait.ge [sflag:s9], $0x10  }
0x9f: {  	[sflag:s9] =	ssyncset.done $0x0  }
0xa0: {  	[sflag:s9] =	ssyncadd.s32 $0xFFFFFFF0  }
0xa1: {  	_ =	swait.ge [sflag:s9], $0x10  }
0xa2: {  	[sflag:s9] =	ssyncset.done $0x0  }
0xa3: {  	[sflag:s9] =	ssyncadd.s32 $0xFFFFFFF0  }
0xa4: {  	_ =	swait.ge [sflag:s9], $0x10  }
0xa5: {  	[sflag:s9] =	ssyncset.done $0x0  }
0xa6: {  	[sflag:s9] =	ssyncadd.s32 $0xFFFFFFF0  }
0xa7: {  	_ =	swait.ge [sflag:s9], $0x10  }
0xa8: {  	[sflag:s9] =	ssyncset.done $0x0  }
0xa9: {  	[sflag:s9] =	ssyncadd.s32 $0xFFFFFFF0  }
0xaa: {  	_ =	swait.ge [sflag:s9], $0x10  }
0xab: {  	[sflag:s9] =	ssyncset.done $0x0  }
0xac: {  	[sflag:s9] =	ssyncadd.s32 $0xFFFFFFF0  }
0xad: {  	_ =	swait.ge [sflag:s9], $0x10  }
0xae: {  	[sflag:s9] =	ssyncset.done $0x0  }
0xaf: {  	[sflag:s9] =	ssyncadd.s32 $0xFFFFFFF0  }
0xb0: {  	_ =	swait.ge [sflag:s9], $0x10  }
0xb1: {  	[sflag:s9] =	ssyncset.done $0x0  }
0xb2: {  	[sflag:s9] =	ssyncadd.s32 $0xFFFFFFF0  }
0xb3: {  	_ =	swait.ge [sflag:s9], $0x10  }
0xb4: {  	[sflag:s9] =	ssyncset.done $0x0  }
0xb5: {  	[sflag:s9] =	ssyncadd.s32 $0xFFFFFFF0  }
0xb6: {  	v0 =	vld [tilespmem:$0x1B120]  }
0xb7: {  	v3 =	vld [tilespmem:$0x1B140]  }
0xb8: {  	v4 =	vld [tilespmem:$0x1B150]  }
0xb9: {  	v5 =	vld [tilespmem:$0x1B130]  }
0xba: {  	s31 =	simm.s32 $0x1B1D0  }
0xbb: {  	v6 =	vld [tilespmem:$0x1B160];
	[tilespmem:s31], [sflag:$0x3] =	stream.indirect.gather [hbm4b:s28+s10], $0x40, s12, s10, $0xb8  }
0xbc: {  	s20 =	simm.s32 $0x1B5D0;
	s1 =	rddreg [dreg:$0x1a];
	v0 =	vmul.u32 $0xA, v0  }
0xbd: {  	[tilespmem:s20], [sflag:$0x3] =	stream.indirect.gather [hbm4b:s1+s10], $0x10, s13, s10, $0xb8;
	v3 =	vmul.u32 $0x177, v3;
	v4 =	vmul.u32 $0xF, v4;
	[tilespmem:$0x1D530] =	vst v63  }
0xbe: {  	s22 =	simm.s32 $0x1B6D0;
	s21 =	rddreg [dreg:$0x1d];
	v0 =	vadd.s32 v5, v0  }
0xbf: {  	[tilespmem:s22], [sflag:$0x3] =	stream.indirect.gather [hbm4b:s21+s10], $0x10, s14, s10, $0xb8;
	v3 =	vadd.s32 v3, v4;
	[tilespmem:$0x1D530] =	vst v63  }
0xc0: {  	s24 =	simm.s32 $0x1B7D0;
	s23 =	rddreg [dreg:$0x1c];
	v3 =	vadd.s32 v6, v3  }
0xc1: {  	[tilespmem:s24], [sflag:$0x3] =	stream.indirect.gather [hbm4b:s23+s10], $0x10, s6, s10, $0xb8;
	[tilespmem:$0x1D530] =	vst v63  }
0xc2: {  	s26 =	simm.s32 $0x1B8D0;
	s25 =	rddreg [dreg:$0x1b]  }
0xc3: {  	[tilespmem:s26], [sflag:$0x3] =	stream.indirect_vreg.gather [hbm4b:s25+s19], $0x10, v0, vm0, $0xb8;
	[tilespmem:$0x1D530] =	vst v63  }
0xc4: {  	s30 =	rddreg [dreg:$0x1e];
	s31 =	simm.s32 $0x1B9D0  }
0xc5: {  	[tilespmem:s31], [sflag:$0x3] =	stream.indirect_vreg.gather [hbm4b:s30+s19], $0x20, v3, vm0, $0xb8;
	[tilespmem:$0x1D530] =	vst v63  }
0xc6: {  	_ =	swait.ge [sflag:s7], $0x1000  }
0xc7: {  	[sflag:s7] =	ssyncset.done $0x0  }
0xc8: {  	s20 =	simm.s32 $0x1A054;
	[sflag:s7] =	ssyncadd.s32 $0xFFFFF000  }
0xc9: {  	s21 =	simm.s32 $0x1A160;
	v0 =	vld [tilespmem:s20+$0x0]  }
0xca: {  	v5 =	vld [tilespmem:s21+$0xFFFFFFA0]  }
0xcb: {  	v8 =	vld [tilespmem:s21+$0xFFFFFF90]  }
0xcc: {  	v4 =	vld [tilespmem:s20+$0xFFFFFFFD]  }
0xcd: {  	v3 =	vld [tilespmem:s20+$0x3]  }
0xce: {  	v6 =	vld [tilespmem:s21+$0xFFFFFF80]  }
0xcf: {  	v7 =	vld [tilespmem:s20+$0xFFFFFFFC]  }
0xd0: {  	v9 =	vld [tilespmem:s20+$0xFFFFFFFE]  }
0xd1: {  	v10 =	vld [tilespmem:s20+$0xFFFFFFFF]  }
0xd2: {  	v11 =	vld [tilespmem:s21+$0xFFFFFFB0]  }
0xd3: {  	v15 =	vld [tilespmem:s21+$0xFFFFFFC0]  }
0xd4: {  	v14 =	vld [tilespmem:s21+$0xFFFFFFE0];
	v12 =	vperm.xlane v7, v1  }
0xd5: {  	v16 =	vld [tilespmem:s21+$0xFFFFFFD0];
	v13 =	vperm.xlane v4, v1;
	v4 =	vperm.xlane v0, v1  }
0xd6: {  	v18 =	vperm.xlane v9, v1;
	v9 =	vld [tilespmem:s20+$0x1];
	v0 =	vmul.f32 v12, v6  }
0xd7: {  	v7 =	vperm.xlane v10, v1;
	v10 =	vmul.f32 v12, v8;
	v8 =	vld [tilespmem:s21+$0xFFFFFFF0]  }
0xd8: {  	v3 =	vperm.xlane v3, v1;
	v6 =	vld [tilespmem:s21+$0x0];
	v17 =	vmul.f32 v13, v5;
	v0 =	vadd.f32 $0.0e+00, v0  }
0xd9: {  	v5 =	vld [tilespmem:s21+$0x20];
	v13 =	vmul.f32 v13, v11;
	v15 =	vmul.f32 v18, v15;
	v12 =	vadd.f32 $0.0e+00, v10  }
0xda: {  	s22 =	simm.s32 $0x1A160;
	s23 =	simm.s32 $0x80;
	v11 =	vld [tilespmem:s21+$0x10];
	v10 =	vmul.f32 v7, v14;
	v14 =	vadd.f32 v17, v0;
	v0 =	vmul.f32 v18, v16  }
.LBB3_3:
0xdb: {  	p0 =	sne.s32 s23, $0x780;
	v12 =	vadd.f32 v13, v12;
	v13 =	vld [tilespmem:s20+$0x2];
	s20 =	sadd.s32 $0x8, s20;
	s21 =	sadd.s32 $0x100, s21  }
0xdc: {  	s24 =	smov.u32 s23;
	s23 =	sadd.s32 $0x80, s23;
	v14 =	vadd.f32 v15, v14;
	v7 =	vmul.f32 v7, v8;
	v8 =	vld [tilespmem:s22+$0x30]  }
0xdd: {  	v0 =	vadd.f32 v0, v12;
	v12 =	vld [tilespmem:s22+$0x40]  }
0xde: {  	v6 =	vmul.f32 v4, v6;
	v10 =	vadd.f32 v10, v14;
	v9 =	vperm.xlane v9, v1;
	v14 =	vld [tilespmem:s22+$0x50]  }
0xdf: {  	v0 =	vadd.f32 v7, v0;
	v4 =	vmul.f32 v4, v11;
	v7 =	vld [tilespmem:s22+$0x60]  }
0xe0: {  	v6 =	vadd.f32 v6, v10;
	v5 =	vmul.f32 v9, v5;
	v10 =	vperm.xlane v13, v1;
	v11 =	vld [tilespmem:s22+$0x70];
	s22 =	smov.u32 s21  }
0xe1: {  	v0 =	vadd.f32 v4, v0;
	v4 =	vmul.f32 v9, v8  }
0xe2: {  	v5 =	vadd.f32 v5, v6;
	v6 =	vmul.f32 v10, v12  }
0xe3: {  	v0 =	vadd.f32 v4, v0;
	v4 =	vmul.f32 v10, v14  }
0xe4: {  	v5 =	vadd.f32 v6, v5;
	v6 =	vmul.f32 v3, v7  }
0xe5: {  	v0 =	vadd.f32 v4, v0;
	v3 =	vmul.f32 v3, v11  }
0xe6: {  	v4 =	vadd.f32 v6, v5  }
0xe7: {  	s25 =	sshra.s32 s19, $0x2;
	s19 =	smov.u32 s24;
	v0 =	vadd.f32 v3, v0  }
0xe8: {  	[tilespmem:s25+$0x1BBD0] =	vst v4  }
0xe9: {  	[tilespmem:s25+$0x1BBE0] =	vst v0  }
0xea: {  	v0 =	vld [tilespmem:s20+$0x0]  }
0xeb: {  	v5 =	vld [tilespmem:s21+$0xFFFFFFA0]  }
0xec: {  	v8 =	vld [tilespmem:s21+$0xFFFFFF90]  }
0xed: {  	v4 =	vld [tilespmem:s20+$0xFFFFFFFD]  }
0xee: {  	v3 =	vld [tilespmem:s20+$0x3]  }
0xef: {  	v6 =	vld [tilespmem:s21+$0xFFFFFF80]  }
0xf0: {  	v7 =	vld [tilespmem:s20+$0xFFFFFFFC]  }
0xf1: {  	v9 =	vld [tilespmem:s20+$0xFFFFFFFE]  }
0xf2: {  	v10 =	vld [tilespmem:s20+$0xFFFFFFFF]  }
0xf3: {  	v11 =	vld [tilespmem:s21+$0xFFFFFFB0]  }
0xf4: {  	v15 =	vld [tilespmem:s21+$0xFFFFFFC0]  }
0xf5: {  	v3 =	vperm.xlane v3, v1;
	v12 =	vperm.xlane v7, v1;
	v14 =	vld [tilespmem:s21+$0xFFFFFFE0]  }
0xf6: {  	v13 =	vperm.xlane v4, v1;
	v4 =	vperm.xlane v0, v1;
	v16 =	vld [tilespmem:s21+$0xFFFFFFD0]  }
.Ltmp0:
0xf7: {  	v0 =	vmul.f32 v12, v6;
	v7 =	vperm.xlane v10, v1;
	v6 =	vld [tilespmem:s21+$0x0];
	(pc) =	sbr.rel @p0 .LBB3_3-.Ltmp0, $4  }
0xf8: {  	v17 =	vmul.f32 v13, v5;
	v10 =	vmul.f32 v12, v8;
	v8 =	vld [tilespmem:s21+$0xFFFFFFF0]  }
0xf9: {  	v18 =	vperm.xlane v9, v1;
	v0 =	vadd.f32 $0.0e+00, v0;
	v5 =	vld [tilespmem:s21+$0x20]  }
0xfa: {  	v13 =	vmul.f32 v13, v11;
	v12 =	vadd.f32 $0.0e+00, v10;
	v10 =	vmul.f32 v7, v14;
	v9 =	vld [tilespmem:s20+$0x1]  }
0xfb: {  	v15 =	vmul.f32 v18, v15;
	v14 =	vadd.f32 v17, v0;
	v0 =	vmul.f32 v18, v16;
	v11 =	vld [tilespmem:s21+$0x10]  }
0xfc: {  	v12 =	vadd.f32 v13, v12;
	v50 =	vld [tilespmem:s20+$0x2]  }
0xfd: {  	v51 =	vld [tilespmem:s22+$0x30];
	v14 =	vadd.f32 v15, v14  }
0xfe: {  	v52 =	vld [tilespmem:s22+$0x40];
	v7 =	vmul.f32 v7, v8;
	v0 =	vadd.f32 v0, v12  }
0xff: {  	v6 =	vmul.f32 v4, v6;
	v53 =	vld [tilespmem:s22+$0x50];
	v10 =	vadd.f32 v10, v14;
	v9 =	vperm.xlane v9, v1  }
0x100: {  	v55 =	vld [tilespmem:s22+$0x60];
	v0 =	vadd.f32 v7, v0;
	v54 =	vmul.f32 v4, v11  }
0x101: {  	v57 =	vld [tilespmem:s22+$0x70];
	v6 =	vadd.f32 v6, v10;
	v5 =	vmul.f32 v9, v5;
	v56 =	vperm.xlane v50, v1  }
0x102: {  	v58 =	vmul.f32 v9, v51;
	v0 =	vadd.f32 v54, v0  }
0x103: {  	v5 =	vadd.f32 v5, v6;
	v59 =	vmul.f32 v56, v52  }
0x104: {  	v60 =	vmul.f32 v56, v53;
	v0 =	vadd.f32 v58, v0  }
0x105: {  	v61 =	vmul.f32 v3, v55;
	v5 =	vadd.f32 v59, v5  }
0x106: {  	v3 =	vmul.f32 v3, v57;
	v0 =	vadd.f32 v60, v0  }
0x107: {  	v62 =	vadd.f32 v61, v5  }
0x108: {  	s19 =	sshra.s32 s19, $0x2;
	v0 =	vadd.f32 v3, v0  }
0x109: {  	[tilespmem:s19+$0x1BBD0] =	vst v62  }
0x10a: {  	[tilespmem:s19+$0x1BBE0] =	vst v0  }
0x10b: {  	_ =	swait.ge [sflag:s7], $0x400  }
0x10c: {  	[sflag:s7] =	ssyncset.done $0x0  }
0x10d: {  	[sflag:s7] =	ssyncadd.s32 $0xFFFFFC00  }
0x10e: {  	_ =	swait.ge [sflag:s7], $0x100  }
0x10f: {  	[sflag:s7] =	ssyncset.done $0x0  }
0x110: {  	[sflag:s7] =	ssyncadd.s32 $0xFFFFFF00  }
0x111: {  	_ =	swait.ge [sflag:s7], $0x100  }
0x112: {  	[sflag:s7] =	ssyncset.done $0x0  }
0x113: {  	[sflag:s7] =	ssyncadd.s32 $0xFFFFFF00  }
0x114: {  	_ =	swait.ge [sflag:s7], $0x100  }
0x115: {  	[sflag:s7] =	ssyncset.done $0x0  }
0x116: {  	[sflag:s7] =	ssyncadd.s32 $0xFFFFFF00  }
0x117: {  	_ =	swait.ge [sflag:s7], $0x100  }
0x118: {  	[sflag:s7] =	ssyncset.done $0x0  }
0x119: {  	[sflag:s7] =	ssyncadd.s32 $0xFFFFFF00  }
0x11a: {  	_ =	swait.ge [sflag:s7], $0x200  }
0x11b: {  	[sflag:s7] =	ssyncset.done $0x0  }
0x11c: {  	[sflag:s7] =	ssyncadd.s32 $0xFFFFFE00  }
0x11d: {  	_ =	swait.ge [sflag:s9], $0x10  }
0x11e: {  	[sflag:s9] =	ssyncset.done $0x0  }
0x11f: {  	[sflag:s9] =	ssyncadd.s32 $0xFFFFFFF0  }
0x120: {  	_ =	swait.ge [sflag:s9], $0x10  }
0x121: {  	[sflag:s9] =	ssyncset.done $0x0  }
0x122: {  	[sflag:s9] =	ssyncadd.s32 $0xFFFFFFF0  }
0x123: {  	_ =	swait.ge [sflag:s9], $0x10  }
0x124: {  	[sflag:s9] =	ssyncset.done $0x0  }
0x125: {  	[sflag:s9] =	ssyncadd.s32 $0xFFFFFFF0  }
0x126: {  	_ =	swait.ge [sflag:s9], $0x10  }
0x127: {  	[sflag:s9] =	ssyncset.done $0x0  }
0x128: {  	[sflag:s9] =	ssyncadd.s32 $0xFFFFFFF0  }
0x129: {  	_ =	swait.ge [sflag:s9], $0x10  }
0x12a: {  	[sflag:s9] =	ssyncset.done $0x0  }
0x12b: {  	[sflag:s9] =	ssyncadd.s32 $0xFFFFFFF0  }
0x12c: {  	_ =	swait.ge [sflag:s9], $0x10  }
0x12d: {  	[sflag:s9] =	ssyncset.done $0x0  }
0x12e: {  	s30 =	simm.s32 $0x0;
	[sflag:s9] =	ssyncadd.s32 $0xFFFFFFF0  }
0x12f: {  	v0 =	vld [tilespmem:s30+$0x1B5D0];
	_ =	sdelay $0x3  }
0x130: {  	s22 =	simm.s32 $0x1BF36  }
0x131: {  	[tilespmem:s22+$0xFFFFFE9A] =	vst v0  }
0x132: {  	v0 =	vld [tilespmem:s30+$0x1B8D0];
	_ =	sdelay $0x2  }
0x133: {  	s24 =	simm.s32 $0x0  }
0x134: {  	s31 =	sand.u32 $0x1FFE, s24  }
0x135: {  	[tilespmem:s31+$0x1BDE0] =	vst v0  }
0x136: {  	v0 =	vld [tilespmem:$0x1B170]  }
0x137: {  	v3 =	vld [tilespmem:$0x1B180]  }
0x138: {  	v63 =	vmov s24  }
0x139: {  	v4 =	vand.u32 $0xF, v63  }
0x13a: {  	v4 =	vbroadcast v4, $0x0;
	_ =	sdelay $0x1  }
0x13b: {  	v0 =	vperm.xlane v0, v4;
	v3 =	vperm.xlane v3, v4;
	_ =	sdelay $0x1  }
0x13c: {  	v0 =	vmul.f32 v2, v0;
	v3 =	vmul.f32 v19, v3;
	_ =	sdelay $0x1  }
0x13d: {  	v0 =	vadd.f32 v3, v0;
	_ =	sdelay $0x1  }
0x13e: {  	[tilespmem:s31+$0x1BDF0] =	vst v0  }
0x13f: {  	v0 =	vld [tilespmem:s30+$0x1B7D0];
	_ =	sdelay $0x4  }
0x140: {  	[tilespmem:s22+$0xFFFFFEBC] =	vst v0  }
0x141: {  	v0 =	vld [tilespmem:$0x1B190]  }
0x142: {  	v3 =	vld [tilespmem:$0x1B1A0];
	_ =	sdelay $0x4  }
0x143: {  	v0 =	vperm.xlane v0, v4;
	v3 =	vperm.xlane v3, v4;
	_ =	sdelay $0x1  }
0x144: {  	v0 =	vmul.f32 v2, v0;
	v3 =	vmul.f32 v19, v3;
	_ =	sdelay $0x1  }
0x145: {  	v0 =	vadd.f32 v3, v0;
	_ =	sdelay $0x1  }
0x146: {  	s19 =	simm.s32 $0x1B1F0;
	[tilespmem:s22+$0xFFFFFEC4] =	vst v0  }
0x147: {  	v0 =	vld [tilespmem:s19+$0xFFFFFFE0];
	_ =	sdelay $0x4  }
0x148: {  	[tilespmem:s22+$0xFFFFFF86] =	vst v0  }
0x149: {  	v0 =	vld [tilespmem:s19+$0xFFFFFFF0];
	_ =	sdelay $0x4  }
0x14a: {  	[tilespmem:s22+$0xFFFFFF96] =	vst v0  }
0x14b: {  	v0 =	vld [tilespmem:s19+$0x0];
	_ =	sdelay $0x4  }
0x14c: {  	[tilespmem:s22+$0xFFFFFFA6] =	vst v0  }
0x14d: {  	v0 =	vld [tilespmem:s19+$0x10];
	_ =	sdelay $0x4  }
0x14e: {  	[tilespmem:s22+$0xFFFFFFB6] =	vst v0  }
0x14f: {  	v0 =	vld [tilespmem:s30+$0x1B6D0];
	_ =	sdelay $0x4  }
0x150: {  	[tilespmem:s22+$0xFFFFFFC6] =	vst v0  }
0x151: {  	v0 =	vld [tilespmem:$0x1B1B0]  }
0x152: {  	v3 =	vld [tilespmem:$0x1B1C0];
	_ =	sdelay $0x4  }
0x153: {  	v0 =	vperm.xlane v0, v4;
	v3 =	vperm.xlane v3, v4;
	_ =	sdelay $0x1  }
0x154: {  	v0 =	vmul.f32 v2, v0;
	v3 =	vmul.f32 v19, v3;
	_ =	sdelay $0x1  }
0x155: {  	v0 =	vadd.f32 v3, v0;
	_ =	sdelay $0x1  }
0x156: {  	s20 =	simm.s32 $0x1BBE0;
	[tilespmem:s22+$0xFFFFFFD6] =	vst v0  }
0x157: {  	v0 =	vld [tilespmem:s20+$0xFFFFFFF0];
	_ =	sdelay $0x4  }
0x158: {  	[tilespmem:s22+$0xFFFFFFD8] =	vst v0  }
0x159: {  	v0 =	vld [tilespmem:s20+$0x0];
	_ =	sdelay $0x4  }
0x15a: {  	s21 =	simm.s32 $0x1B9D8;
	[tilespmem:s22+$0xFFFFFFE8] =	vst v0  }
0x15b: {  	v0 =	vld [tilespmem:s21+$0xFFFFFFF8];
	_ =	sdelay $0x4  }
0x15c: {  	[tilespmem:s22+$0xFFFFFFF8] =	vst v0  }
0x15d: {  	v0 =	vld [tilespmem:s21+$0x0];
	_ =	sdelay $0x4  }
0x15e: {  	s26 =	simm.s32 $0x10;
	[tilespmem:s22+$0x0] =	vst v0  }
0x15f: {  	v0 =	vld [tilespmem:s26+$0x1B5D0];
	_ =	sdelay $0x1  }
0x160: {  	s25 =	simm.s32 $0x80;
	s23 =	simm.s32 $0x0  }
.LBB3_5:
0x161: {  	p0 =	sne.s32 s25, $0x3C0  }
0x162: {  	s22 =	sadd.s32 $0x176, s22  }
0x163: {  	[tilespmem:s22+$0xFFFFFE9A] =	vst v0  }
0x164: {  	v0 =	vld [tilespmem:s26+$0x1B8D0];
	_ =	sdelay $0x2  }
0x165: {  	s24 =	sadd.s32 $0x176, s24  }
0x166: {  	s30 =	sand.u32 $0x1FFE, s24  }
0x167: {  	[tilespmem:s30+$0x1BDE0] =	vst v0  }
0x168: {  	v0 =	vld [tilespmem:$0x1B170]  }
0x169: {  	s23 =	sadd.s32 $0x1, s23;
	v3 =	vld [tilespmem:$0x1B180]  }
0x16a: {  	v4 =	vmov s23  }
0x16b: {  	v4 =	vand.u32 $0xF, v4  }
0x16c: {  	v4 =	vbroadcast v4, $0x0;
	_ =	sdelay $0x1  }
0x16d: {  	v0 =	vperm.xlane v0, v4;
	v3 =	vperm.xlane v3, v4;
	_ =	sdelay $0x1  }
0x16e: {  	v0 =	vmul.f32 v2, v0;
	v3 =	vmul.f32 v19, v3;
	_ =	sdelay $0x1  }
0x16f: {  	v0 =	vadd.f32 v3, v0;
	_ =	sdelay $0x1  }
0x170: {  	[tilespmem:s30+$0x1BDF0] =	vst v0  }
0x171: {  	v0 =	vld [tilespmem:s26+$0x1B7D0];
	_ =	sdelay $0x4  }
0x172: {  	[tilespmem:s22+$0xFFFFFEBC] =	vst v0  }
0x173: {  	v0 =	vld [tilespmem:$0x1B190]  }
0x174: {  	v3 =	vld [tilespmem:$0x1B1A0];
	_ =	sdelay $0x4  }
0x175: {  	v0 =	vperm.xlane v0, v4;
	v3 =	vperm.xlane v3, v4;
	_ =	sdelay $0x1  }
0x176: {  	v0 =	vmul.f32 v2, v0;
	v3 =	vmul.f32 v19, v3;
	_ =	sdelay $0x1  }
0x177: {  	v0 =	vadd.f32 v3, v0;
	_ =	sdelay $0x1  }
0x178: {  	s19 =	sadd.s32 $0x40, s19;
	[tilespmem:s22+$0xFFFFFEC4] =	vst v0  }
0x179: {  	v0 =	vld [tilespmem:s19+$0xFFFFFFE0];
	_ =	sdelay $0x4  }
0x17a: {  	[tilespmem:s22+$0xFFFFFF86] =	vst v0  }
0x17b: {  	v0 =	vld [tilespmem:s19+$0xFFFFFFF0];
	_ =	sdelay $0x4  }
0x17c: {  	[tilespmem:s22+$0xFFFFFF96] =	vst v0  }
0x17d: {  	v0 =	vld [tilespmem:s19+$0x0];
	_ =	sdelay $0x4  }
0x17e: {  	[tilespmem:s22+$0xFFFFFFA6] =	vst v0  }
0x17f: {  	v0 =	vld [tilespmem:s19+$0x10];
	_ =	sdelay $0x4  }
0x180: {  	[tilespmem:s22+$0xFFFFFFB6] =	vst v0  }
0x181: {  	v0 =	vld [tilespmem:s26+$0x1B6D0];
	_ =	sdelay $0x4  }
0x182: {  	[tilespmem:s22+$0xFFFFFFC6] =	vst v0  }
0x183: {  	v0 =	vld [tilespmem:$0x1B1B0]  }
0x184: {  	v3 =	vld [tilespmem:$0x1B1C0];
	_ =	sdelay $0x4  }
0x185: {  	v0 =	vperm.xlane v0, v4;
	v3 =	vperm.xlane v3, v4;
	_ =	sdelay $0x1  }
0x186: {  	v0 =	vmul.f32 v2, v0;
	v3 =	vmul.f32 v19, v3;
	_ =	sdelay $0x1  }
0x187: {  	v0 =	vadd.f32 v3, v0;
	_ =	sdelay $0x1  }
0x188: {  	s20 =	sadd.s32 $0x20, s20;
	[tilespmem:s22+$0xFFFFFFD6] =	vst v0  }
0x189: {  	v0 =	vld [tilespmem:s20+$0xFFFFFFF0];
	_ =	sdelay $0x4  }
0x18a: {  	[tilespmem:s22+$0xFFFFFFD8] =	vst v0  }
0x18b: {  	v0 =	vld [tilespmem:s20+$0x0];
	_ =	sdelay $0x4  }
0x18c: {  	s21 =	sadd.s32 $0x20, s21;
	[tilespmem:s22+$0xFFFFFFE8] =	vst v0  }
0x18d: {  	v0 =	vld [tilespmem:s21+$0xFFFFFFF8];
	_ =	sdelay $0x4  }
0x18e: {  	[tilespmem:s22+$0xFFFFFFF8] =	vst v0  }
0x18f: {  	v0 =	vld [tilespmem:s21+$0x0];
	_ =	sdelay $0x3  }
.Ltmp1:
0x190: {  	(pc) =	sbr.rel @p0 .LBB3_5-.Ltmp1, $3  }
0x191: {  	s26 =	sshra.s32 s25, $0x2;
	[tilespmem:s22+$0x0] =	vst v0  }
0x192: {  	v0 =	vld [tilespmem:s26+$0x1B5D0];
	_ =	sdelay $0x1  }
0x193: {  	s25 =	sadd.s32 $0x40, s25  }
0x194: {  	_ = 	snop  }
0x195: {  	s22 =	sadd.s32 $0x176, s22  }
0x196: {  	[tilespmem:s22+$0xFFFFFE9A] =	vst v0  }
0x197: {  	v0 =	vld [tilespmem:s26+$0x1B8D0];
	_ =	sdelay $0x2  }
0x198: {  	s24 =	sadd.s32 $0x176, s24  }
0x199: {  	s24 =	sand.u32 $0x1FFE, s24  }
0x19a: {  	[tilespmem:s24+$0x1BDE0] =	vst v0  }
0x19b: {  	v0 =	vld [tilespmem:$0x1B170]  }
0x19c: {  	s23 =	sadd.s32 $0x1, s23;
	v3 =	vld [tilespmem:$0x1B180]  }
0x19d: {  	v4 =	vmov s23  }
0x19e: {  	v4 =	vand.u32 $0xF, v4  }
0x19f: {  	v4 =	vbroadcast v4, $0x0;
	_ =	sdelay $0x1  }
0x1a0: {  	v0 =	vperm.xlane v0, v4;
	v3 =	vperm.xlane v3, v4;
	_ =	sdelay $0x1  }
0x1a1: {  	v0 =	vmul.f32 v2, v0;
	v3 =	vmul.f32 v19, v3;
	_ =	sdelay $0x1  }
0x1a2: {  	v0 =	vadd.f32 v3, v0;
	_ =	sdelay $0x1  }
0x1a3: {  	[tilespmem:s24+$0x1BDF0] =	vst v0  }
0x1a4: {  	v0 =	vld [tilespmem:s26+$0x1B7D0];
	_ =	sdelay $0x4  }
0x1a5: {  	[tilespmem:s22+$0xFFFFFEBC] =	vst v0  }
0x1a6: {  	v0 =	vld [tilespmem:$0x1B190]  }
0x1a7: {  	v3 =	vld [tilespmem:$0x1B1A0];
	_ =	sdelay $0x4  }
0x1a8: {  	v0 =	vperm.xlane v0, v4;
	v3 =	vperm.xlane v3, v4;
	_ =	sdelay $0x1  }
0x1a9: {  	v0 =	vmul.f32 v2, v0;
	v3 =	vmul.f32 v19, v3;
	_ =	sdelay $0x1  }
0x1aa: {  	v0 =	vadd.f32 v3, v0;
	_ =	sdelay $0x1  }
0x1ab: {  	s19 =	sadd.s32 $0x40, s19;
	[tilespmem:s22+$0xFFFFFEC4] =	vst v0  }
0x1ac: {  	v0 =	vld [tilespmem:s19+$0xFFFFFFE0];
	_ =	sdelay $0x4  }
0x1ad: {  	[tilespmem:s22+$0xFFFFFF86] =	vst v0  }
0x1ae: {  	v0 =	vld [tilespmem:s19+$0xFFFFFFF0];
	_ =	sdelay $0x4  }
0x1af: {  	[tilespmem:s22+$0xFFFFFF96] =	vst v0  }
0x1b0: {  	v0 =	vld [tilespmem:s19+$0x0];
	_ =	sdelay $0x4  }
0x1b1: {  	[tilespmem:s22+$0xFFFFFFA6] =	vst v0  }
0x1b2: {  	v0 =	vld [tilespmem:s19+$0x10];
	_ =	sdelay $0x4  }
0x1b3: {  	[tilespmem:s22+$0xFFFFFFB6] =	vst v0  }
0x1b4: {  	v0 =	vld [tilespmem:s26+$0x1B6D0];
	_ =	sdelay $0x4  }
0x1b5: {  	[tilespmem:s22+$0xFFFFFFC6] =	vst v0  }
0x1b6: {  	v0 =	vld [tilespmem:$0x1B1B0]  }
0x1b7: {  	v3 =	vld [tilespmem:$0x1B1C0];
	_ =	sdelay $0x4  }
0x1b8: {  	v0 =	vperm.xlane v0, v4;
	v3 =	vperm.xlane v3, v4;
	_ =	sdelay $0x1  }
0x1b9: {  	v0 =	vmul.f32 v2, v0;
	v3 =	vmul.f32 v19, v3;
	_ =	sdelay $0x1  }
0x1ba: {  	v0 =	vadd.f32 v3, v0;
	_ =	sdelay $0x1  }
0x1bb: {  	s30 =	sadd.s32 $0x20, s20;
	[tilespmem:s22+$0xFFFFFFD6] =	vst v0  }
0x1bc: {  	v0 =	vld [tilespmem:s30+$0xFFFFFFF0];
	_ =	sdelay $0x4  }
0x1bd: {  	[tilespmem:s22+$0xFFFFFFD8] =	vst v0  }
0x1be: {  	v0 =	vld [tilespmem:s30+$0x0];
	_ =	sdelay $0x4  }
0x1bf: {  	s31 =	sadd.s32 $0x20, s21;
	[tilespmem:s22+$0xFFFFFFE8] =	vst v0  }
0x1c0: {  	v0 =	vld [tilespmem:s31+$0xFFFFFFF8];
	_ =	sdelay $0x4  }
0x1c1: {  	[tilespmem:s22+$0xFFFFFFF8] =	vst v0  }
0x1c2: {  	v0 =	vld [tilespmem:s31+$0x0];
	_ =	sdelay $0x4  }
0x1c3: {  	[tilespmem:s22+$0x0] =	vst v0  }
0x1c4: {  	_ =	swait.ge [sflag:s8], $0x2000  }
0x1c5: {  	[sflag:s8] =	ssyncset.done $0x0  }
0x1c6: {  	[sflag:s8] =	ssyncadd.s32 $0xFFFFE000  }
0x1c7: {  	_ =	swait.ge [sflag:s8], $0x2000  }
0x1c8: {  	[sflag:s8] =	ssyncset.done $0x0  }
0x1c9: {  	[sflag:s8] =	ssyncadd.s32 $0xFFFFE000  }
0x1ca: {  	_ =	swait.ge [sflag:s8], $0x2000  }
0x1cb: {  	[sflag:s8] =	ssyncset.done $0x0  }
0x1cc: {  	[sflag:s8] =	ssyncadd.s32 $0xFFFFE000  }
0x1cd: {  	_ =	swait.ge [sflag:s8], $0x2000  }
0x1ce: {  	[sflag:s8] =	ssyncset.done $0x0  }
0x1cf: {  	[sflag:s8] =	ssyncadd.s32 $0xFFFFE000  }
0x1d0: {  	_ =	swait.ge [sflag:s8], $0x2000  }
0x1d1: {  	[sflag:s8] =	ssyncset.done $0x0  }
0x1d2: {  	[sflag:s8] =	ssyncadd.s32 $0xFFFFE000  }
0x1d3: {  	_ =	swait.ge [sflag:s8], $0x2000  }
0x1d4: {  	[sflag:s8] =	ssyncset.done $0x0  }
0x1d5: {  	[sflag:s8] =	ssyncadd.s32 $0xFFFFE000  }
0x1d6: {  	_ =	swait.ge [sflag:s8], $0x800  }
0x1d7: {  	s20 =	simm.s32 $0x790;
	s21 =	simm.s32 $0x325;
	[sflag:s8] =	ssyncset.done $0x0  }
0x1d8: {  	s19 =	simm.s32 $0x0;
	s22 =	simm.s32 $0x0;
	[sflag:s8] =	ssyncadd.s32 $0xFFFFF800  }
.LBB3_7:
0x1d9: {  	v0 =	vld [tilespmem:s20+$0x100]  }
0x1da: {  	v5 =	vld [tilespmem:s20+$0x110]  }
0x1db: {  	v3 =	vld [tilespmem:s21+$0x4]  }
0x1dc: {  	v7 =	vld [tilespmem:s20+$0x80]  }
0x1dd: {  	v9 =	vld [tilespmem:s20+$0x90]  }
0x1de: {  	v12 =	vld [tilespmem:s20+$0xA0]  }
0x1df: {  	v14 =	vld [tilespmem:s20+$0xB0]  }
0x1e0: {  	v13 =	vld [tilespmem:s20+$0x40]  }
0x1e1: {  	v18 =	vld [tilespmem:s20+$0x50]  }
0x1e2: {  	v20 =	vld [tilespmem:s20+$0x60]  }
0x1e3: {  	v4 =	vld [tilespmem:s21+$0x2]  }
0x1e4: {  	v23 =	vld [tilespmem:s20+$0x0]  }
0x1e5: {  	v24 =	vld [tilespmem:s20+$0x10]  }
0x1e6: {  	v6 =	vld [tilespmem:s21+$0x1]  }
0x1e7: {  	v8 =	vld [tilespmem:s21+$0x0]  }
0x1e8: {  	v10 =	vld [tilespmem:s21+$0xFFFFFFFF]  }
0x1e9: {  	v15 =	vld [tilespmem:s21+$0xFFFFFFFE]  }
0x1ea: {  	v17 =	vld [tilespmem:s21+$0xFFFFFFFD]  }
0x1eb: {  	v19 =	vld [tilespmem:s21+$0xFFFFFFFC]  }
0x1ec: {  	v21 =	vld [tilespmem:s21+$0xFFFFFFFB]  }
0x1ed: {  	v25 =	vld [tilespmem:s20+$0xFFFFFFC0];
	v34 =	vperm.xlane v4, v1  }
0x1ee: {  	v27 =	vld [tilespmem:s20+$0xFFFFFFD0];
	v3 =	vperm.xlane v3, v1;
	v11 =	vperm.xlane v8, v1  }
0x1ef: {  	v28 =	vld [tilespmem:s20+$0xFFFFFF80];
	v6 =	vperm.xlane v6, v1;
	v16 =	vperm.xlane v15, v1  }
0x1f0: {  	v29 =	vld [tilespmem:s20+$0xFFFFFF90];
	v15 =	vperm.xlane v10, v1;
	v22 =	vperm.xlane v19, v1  }
0x1f1: {  	v30 =	vld [tilespmem:s20+$0xFFFFFF40];
	v17 =	vperm.xlane v17, v1;
	v26 =	vperm.xlane v21, v1  }
0x1f2: {  	v31 =	vld [tilespmem:s20+$0xFFFFFF50];
	v4 =	vmul.f32 v3, v0;
	v8 =	vmul.f32 v34, v7  }
0x1f3: {  	v32 =	vld [tilespmem:s20+$0xFFFFFF00];
	v5 =	vmul.f32 v3, v5;
	v10 =	vmul.f32 v34, v9  }
0x1f4: {  	v33 =	vld [tilespmem:s20+$0xFFFFFF10];
	v19 =	vimm.f32 $0.0e+00;
	v7 =	vmul.f32 v34, v12;
	v13 =	vmul.f32 v6, v13  }
0x1f5: {  	v35 =	vld [tilespmem:s20+$0xFFFFFED0];
	s26 =	simm.s32 $0xA;
	v21 =	vimm.f32 $0.0e+00;
	v9 =	vmul.f32 v34, v14;
	v14 =	vmul.f32 v6, v18  }
0x1f6: {  	s24 =	smov.u32 s20;
	s25 =	simm.s32 $0x0;
	s30 =	smov.u32 s21;
	v34 =	vld [tilespmem:s20+$0xFFFFFEC0];
	v12 =	vmul.f32 v6, v20;
	v20 =	vimm.f32 $0.0e+00;
	v18 =	vimm.f32 $0.0e+00  }
.LBB3_8:
0x1f7: {  	p0 =	sne.s32 s26, $0x28;
	v0 =	vld [tilespmem:s24+$0xFFFFFEE0];
	v23 =	vmul.f32 v11, v23;
	v24 =	vmul.f32 v11, v24  }
0x1f8: {  	v25 =	vmul.f32 v15, v25;
	v27 =	vmul.f32 v15, v27;
	v36 =	vld [tilespmem:s24+$0xFFFFFEF0]  }
0x1f9: {  	v28 =	vmul.f32 v16, v28;
	v29 =	vmul.f32 v16, v29;
	v37 =	vld [tilespmem:s24+$0xFFFFFF20]  }
0x1fa: {  	v30 =	vmul.f32 v17, v30;
	v31 =	vmul.f32 v17, v31;
	v38 =	vld [tilespmem:s24+$0xFFFFFF30]  }
0x1fb: {  	v32 =	vmul.f32 v22, v32;
	v33 =	vmul.f32 v22, v33;
	v39 =	vld [tilespmem:s24+$0xFFFFFF60]  }
0x1fc: {  	v34 =	vmul.f32 v26, v34;
	v35 =	vmul.f32 v26, v35;
	v40 =	vld [tilespmem:s24+$0xFFFFFF70]  }
0x1fd: {  	v0 =	vmul.f32 v26, v0;
	v26 =	vmul.f32 v26, v36;
	v36 =	vld [tilespmem:s24+$0xFFFFFFA0]  }
0x1fe: {  	v19 =	vadd.f32 v34, v19;
	v21 =	vadd.f32 v35, v21;
	v34 =	vmul.f32 v22, v37;
	v35 =	vld [tilespmem:s24+$0xFFFFFFB0]  }
0x1ff: {  	s23 =	sadd.s32 s25, s19;
	s25 =	smov.u32 s26;
	v0 =	vadd.f32 v0, v20;
	v18 =	vadd.f32 v26, v18;
	v20 =	vmul.f32 v22, v38;
	v22 =	vld [tilespmem:s24+$0xFFFFFFE0]  }
0x200: {  	s31 =	sadd.s32 $0x8, s23;
	v19 =	vadd.f32 v32, v19;
	v21 =	vadd.f32 v33, v21;
	v26 =	vmul.f32 v17, v39;
	v32 =	vld [tilespmem:s24+$0xFFFFFFF0]  }
0x201: {  	s23 =	sand.u32 $0x6, s23;
	s31 =	sand.u32 $0xFF8, s31;
	v0 =	vadd.f32 v34, v0;
	v18 =	vadd.f32 v20, v18;
	v17 =	vmul.f32 v17, v40;
	v20 =	vld [tilespmem:s24+$0x20]  }
0x202: {  	s23 =	sor.u32 s23, s31;
	v19 =	vadd.f32 v30, v19;
	v21 =	vadd.f32 v31, v21;
	v30 =	vmul.f32 v16, v36;
	v31 =	vld [tilespmem:s24+$0x30]  }
0x203: {  	v0 =	vadd.f32 v26, v0;
	v17 =	vadd.f32 v17, v18;
	v16 =	vmul.f32 v16, v35;
	v18 =	vld [tilespmem:s23+$0x320]  }
0x204: {  	v19 =	vadd.f32 v28, v19;
	v21 =	vadd.f32 v29, v21;
	v22 =	vmul.f32 v15, v22;
	v26 =	vld [tilespmem:s24+$0x70]  }
0x205: {  	v0 =	vadd.f32 v30, v0;
	v16 =	vadd.f32 v16, v17;
	v15 =	vmul.f32 v15, v32;
	v17 =	vld [tilespmem:s24+$0xC0]  }
0x206: {  	v19 =	vadd.f32 v25, v19;
	v21 =	vadd.f32 v27, v21;
	v20 =	vmul.f32 v11, v20;
	v25 =	vld [tilespmem:s24+$0xD0]  }
0x207: {  	v0 =	vadd.f32 v22, v0;
	v15 =	vadd.f32 v15, v16;
	v11 =	vmul.f32 v11, v31;
	v16 =	vld [tilespmem:s24+$0xE0]  }
0x208: {  	v19 =	vadd.f32 v23, v19;
	v21 =	vadd.f32 v24, v21;
	v22 =	vld [tilespmem:s24+$0xF0];
	v18 =	vperm.xlane v18, v1  }
0x209: {  	v0 =	vadd.f32 v20, v0;
	v11 =	vadd.f32 v11, v15;
	v6 =	vmul.f32 v6, v26;
	v15 =	vld [tilespmem:s24+$0x120]  }
0x20a: {  	v13 =	vadd.f32 v13, v19;
	v14 =	vadd.f32 v14, v21;
	v17 =	vmul.f32 v18, v17;
	v19 =	vld [tilespmem:s24+$0x130];
	s24 =	sadd.s32 $0x280, s24  }
0x20b: {  	v0 =	vadd.f32 v12, v0;
	v32 =	vld [tilespmem:s24+$0x100];
	v6 =	vadd.f32 v6, v11;
	v11 =	vmul.f32 v18, v25  }
0x20c: {  	s30 =	sadd.s32 $0xA, s30;
	v8 =	vadd.f32 v8, v13;
	v10 =	vadd.f32 v10, v14;
	v12 =	vld [tilespmem:s24+$0x110];
	v13 =	vmul.f32 v18, v16  }
0x20d: {  	v0 =	vadd.f32 v7, v0;
	v14 =	vld [tilespmem:s30+$0x4];
	v6 =	vadd.f32 v9, v6;
	v7 =	vmul.f32 v18, v22  }
0x20e: {  	v8 =	vadd.f32 v17, v8;
	v10 =	vadd.f32 v11, v10;
	v9 =	vld [tilespmem:s24+$0x80];
	v11 =	vmul.f32 v3, v15  }
0x20f: {  	v0 =	vadd.f32 v13, v0;
	v34 =	vld [tilespmem:s24+$0x90];
	v6 =	vadd.f32 v7, v6;
	v3 =	vmul.f32 v3, v19  }
0x210: {  	v19 =	vadd.f32 v4, v8;
	v21 =	vadd.f32 v5, v10;
	v7 =	vld [tilespmem:s24+$0xA0]  }
0x211: {  	v20 =	vadd.f32 v11, v0;
	v35 =	vld [tilespmem:s24+$0xB0];
	v18 =	vadd.f32 v3, v6  }
0x212: {  	v0 =	vld [tilespmem:s24+$0x40]  }
0x213: {  	v36 =	vld [tilespmem:s24+$0x50]  }
0x214: {  	v37 =	vld [tilespmem:s24+$0x60]  }
0x215: {  	v3 =	vld [tilespmem:s30+$0x2]  }
0x216: {  	v23 =	vld [tilespmem:s24+$0x0]  }
0x217: {  	v24 =	vld [tilespmem:s24+$0x10]  }
0x218: {  	v4 =	vld [tilespmem:s30+$0x1]  }
0x219: {  	v25 =	vld [tilespmem:s24+$0xFFFFFFC0]  }
0x21a: {  	v5 =	vld [tilespmem:s30+$0x0]  }
0x21b: {  	v8 =	vld [tilespmem:s30+$0xFFFFFFFF]  }
0x21c: {  	v10 =	vld [tilespmem:s30+$0xFFFFFFFE]  }
0x21d: {  	v13 =	vld [tilespmem:s30+$0xFFFFFFFD]  }
0x21e: {  	v17 =	vld [tilespmem:s30+$0xFFFFFFFC]  }
0x21f: {  	v26 =	vld [tilespmem:s30+$0xFFFFFFFB]  }
0x220: {  	v38 =	vperm.xlane v3, v1;
	v3 =	vperm.xlane v14, v1;
	v27 =	vld [tilespmem:s24+$0xFFFFFFD0]  }
0x221: {  	v6 =	vperm.xlane v4, v1;
	v11 =	vperm.xlane v5, v1;
	v28 =	vld [tilespmem:s24+$0xFFFFFF80]  }
0x222: {  	v15 =	vperm.xlane v8, v1;
	v16 =	vperm.xlane v10, v1;
	v29 =	vld [tilespmem:s24+$0xFFFFFF90]  }
0x223: {  	v22 =	vperm.xlane v17, v1;
	v30 =	vld [tilespmem:s24+$0xFFFFFF40];
	v17 =	vperm.xlane v13, v1  }
.Ltmp2:
0x224: {  	v4 =	vmul.f32 v3, v32;
	v26 =	vperm.xlane v26, v1;
	v31 =	vld [tilespmem:s24+$0xFFFFFF50];
	(pc) =	sbr.rel @p0 .LBB3_8-.Ltmp2, $4  }
0x225: {  	v5 =	vmul.f32 v3, v12;
	v8 =	vmul.f32 v38, v9;
	v32 =	vld [tilespmem:s24+$0xFFFFFF00]  }
0x226: {  	v7 =	vmul.f32 v38, v7;
	v10 =	vmul.f32 v38, v34;
	v33 =	vld [tilespmem:s24+$0xFFFFFF10]  }
0x227: {  	v9 =	vmul.f32 v38, v35;
	v13 =	vmul.f32 v6, v0;
	v34 =	vld [tilespmem:s24+$0xFFFFFEC0]  }
0x228: {  	s26 =	sadd.s32 $0xA, s26;
	v14 =	vmul.f32 v6, v36;
	v12 =	vmul.f32 v6, v37;
	v35 =	vld [tilespmem:s24+$0xFFFFFED0]  }
0x229: {  	v0 =	vld [tilespmem:s24+$0xFFFFFEE0];
	v23 =	vmul.f32 v11, v23;
	v24 =	vmul.f32 v11, v24  }
0x22a: {  	v36 =	vld [tilespmem:s24+$0xFFFFFEF0];
	v25 =	vmul.f32 v15, v25;
	v27 =	vmul.f32 v15, v27  }
0x22b: {  	v37 =	vld [tilespmem:s24+$0xFFFFFF20];
	v28 =	vmul.f32 v16, v28;
	v29 =	vmul.f32 v16, v29  }
0x22c: {  	v38 =	vld [tilespmem:s24+$0xFFFFFF30];
	v30 =	vmul.f32 v17, v30;
	v34 =	vmul.f32 v26, v34  }
0x22d: {  	v31 =	vmul.f32 v17, v31;
	v39 =	vld [tilespmem:s24+$0xFFFFFF60];
	v35 =	vmul.f32 v26, v35  }
0x22e: {  	v40 =	vld [tilespmem:s24+$0xFFFFFF70];
	v32 =	vmul.f32 v22, v32;
	v0 =	vmul.f32 v26, v0;
	v19 =	vadd.f32 v34, v19  }
0x22f: {  	v61 =	vld [tilespmem:s24+$0xFFFFFFA0];
	v33 =	vmul.f32 v22, v33;
	v60 =	vmul.f32 v26, v36;
	v21 =	vadd.f32 v35, v21  }
0x230: {  	v63 =	vld [tilespmem:s24+$0xFFFFFFB0];
	v62 =	vmul.f32 v22, v37;
	v0 =	vadd.f32 v0, v20;
	v19 =	vadd.f32 v32, v19  }
0x231: {  	s23 =	sadd.s32 s25, s19;
	v37 =	vmul.f32 v22, v38;
	v38 =	vld [tilespmem:s24+$0xFFFFFFE0];
	v18 =	vadd.f32 v60, v18;
	v21 =	vadd.f32 v33, v21  }
0x232: {  	v42 =	vld [tilespmem:s24+$0xFFFFFFF0];
	s25 =	sadd.s32 $0x8, s23;
	v41 =	vmul.f32 v17, v39;
	v0 =	vadd.f32 v62, v0;
	v19 =	vadd.f32 v30, v19  }
0x233: {  	v44 =	vld [tilespmem:s24+$0x20];
	s23 =	sand.u32 $0x6, s23;
	s25 =	sand.u32 $0xFF8, s25;
	v43 =	vmul.f32 v17, v40;
	v18 =	vadd.f32 v37, v18;
	v21 =	vadd.f32 v31, v21  }
0x234: {  	v46 =	vld [tilespmem:s24+$0x30];
	s23 =	sor.u32 s23, s25;
	v45 =	vmul.f32 v16, v61;
	v0 =	vadd.f32 v41, v0;
	v19 =	vadd.f32 v28, v19  }
0x235: {  	v48 =	vld [tilespmem:s23+$0x320];
	v47 =	vmul.f32 v16, v63;
	v17 =	vadd.f32 v43, v18;
	v21 =	vadd.f32 v29, v21  }
0x236: {  	v49 =	vld [tilespmem:s24+$0x70];
	v22 =	vmul.f32 v15, v38;
	v0 =	vadd.f32 v45, v0;
	v19 =	vadd.f32 v25, v19  }
0x237: {  	v51 =	vld [tilespmem:s24+$0xC0];
	v50 =	vmul.f32 v15, v42;
	v16 =	vadd.f32 v47, v17;
	v21 =	vadd.f32 v27, v21  }
0x238: {  	v52 =	vld [tilespmem:s24+$0xD0];
	v20 =	vmul.f32 v11, v44;
	v0 =	vadd.f32 v22, v0;
	v19 =	vadd.f32 v23, v19  }
0x239: {  	v54 =	vld [tilespmem:s24+$0xE0];
	v53 =	vmul.f32 v11, v46;
	v15 =	vadd.f32 v50, v16;
	v21 =	vadd.f32 v24, v21  }
0x23a: {  	v55 =	vld [tilespmem:s24+$0xF0];
	v18 =	vperm.xlane v48, v1;
	v0 =	vadd.f32 v20, v0;
	v13 =	vadd.f32 v13, v19  }
0x23b: {  	v56 =	vld [tilespmem:s24+$0x120];
	v6 =	vmul.f32 v6, v49;
	v11 =	vadd.f32 v53, v15;
	v14 =	vadd.f32 v14, v21  }
0x23c: {  	v57 =	vld [tilespmem:s24+$0x130];
	v17 =	vmul.f32 v18, v51;
	v0 =	vadd.f32 v12, v0;
	v8 =	vadd.f32 v8, v13  }
0x23d: {  	v58 =	vmul.f32 v18, v52;
	v6 =	vadd.f32 v6, v11;
	v10 =	vadd.f32 v10, v14  }
0x23e: {  	v59 =	vmul.f32 v18, v54;
	v0 =	vadd.f32 v7, v0;
	v60 =	vadd.f32 v17, v8  }
0x23f: {  	s31 =	smul.u32 $0x5D8, s22;
	s22 =	sadd.s32 $0x1, s22;
	v61 =	vmul.f32 v18, v55;
	v6 =	vadd.f32 v9, v6;
	v62 =	vadd.f32 v58, v10  }
0x240: {  	p0 =	sne.s32 s22, $0x10;
	v63 =	vmul.f32 v3, v56;
	v0 =	vadd.f32 v59, v0;
	v4 =	vadd.f32 v4, v60  }
.Ltmp3:
0x241: {  	s23 =	sshra.s32 s31, $0x2;
	v3 =	vmul.f32 v3, v57;
	v6 =	vadd.f32 v61, v6;
	v5 =	vadd.f32 v5, v62;
	(pc) =	sbr.rel @p0 .LBB3_7-.Ltmp3, $4  }
0x242: {  	v0 =	vadd.f32 v63, v0;
	[tilespmem:s23+$0x1BDFC] =	vst v4  }
0x243: {  	v3 =	vadd.f32 v3, v6;
	[tilespmem:s23+$0x1BE0C] =	vst v5  }
0x244: {  	[tilespmem:s23+$0x1BE1C] =	vst v0  }
0x245: {  	s19 =	sadd.s32 $0x32, s19;
	s20 =	sadd.s32 $0xC80, s20;
	s21 =	sadd.s32 $0x32, s21;
	[tilespmem:s23+$0x1BE2C] =	vst v3  }
0x246: {  	_ =	swait.ge [sflag:s15], $0x2000  }
0x247: {  	[sflag:s15] =	ssyncset.done $0x0  }
0x248: {  	[sflag:s15] =	ssyncadd.s32 $0xFFFFE000  }
0x249: {  	_ =	swait.ge [sflag:s15], $0x2000  }
0x24a: {  	[sflag:s15] =	ssyncset.done $0x0  }
0x24b: {  	[sflag:s15] =	ssyncadd.s32 $0xFFFFE000  }
0x24c: {  	_ =	swait.ge [sflag:s15], $0x2000  }
0x24d: {  	[sflag:s15] =	ssyncset.done $0x0  }
0x24e: {  	[sflag:s15] =	ssyncadd.s32 $0xFFFFE000  }
0x24f: {  	_ =	swait.ge [sflag:s15], $0x2000  }
0x250: {  	[sflag:s15] =	ssyncset.done $0x0  }
0x251: {  	[sflag:s15] =	ssyncadd.s32 $0xFFFFE000  }
0x252: {  	_ =	swait.ge [sflag:s15], $0x2000  }
0x253: {  	[sflag:s15] =	ssyncset.done $0x0  }
0x254: {  	[sflag:s15] =	ssyncadd.s32 $0xFFFFE000  }
0x255: {  	_ =	swait.ge [sflag:s15], $0x2000  }
0x256: {  	[sflag:s15] =	ssyncset.done $0x0  }
0x257: {  	[sflag:s15] =	ssyncadd.s32 $0xFFFFE000  }
0x258: {  	s19 =	simm.s32 $0x0;
	_ =	swait.ge [sflag:s15], $0x800  }
0x259: {  	s24 =	simm.s32 $0x8;
	s26 =	simm.s32 $0xD910;
	[sflag:s15] =	ssyncset.done $0x0  }
0x25a: {  	s22 =	simm.s32 $0xD4A0;
	s25 =	simm.s32 $0xD170;
	[sflag:s15] =	ssyncadd.s32 $0xFFFFF800  }
.LBB3_11:
0x25b: {  	v4 =	vld [tilespmem:s26+$0xFFFFFF50]  }
0x25c: {  	v6 =	vld [tilespmem:s26+$0xFFFFFFF0]  }
0x25d: {  	v15 =	vld [tilespmem:s26+$0xC0]  }
0x25e: {  	v11 =	vld [tilespmem:s26+$0xF0]  }
0x25f: {  	v12 =	vld [tilespmem:s26+$0xD0]  }
0x260: {  	v8 =	vld [tilespmem:s26+$0xE0]  }
0x261: {  	v9 =	vld [tilespmem:s26+$0x70]  }
0x262: {  	v14 =	vld [tilespmem:s26+$0x40]  }
0x263: {  	v13 =	vld [tilespmem:s26+$0x30]  }
0x264: {  	v20 =	vld [tilespmem:s26+$0xFFFFFF40]  }
0x265: {  	v23 =	vld [tilespmem:s26+$0xFFFFFF60]  }
0x266: {  	v41 =	vld [tilespmem:s26+$0xFFFFFF70]  }
0x267: {  	v18 =	vld [tilespmem:s26+$0xFFFFFED0]  }
0x268: {  	s20 =	sadd.s32 $0xFFFFFFF8, s24;
	v21 =	vld [tilespmem:s26+$0xFFFFFEF0];
	v17 =	vmov s22  }
0x269: {  	s21 =	sand.u32 $0xFF8, s24;
	v19 =	vld [tilespmem:s26+$0xFFFFFF00];
	v16 =	vmov s25;
	s20 =	sand.u32 $0x6, s20  }
0x26a: {  	v26 =	vld [tilespmem:s26+$0xFFFFFF30];
	s20 =	sor.u32 s20, s21  }
0x26b: {  	v0 =	vld [tilespmem:s20+$0xD170]  }
0x26c: {  	s23 =	simm.s32 $0x0;
	v5 =	vld [tilespmem:s20+$0xD4A0]  }
0x26d: {  	v28 =	vld.idx.msk [tilespmem:v17+s23+$0x1 ss:$0x1], $0xffff  }
0x26e: {  	v30 =	vld.idx.msk [tilespmem:v16+s23+$0x0 ss:$0x1], $0xffff  }
0x26f: {  	v31 =	vld.idx.msk [tilespmem:v17+s23+$0x0 ss:$0x1], $0xffff  }
0x270: {  	v33 =	vld.idx.msk [tilespmem:v17+s23+$0x2 ss:$0x1], $0xffff  }
0x271: {  	v44 =	vld.idx.msk [tilespmem:v17+s23+$0x3 ss:$0x1], $0xffff;
	v0 =	vperm.xlane v0, v1  }
0x272: {  	v25 =	vld [tilespmem:s26+$0xFFFFFEC0];
	v32 =	vperm.xlane v5, v1  }
0x273: {  	v27 =	vld [tilespmem:s26+$0xFFFFFF10];
	v2 =	vmul.f32 v0, v15;
	v34 =	vperm.xlane v28, v1  }
0x274: {  	v22 =	vld [tilespmem:s26+$0xFFFFFEE0];
	v28 =	vperm.xlane v30, v1;
	v15 =	vmul.f32 v32, v15  }
0x275: {  	v29 =	vld [tilespmem:s26+$0xFFFFFF20];
	v31 =	vperm.xlane v31, v1;
	v46 =	vperm.xlane v33, v1  }
0x276: {  	v24 =	vld.idx.msk [tilespmem:v16+s23+$0x1 ss:$0x1], $0xffff;
	v44 =	vperm.xlane v44, v1;
	[tilespmem:$0x1FF80] =	vst v2;
	v2 =	vmul.f32 v0, v11  }
0x277: {  	v30 =	vld.idx.msk [tilespmem:v16+s23+$0x4 ss:$0x1], $0xffff;
	v63 =	vmul.f32 v28, v25;
	v35 =	vmul.f32 v31, v25  }
0x278: {  	v36 =	vld.idx.msk [tilespmem:v16+s23+$0x2 ss:$0x1], $0xffff;
	v37 =	vmul.f32 v34, v27;
	v47 =	vmul.f32 v34, v26  }
0x279: {  	v62 =	vld [tilespmem:s26+$0xA0];
	[tilespmem:$0x1FF90] =	vst v2;
	v2 =	vmul.f32 v0, v12;
	v0 =	vmul.f32 v0, v8  }
0x27a: {  	v58 =	vld [tilespmem:s26+$0xFFFFFF80];
	v51 =	vmul.f32 v31, v21;
	v52 =	vmul.f32 v34, v19  }
0x27b: {  	v55 =	vld [tilespmem:s26+$0xFFFFFFE0];
	v25 =	vimm.f32 $0.0e+00;
	v33 =	vmul.f32 v28, v21;
	[tilespmem:$0x1FFB0] =	vst v0;
	v0 =	vmul.f32 v32, v8  }
0x27c: {  	v40 =	vld.idx.msk [tilespmem:v16+s23+$0x3 ss:$0x1], $0xffff;
	v60 =	vmul.f32 v46, v20;
	v54 =	vadd.f32 v35, v25;
	v35 =	vperm.xlane v30, v1  }
0x27d: {  	v38 =	vld.idx.msk [tilespmem:v17+s23+$0x4 ss:$0x1], $0xffff;
	v30 =	vperm.xlane v36, v1;
	[tilespmem:$0x1FFC0] =	vst v0;
	v0 =	vperm.xlane v24, v1  }
0x27e: {  	v42 =	vld.idx.msk [tilespmem:v16+s23+$0x5 ss:$0x1], $0xffff;
	v12 =	vmul.f32 v32, v12;
	[tilespmem:$0x1FFA0] =	vst v2;
	v2 =	vmul.f32 v32, v11  }
0x27f: {  	v45 =	vld.idx.msk [tilespmem:v17+s23+$0x5 ss:$0x1], $0xffff;
	v59 =	vmul.f32 v30, v23;
	v61 =	vmul.f32 v0, v29  }
0x280: {  	v39 =	vld.idx.msk [tilespmem:v16+s23+$0x6 ss:$0x1], $0xffff;
	v24 =	vmul.f32 v0, v27;
	v27 =	vmul.f32 v31, v22  }
0x281: {  	v48 =	vld.idx.msk [tilespmem:v17+s23+$0x6 ss:$0x1], $0xffff;
	v32 =	vadd.f32 v63, v25;
	v22 =	vmul.f32 v28, v22;
	v43 =	vmul.f32 v0, v19  }
0x282: {  	v63 =	vmul.f32 v0, v26;
	v26 =	vmul.f32 v34, v29;
	v29 =	vld.idx.msk [tilespmem:v17+s23+$0x7 ss:$0x1], $0xffff  }
0x283: {  	v53 =	vld.idx.msk [tilespmem:v16+s23+$0x7 ss:$0x1], $0xffff;
	v34 =	vperm.xlane v42, v1;
	v27 =	vadd.f32 v27, v25;
	v42 =	vadd.f32 v43, v32  }
0x284: {  	v50 =	vld.idx.msk [tilespmem:v16+s23+$0x9 ss:$0x1], $0xffff;
	v0 =	vadd.f32 v22, v25;
	v22 =	vadd.f32 v51, v25;
	v32 =	vperm.xlane v45, v1  }
0x285: {  	v43 =	vld [tilespmem:s26+$0x0];
	v45 =	vmul.f32 v46, v41;
	v49 =	vadd.f32 v26, v27;
	v27 =	vmul.f32 v31, v18  }
0x286: {  	v36 =	vld [tilespmem:s26+$0xFFFFFF90];
	v57 =	vadd.f32 v52, v54;
	v31 =	vperm.xlane v40, v1;
	v26 =	vperm.xlane v48, v1  }
0x287: {  	v40 =	vld [tilespmem:s26+$0xFFFFFFC0];
	v48 =	vadd.f32 v33, v25;
	v47 =	vadd.f32 v47, v22;
	v21 =	vperm.xlane v29, v1  }
0x288: {  	v54 =	vld [tilespmem:s26+$0x10];
	v29 =	vmul.f32 v34, v13;
	v52 =	vadd.f32 v27, v25;
	v27 =	vmul.f32 v30, v20  }
0x289: {  	v19 =	vld.idx.msk [tilespmem:v17+s23+$0x9 ss:$0x1], $0xffff;
	v20 =	vperm.xlane v53, v1;
	v33 =	vmul.f32 v26, v14;
	v63 =	vadd.f32 v63, v48  }
0x28a: {  	v51 =	vld [tilespmem:s26+$0xFFFFFFA0];
	v48 =	vmul.f32 v34, v43;
	v56 =	vadd.f32 v27, v42;
	v27 =	vmul.f32 v21, v62  }
0x28b: {  	s30 =	simm.s32 $0x28;
	v53 =	vld [tilespmem:s26+$0xFFFFFFD0];
	v22 =	vmul.f32 v20, v62;
	v62 =	vadd.f32 v61, v0;
	v0 =	vmul.f32 v30, v41  }
0x28c: {  	s31 =	sadd.s32 $0x280, s26;
	s21 =	smov.u32 s26;
	s20 =	smov.u32 s24;
	[tilespmem:$0x1FFD0] =	vst v2;
	v41 =	vld [tilespmem:s26+$0xFFFFFFB0];
	v61 =	vmul.f32 v44, v58;
	v42 =	vmul.f32 v35, v40  }
.LBB3_12:
0x28d: {  	v23 =	vmul.f32 v46, v23;
	v46 =	vmul.f32 v46, v4  }
0x28e: {  	v7 =	vmul.f32 v35, v6;
	v18 =	vmul.f32 v28, v18;
	v57 =	vadd.f32 v60, v57  }
0x28f: {  	v0 =	vadd.f32 v0, v63;
	v43 =	vmul.f32 v32, v43;
	v45 =	vadd.f32 v45, v47  }
0x290: {  	v2 =	vld [tilespmem:s31+$0xFFFFFF50];
	v13 =	vmul.f32 v32, v13;
	v23 =	vadd.f32 v23, v49;
	v60 =	vmul.f32 v44, v51  }
0x291: {  	s20 =	sadd.s32 $0xA, s20;
	v3 =	vld [tilespmem:s31+$0xFFFFFFF0];
	v18 =	vadd.f32 v18, v25;
	v63 =	vperm.xlane v38, v1;
	v5 =	vmul.f32 v35, v53  }
0x292: {  	v8 =	vld [tilespmem:s21+$0xB0];
	s0 =	sadd.s32 $0xFFFFFFF8, s20;
	v57 =	vadd.f32 v61, v57;
	v49 =	vperm.xlane v39, v1;
	v39 =	vperm.xlane v50, v1  }
0x293: {  	v10 =	vld [tilespmem:s21+$0x20];
	s1 =	sand.u32 $0xFF8, s20;
	s0 =	sand.u32 $0x6, s0;
	v50 =	vadd.f32 v37, v52;
	v37 =	vmul.f32 v31, v58;
	v52 =	vmul.f32 v34, v54  }
0x294: {  	v47 =	vld [tilespmem:s21+$0x130];
	s0 =	sor.u32 s0, s1;
	v58 =	vadd.f32 v59, v62;
	v59 =	vmul.f32 v31, v41;
	v61 =	vmul.f32 v44, v36  }
0x295: {  	v38 =	vld [tilespmem:s0+$0xD170];
	v35 =	vmul.f32 v35, v55;
	v54 =	vmul.f32 v32, v54;
	v18 =	vadd.f32 v24, v18  }
0x296: {  	s23 =	smov.u32 s30;
	v24 =	vmul.f32 v30, v4;
	v30 =	vld [tilespmem:s21+$0x110];
	v23 =	vadd.f32 v60, v23;
	v60 =	vadd.f32 v46, v50  }
0x297: {  	s23 =	sshra.s32 s23, $0x2;
	v62 =	vmul.f32 v63, v55;
	v56 =	vadd.f32 v37, v56;
	v37 =	vld [tilespmem:s0+$0xD4A0];
	v28 =	vmul.f32 v63, v40  }
0x298: {  	v46 =	vmul.f32 v31, v51;
	v51 =	vld.idx.msk [tilespmem:v17+s23+$0x0 ss:$0x1], $0xffff;
	v25 =	vadd.f32 v61, v60;
	v61 =	vmul.f32 v63, v6  }
0x299: {  	v40 =	vld.idx.msk [tilespmem:v17+s23+$0x2 ss:$0x1], $0xffff;
	v6 =	vmov v3;
	v3 =	vmul.f32 v31, v36;
	v31 =	vmul.f32 v44, v41  }
0x29a: {  	v11 =	vmul.f32 v49, v9;
	v50 =	vmul.f32 v63, v53;
	v28 =	vadd.f32 v28, v57;
	v57 =	vld [tilespmem:s21+$0x60]  }
0x29b: {  	v55 =	vmul.f32 v34, v10;
	v18 =	vadd.f32 v24, v18;
	v24 =	vadd.f32 v31, v45;
	v31 =	vld [tilespmem:s21+$0x50]  }
0x29c: {  	v4 =	vmovc v2;
	v10 =	vmul.f32 v32, v10;
	v0 =	vadd.f32 v59, v0;
	v2 =	vadd.f32 v46, v58;
	v46 =	vld [tilespmem:s21+$0x80]  }
0x29d: {  	v9 =	vmul.f32 v26, v9;
	v23 =	vadd.f32 v62, v23;
	v3 =	vadd.f32 v3, v18;
	v18 =	vld [tilespmem:s21+$0x90]  }
0x29e: {  	v59 =	vld.idx.msk [tilespmem:v16+s23+$0x5 ss:$0x1], $0xffff;
	v60 =	vmul.f32 v20, v8;
	v42 =	vadd.f32 v42, v56;
	v25 =	vadd.f32 v50, v25  }
0x29f: {  	v32 =	vld.idx.msk [tilespmem:v17+s23+$0x5 ss:$0x1], $0xffff;
	v0 =	vadd.f32 v7, v0;
	v8 =	vmul.f32 v21, v8;
	v10 =	vadd.f32 v10, v23  }
0x2a0: {  	v63 =	vld [tilespmem:s21+$0x100];
	v25 =	vadd.f32 v54, v25;
	v23 =	vmul.f32 v26, v57;
	v26 =	vmul.f32 v26, v31  }
0x2a1: {  	v41 =	vld [tilespmem:s31+$0xFFFFFF70];
	v28 =	vadd.f32 v43, v28;
	v3 =	vadd.f32 v5, v3;
	v5 =	vmul.f32 v21, v46  }
0x2a2: {  	v44 =	vld.idx.msk [tilespmem:v17+s23+$0x3 ss:$0x1], $0xffff;
	v10 =	vadd.f32 v23, v10;
	v21 =	vmul.f32 v21, v18;
	v23 =	vadd.f32 v26, v25  }
0x2a3: {  	v36 =	vld [tilespmem:s31+$0xFFFFFF90];
	v0 =	vadd.f32 v29, v0;
	v7 =	vadd.f32 v61, v24  }
0x2a4: {  	v28 =	vadd.f32 v33, v28;
	v21 =	vadd.f32 v21, v23;
	v23 =	vld [tilespmem:$0x1FF90]  }
0x2a5: {  	v45 =	vld [tilespmem:s21+$0x120];
	v0 =	vadd.f32 v11, v0;
	v7 =	vadd.f32 v13, v7  }
0x2a6: {  	v19 =	vperm.xlane v19, v1;
	v62 =	vadd.f32 v48, v42;
	v29 =	vld [tilespmem:s31+$0xC0];
	v5 =	vadd.f32 v5, v28  }
0x2a7: {  	v14 =	vmul.f32 v49, v14;
	v48 =	vld [tilespmem:s31+$0xF0];
	v0 =	vadd.f32 v60, v0;
	v7 =	vadd.f32 v9, v7  }
0x2a8: {  	v2 =	vadd.f32 v35, v2;
	v43 =	vld [tilespmem:s31+$0x0];
	v5 =	vadd.f32 v15, v5;
	v15 =	vmul.f32 v19, v63  }
0x2a9: {  	v11 =	vld [tilespmem:s31+$0xD0];
	v7 =	vadd.f32 v8, v7;
	v8 =	vmul.f32 v39, v47;
	v0 =	vadd.f32 v23, v0  }
0x2aa: {  	v2 =	vadd.f32 v55, v2;
	v54 =	vld.idx.msk [tilespmem:v16+s23+$0x2 ss:$0x1], $0xffff;
	v24 =	vmul.f32 v49, v57;
	v12 =	vadd.f32 v12, v21  }
0x2ab: {  	v28 =	vld [tilespmem:$0x1FFB0];
	v33 =	vadd.f32 v8, v0;
	v0 =	vadd.f32 v15, v5;
	v5 =	vmul.f32 v19, v30  }
0x2ac: {  	v13 =	vadd.f32 v14, v62;
	v3 =	vadd.f32 v52, v3;
	v31 =	vmul.f32 v49, v31;
	v25 =	vld [tilespmem:$0x1FFA0]  }
0x2ad: {  	v2 =	vadd.f32 v24, v2;
	v5 =	vadd.f32 v5, v12;
	v12 =	vld [tilespmem:$0x1FF80]  }
0x2ae: {  	v14 =	vmul.f32 v20, v46;
	v20 =	vmul.f32 v20, v18;
	v3 =	vadd.f32 v31, v3;
	v15 =	vld [tilespmem:$0x1FFC0]  }
0x2af: {  	v18 =	vld [tilespmem:$0x1FFD0];
	v2 =	vadd.f32 v22, v2  }
0x2b0: {  	v55 =	vld.idx.msk [tilespmem:v16+s23+$0x3 ss:$0x1], $0xffff;
	v46 =	vperm.xlane v40, v1;
	v50 =	vadd.f32 v14, v13;
	v3 =	vadd.f32 v20, v3  }
0x2b1: {  	v60 =	vld.idx.msk [tilespmem:v17+s23+$0x6 ss:$0x1], $0xffff;
	v10 =	vadd.f32 v27, v10;
	v2 =	vadd.f32 v28, v2;
	v28 =	vperm.xlane v38, v1  }
0x2b2: {  	v62 =	vld.idx.msk [tilespmem:v17+s23+$0x7 ss:$0x1], $0xffff;
	v3 =	vadd.f32 v25, v3;
	v25 =	vmul.f32 v39, v63;
	v12 =	vadd.f32 v12, v50  }
0x2b3: {  	v24 =	vld [tilespmem:s31+$0xE0];
	v26 =	vmul.f32 v39, v45;
	v10 =	vadd.f32 v15, v10;
	v15 =	vmul.f32 v19, v45  }
0x2b4: {  	v40 =	vld [tilespmem:s31+$0xFFFFFFC0];
	v7 =	vadd.f32 v18, v7;
	v31 =	vadd.f32 v25, v12;
	v12 =	vmul.f32 v28, v29  }
0x2b5: {  	v2 =	vadd.f32 v26, v2;
	v26 =	vld.idx.msk [tilespmem:v16+s23+$0x0 ss:$0x1], $0xffff;
	v10 =	vadd.f32 v15, v10;
	v15 =	vmul.f32 v19, v47  }
0x2b6: {  	v9 =	vld [tilespmem:s31+$0x70];
	[tilespmem:$0x1FF80] =	vst v12;
	v12 =	vmul.f32 v28, v48  }
0x2b7: {  	v19 =	vld [tilespmem:s31+$0xFFFFFEC0];
	v7 =	vadd.f32 v15, v7;
	v15 =	vmul.f32 v28, v11  }
0x2b8: {  	v28 =	vmul.f32 v28, v24;
	[tilespmem:$0x1FF90] =	vst v12;
	v12 =	vld.idx.msk [tilespmem:v16+s23+$0x1 ss:$0x1], $0xffff  }
0x2b9: {  	v52 =	vperm.xlane v37, v1;
	[tilespmem:$0x1FFA0] =	vst v15;
	v15 =	vld.idx.msk [tilespmem:v17+s23+$0x1 ss:$0x1], $0xffff  }
0x2ba: {  	v21 =	vmul.f32 v39, v30;
	[tilespmem:$0x1FFB0] =	vst v28;
	v28 =	vperm.xlane v26, v1;
	v26 =	vld.idx.msk [tilespmem:v16+s23+$0x4 ss:$0x1], $0xffff  }
0x2bb: {  	v34 =	vperm.xlane v59, v1;
	v32 =	vperm.xlane v32, v1;
	v27 =	vld [tilespmem:s31+$0xFFFFFF40]  }
0x2bc: {  	v44 =	vperm.xlane v44, v1;
	v25 =	vadd.f32 v21, v3;
	v3 =	vld [tilespmem:s31+$0xFFFFFF10];
	v24 =	vmul.f32 v52, v24  }
0x2bd: {  	v21 =	vld [tilespmem:s31+$0xFFFFFF20];
	v58 =	vmul.f32 v28, v19;
	v53 =	vperm.xlane v12, v1  }
0x2be: {  	v30 =	vld [tilespmem:s31+$0xFFFFFF30];
	v12 =	vmul.f32 v52, v11;
	v11 =	vperm.xlane v15, v1  }
0x2bf: {  	v14 =	vld [tilespmem:s31+$0x40];
	v15 =	vmul.f32 v52, v48;
	v35 =	vperm.xlane v26, v1  }
0x2c0: {  	v20 =	vld [tilespmem:s31+$0xFFFFFF00];
	v26 =	vperm.xlane v60, v1;
	v60 =	vmul.f32 v46, v27  }
0x2c1: {  	v22 =	vld [tilespmem:s31+$0xFFFFFEE0];
	[tilespmem:$0x1FFD0] =	vst v15;
	v15 =	vmul.f32 v52, v29;
	v29 =	vperm.xlane v51, v1  }
0x2c2: {  	v23 =	vld [tilespmem:s31+$0xFFFFFF60];
	[tilespmem:$0x1FFC0] =	vst v24;
	v61 =	vmul.f32 v53, v21;
	v24 =	vmul.f32 v53, v3  }
0x2c3: {  	v8 =	vld [tilespmem:s31+$0xFFFFFEF0];
	v37 =	vmul.f32 v11, v3;
	v45 =	vmul.f32 v11, v30  }
0x2c4: {  	v13 =	vld [tilespmem:s31+$0x30];
	v48 =	vmul.f32 v53, v30;
	v21 =	vmul.f32 v11, v21  }
0x2c5: {  	v18 =	vld [tilespmem:s31+$0xFFFFFED0];
	v11 =	vmul.f32 v11, v20;
	v30 =	vperm.xlane v54, v1  }
0x2c6: {  	v38 =	vld.idx.msk [tilespmem:v17+s23+$0x4 ss:$0x1], $0xffff;
	v3 =	vadd.f32 v58, v31;
	v42 =	vmul.f32 v35, v40;
	v31 =	vmul.f32 v29, v22  }
0x2c7: {  	v39 =	vld.idx.msk [tilespmem:v16+s23+$0x6 ss:$0x1], $0xffff;
	v19 =	vmul.f32 v29, v19;
	v22 =	vmul.f32 v28, v22  }
0x2c8: {  	v50 =	vld.idx.msk [tilespmem:v16+s23+$0x9 ss:$0x1], $0xffff;
	v63 =	vmul.f32 v29, v8;
	v59 =	vmul.f32 v30, v23;
	v10 =	vadd.f32 v31, v10  }
0x2c9: {  	v58 =	vld [tilespmem:s31+$0xFFFFFF80];
	v0 =	vadd.f32 v19, v0;
	v19 =	vmul.f32 v53, v20;
	v31 =	vperm.xlane v55, v1  }
0x2ca: {  	v20 =	vld.idx.msk [tilespmem:v16+s23+$0x7 ss:$0x1], $0xffff;
	v2 =	vadd.f32 v22, v2;
	v49 =	vadd.f32 v21, v10;
	v10 =	vmul.f32 v29, v18  }
0x2cb: {  	v51 =	vld [tilespmem:s31+$0xFFFFFFA0];
	v7 =	vadd.f32 v63, v7;
	v57 =	vadd.f32 v11, v0;
	v0 =	vmul.f32 v28, v8  }
0x2cc: {  	p0 =	sne.s32 s30, $0xA0;
	v8 =	vmul.f32 v30, v27;
	v21 =	vperm.xlane v62, v1;
	v52 =	vadd.f32 v10, v5;
	v5 =	vld [tilespmem:s31+$0xA0]  }
.Ltmp4:
0x2cd: {  	v54 =	vld [tilespmem:s31+$0x10];
	v29 =	vmul.f32 v34, v13;
	v47 =	vadd.f32 v45, v7;
	v45 =	vmul.f32 v46, v41;
	(pc) =	sbr.rel @p0 .LBB3_12-.Ltmp4, $4  }
0x2ce: {  	v53 =	vld [tilespmem:s31+$0xFFFFFFD0];
	v62 =	vadd.f32 v61, v2;
	v61 =	vmul.f32 v44, v58;
	v0 =	vadd.f32 v0, v33  }
0x2cf: {  	v55 =	vld [tilespmem:s31+$0xFFFFFFE0];
	v3 =	vadd.f32 v19, v3;
	v33 =	vmul.f32 v26, v14;
	v20 =	vperm.xlane v20, v1  }
0x2d0: {  	s21 =	smov.u32 s31;
	v19 =	vld.idx.msk [tilespmem:v17+s23+$0x9 ss:$0x1], $0xffff;
	v63 =	vadd.f32 v48, v0;
	v48 =	vmul.f32 v34, v43;
	v0 =	vmul.f32 v30, v41  }
0x2d1: {  	s30 =	sadd.s32 $0x28, s30;
	v56 =	vadd.f32 v8, v3;
	s31 =	sadd.s32 $0x280, s31;
	v41 =	vld [tilespmem:s21+$0xFFFFFFB0];
	v27 =	vmul.f32 v21, v5;
	v22 =	vmul.f32 v20, v5  }
0x2d2: {  	v2 =	vmul.f32 v46, v23  }
0x2d3: {  	v3 =	vmul.f32 v44, v51;
	v7 =	vperm.xlane v38, v1  }
0x2d4: {  	v5 =	vadd.f32 v60, v57;
	v10 =	vperm.xlane v39, v1;
	v11 =	vperm.xlane v50, v1  }
0x2d5: {  	v0 =	vadd.f32 v0, v63;
	v16 =	vmul.f32 v31, v58;
	v17 =	vmul.f32 v34, v54  }
0x2d6: {  	v23 =	vadd.f32 v37, v52;
	v63 =	vmul.f32 v46, v4;
	v50 =	vmul.f32 v44, v36  }
0x2d7: {  	v39 =	vadd.f32 v59, v62;
	v18 =	vmul.f32 v28, v18;
	v62 =	vmul.f32 v31, v51  }
0x2d8: {  	v46 =	vmul.f32 v32, v43;
	v45 =	vadd.f32 v45, v47;
	v13 =	vmul.f32 v32, v13  }
0x2d9: {  	v8 =	vmul.f32 v35, v53;
	v2 =	vadd.f32 v2, v49;
	v38 =	vmul.f32 v7, v55  }
0x2da: {  	v49 =	vmul.f32 v35, v6;
	v16 =	vadd.f32 v16, v56;
	v56 =	vmul.f32 v10, v9  }
0x2db: {  	v60 =	vld [tilespmem:s21+$0x20];
	v5 =	vadd.f32 v61, v5;
	v61 =	vmul.f32 v7, v40;
	v35 =	vmul.f32 v35, v55  }
0x2dc: {  	v18 =	vadd.f32 v18, v25;
	v55 =	vmul.f32 v7, v6;
	v14 =	vmul.f32 v10, v14  }
0x2dd: {  	v37 =	vmul.f32 v31, v41;
	v2 =	vadd.f32 v3, v2;
	v3 =	vadd.f32 v63, v23  }
0x2de: {  	v63 =	vmul.f32 v7, v53;
	v5 =	vadd.f32 v61, v5;
	v16 =	vadd.f32 v42, v16  }
0x2df: {  	v58 =	vmul.f32 v44, v41;
	v18 =	vadd.f32 v24, v18;
	v61 =	vmul.f32 v31, v36  }
0x2e0: {  	v57 =	vld [tilespmem:s21+$0xB0];
	v23 =	vadd.f32 v62, v39;
	v51 =	vmul.f32 v34, v60;
	v3 =	vadd.f32 v50, v3  }
0x2e1: {  	v59 =	vmul.f32 v32, v60;
	v5 =	vadd.f32 v46, v5;
	v2 =	vadd.f32 v38, v2  }
0x2e2: {  	v60 =	vmul.f32 v30, v4;
	v16 =	vadd.f32 v48, v16;
	v0 =	vadd.f32 v37, v0  }
0x2e3: {  	v53 =	vld [tilespmem:s21+$0x60];
	v36 =	vmul.f32 v26, v9;
	v7 =	vadd.f32 v58, v45;
	v23 =	vadd.f32 v35, v23  }
0x2e4: {  	v44 =	vld [tilespmem:s21+$0x100];
	v50 =	vmul.f32 v32, v54;
	v4 =	vadd.f32 v60, v18;
	v3 =	vadd.f32 v63, v3  }
0x2e5: {  	v54 =	vmul.f32 v20, v57;
	v32 =	vld [tilespmem:s21+$0x80];
	v2 =	vadd.f32 v59, v2;
	v0 =	vadd.f32 v49, v0  }
0x2e6: {  	v37 =	vld [tilespmem:s21+$0x90];
	v38 =	vmul.f32 v21, v57;
	v6 =	vadd.f32 v55, v7;
	v23 =	vadd.f32 v51, v23  }
0x2e7: {  	v45 =	vld [tilespmem:s21+$0x110];
	v5 =	vadd.f32 v33, v5;
	v39 =	vadd.f32 v14, v16;
	v49 =	vperm.xlane v19, v1  }
0x2e8: {  	v63 =	vld [tilespmem:s21+$0x50];
	v62 =	vmul.f32 v26, v53;
	v4 =	vadd.f32 v61, v4;
	v3 =	vadd.f32 v50, v3  }
0x2e9: {  	v46 =	vld [tilespmem:s21+$0x120];
	v35 =	vmul.f32 v10, v53;
	v0 =	vadd.f32 v29, v0;
	v6 =	vadd.f32 v13, v6  }
0x2ea: {  	v48 =	vld [tilespmem:s21+$0x130];
	v52 =	vmul.f32 v11, v44;
	v4 =	vadd.f32 v8, v4;
	v2 =	vadd.f32 v62, v2  }
0x2eb: {  	v57 =	vld [tilespmem:$0x1FF90];
	v41 =	vadd.f32 v35, v23;
	v42 =	vmul.f32 v20, v32;
	v0 =	vadd.f32 v56, v0  }
0x2ec: {  	v51 =	vld [tilespmem:$0x1FF80];
	v7 =	vmul.f32 v21, v32;
	v6 =	vadd.f32 v36, v6;
	v4 =	vadd.f32 v17, v4  }
0x2ed: {  	v60 =	vld [tilespmem:$0x1FFC0];
	v40 =	vmul.f32 v26, v63;
	v13 =	vadd.f32 v42, v39;
	v2 =	vadd.f32 v27, v2  }
0x2ee: {  	v62 =	vld [tilespmem:$0x1FFD0];
	v10 =	vmul.f32 v10, v63;
	v5 =	vadd.f32 v7, v5;
	v8 =	vadd.f32 v22, v41  }
0x2ef: {  	v58 =	vmul.f32 v49, v44;
	v56 =	vld [tilespmem:$0x1FFB0];
	v0 =	vadd.f32 v54, v0;
	v6 =	vadd.f32 v38, v6  }
0x2f0: {  	v47 =	vmul.f32 v20, v37;
	v4 =	vadd.f32 v10, v4;
	v3 =	vadd.f32 v40, v3  }
0x2f1: {  	v53 =	vmul.f32 v11, v45;
	v10 =	vadd.f32 v51, v13;
	v5 =	vadd.f32 v15, v5  }
0x2f2: {  	s0 =	smul.u32 $0x5D8, s19;
	v55 =	vmul.f32 v11, v46;
	v54 =	vld [tilespmem:$0x1FFA0];
	v2 =	vadd.f32 v60, v2;
	v0 =	vadd.f32 v57, v0  }
0x2f3: {  	v11 =	vmul.f32 v11, v48;
	v6 =	vadd.f32 v62, v6;
	v10 =	vadd.f32 v52, v10  }
0x2f4: {  	s0 =	sshra.s32 s0, $0x2;
	v50 =	vmul.f32 v21, v37;
	v8 =	vadd.f32 v56, v8;
	v59 =	vadd.f32 v58, v5  }
0x2f5: {  	v61 =	vmul.f32 v49, v46;
	v4 =	vadd.f32 v47, v4;
	v0 =	vadd.f32 v11, v0;
	[tilespmem:s0+$0x1BE3C] =	vst v10  }
0x2f6: {  	s19 =	sadd.s32 $0x1, s19;
	v63 =	vmul.f32 v49, v48;
	v3 =	vadd.f32 v50, v3;
	v8 =	vadd.f32 v55, v8;
	[tilespmem:s0+$0x1BE7C] =	vst v59  }
0x2f7: {  	p0 =	sne.s32 s19, $0x10;
	v4 =	vadd.f32 v54, v4;
	[tilespmem:s0+$0x1BE6C] =	vst v0;
	v0 =	vadd.f32 v61, v2  }
.Ltmp5:
0x2f8: {  	v9 =	vmul.f32 v49, v45;
	v3 =	vadd.f32 v12, v3;
	v2 =	vadd.f32 v63, v6;
	[tilespmem:s0+$0x1BE5C] =	vst v8;
	(pc) =	sbr.rel @p0 .LBB3_11-.Ltmp5, $4  }
0x2f9: {  	v4 =	vadd.f32 v53, v4;
	[tilespmem:s0+$0x1BE9C] =	vst v0  }
0x2fa: {  	v3 =	vadd.f32 v9, v3;
	[tilespmem:s0+$0x1BEAC] =	vst v2  }
0x2fb: {  	s24 =	sadd.s32 $0x32, s24;
	[tilespmem:s0+$0x1BE4C] =	vst v4  }
0x2fc: {  	s26 =	sadd.s32 $0xC80, s26;
	s22 =	sadd.s32 $0x32, s22;
	s25 =	sadd.s32 $0x32, s25;
	[tilespmem:s0+$0x1BE8C] =	vst v3  }
0x2fd: {  	s0 =	smul.u32 $0x176, s18  }
0x2fe: {  	s1 =	rddreg [dreg:$0x17];
	s17 =	sadd.s32 $0x1, s17  }
0x2ff: {  	s30 =	simm.s32 $0x0;
	p0 =	sne.s32 s17, $0x20;
	s0 =	sshrl.u32 s0, $0x3  }
.Ltmp6:
0x300: {  	s31 =	simm.s32 $0x1BDD0;
	s0 =	sadd.s32 s1, s0;
	(pc) =	sbr.rel @p0 .LBB3_2-.Ltmp6, $4  }
0x301: {  	[hbm4b:s0+s30] =	stream.linear.scatter [tilespmem:s31], [sflag:$0x5], $0x1760, $0x38;
	[tilespmem:$0x1D530] =	vst v63  }
0x302: {  	_ =	swait.ge [sflag:s16], $0x1760  }
0x303: {  	[sflag:s16] =	ssyncset.done $0x0;
	v2 =	vld [tilespmem:$0x1FFE0]  }
0x304: {  	v19 =	vld [tilespmem:$0x1FFF0];
	[sflag:s16] =	ssyncadd.s32 $0xFFFFE8A0  }
0x305: {  	s1 =	sld [smem:$0x7FD];
	_ =	sdelay $0x2  }
0x306: {  	s0 =	rddreg [dreg:$0x1f];
	s1 =	sadd.s32 $0x1, s1  }
0x307: {  	p0 =	sne.s32 s1, s0  }
.Ltmp7:
0x308: {  	_ = 	snop;
	(pc) =	sbr.rel @p0 .LBB3_1-.Ltmp7, $1  }
0x309: {  	_ =	sdelay $0x3  }
0x30a: {  	_ =	sfence.sel $0x180000  }
0x30b: {  	[bflag:$0x0] =	sbarrier.arrive $0xFFFF  }
0x30c: {  	_ =	strace $0x90000047  }
0x30d: {  	s0 =	stileid.u32;
	[bflag:$0x2] =	sbarrier.arrive $0xFFFF  }
0x30e: {  	p0 =	sne.s32 s0, $0x0;
	s0 =	rddreg [dreg:$0x16]  }
0x30f: {  	s0 =	sadd.s32 @!p0 $0x100000, s0  }
0x310: {  	[sflag:s0] =	ssyncadd.tile.s32 @!p0 $0x1;
	_ =	shalt  }
.Lfunc_end3:
_tile_overlayer_lowered:
.L_overlay_start_3:
0x311: {  	(tag) =	ssettag $0x3  }
0x312: {  	s0 =	rddreg [dreg:$0x0];
	s2 =	stileid.u32  }
0x313: {  	s1 =	rddreg [dreg:$0x1];
	p0 =	sne.s32 s2, $0x0  }
0x314: {  	s3 =	rddreg [dreg:$0x2];
	[bflag:$0x3] =	sbarrier.arrive $0xFFFF;
	s2 =	simm.s32 @!p0 $0x1C06  }
0x315: {  	[timem:s3], [sflag:s2] =	dma.local @!p0 [hbm:s0], s1  }
0x316: {  	s0 =	simm.s32 @!p0 $0x6  }
0x317: {  	_ =	swait.ge @!p0 [sflag:s0], s1  }
0x318: {  	s1 =	ssub.s32 @!p0 $0x0, s1;
	[sflag:s0] =	ssyncset.done @!p0 $0x0  }
0x319: {  	[sflag:s0] =	ssyncadd.s32 @!p0 s1  }
0x31a: {  	[bflag:$0x3] =	sbarrier.arrive $0xFFFF  }
0x31b: {  	_ =	shalt  }

</sc_bundles>
